<compile_context>
chip_gen: v7x
topology: tpu7x:2x2x1
jax: 0.10.2.dev20260603
libtpu: 0.0.44.dev20260713+nightly
codegen_flags: <defaults>
</compile_context>

<pallas_src>
import functools

import jax
import jax.numpy as jnp
from jax import lax
from jax.experimental import pallas as pl
from jax.experimental.pallas import tpu as pltpu
from jax.experimental.pallas import tpu_sc as plsc

NUM_TOKENS = 8192
MASK_ID = 3
BS, C, N = 4, 384, 1024

L = 16
NC, NS = 2, 16
NW = NC * NS
ROWS = BS * C
RPW = ROWS // NW
WPB = NW // BS
NPT = N // NS
CCHUNKS = C // L
ZROWS = 8
NZ = RPW // ZROWS
HW = 2048
NH = NUM_TOKENS // HW
HSH = 11
SCREEN = 8


def _all_lanes(x):
    return plsc.all_reduce_population_count(x)[0] == L


def _no_lanes(x):
    return plsc.all_reduce_population_count(x)[0] == 0


def _sc_body(in_hbm, ds_hbm, out_hbm,
             in_v, ds_v, dsrow_v, buf0, buf1, w_local, cnt_v, w_all,
             cnt_all, ns_v, w_sh, cnt_sh, sem0, sem1, dsem, isem):
    cid = lax.axis_index("c")
    sid = lax.axis_index("s")
    wid = cid * NS + sid
    iota = lax.iota(jnp.int32, L)

    in_cp = pltpu.async_copy(in_hbm, in_v.at[:, pl.ds(0, C)], isem)
    ds_cp = pltpu.async_copy(ds_hbm.at[pl.ds(sid * NPT, NPT)], ds_v, dsem)

    row_base = wid * RPW
    b = wid // WPB
    base_c = (wid % WPB) * RPW
    ones_vec = jnp.ones((L,), jnp.float32)
    zero_vec = jnp.zeros((L,), jnp.float32)
    punch_mask = iota < ZROWS
    bufs = (buf0, buf1)
    sems = (sem0, sem1)

    def _holes(k):
        return in_v[b, pl.ds(base_c + k * ZROWS, L)]

    def _punch(q, val, j):
        k, h = q // NH, q % NH
        toks = _holes(k)
        msk = punch_mask & ((toks >> HSH) == h)
        plsc.store_scatter(bufs[j], [iota, toks & (HW - 1)], val, mask=msk)

    def _fire(q, j):
        k, h = q // NH, q % NH
        _punch(q, ones_vec, j)
        dst = out_hbm.at[pl.ds(row_base + k * ZROWS, ZROWS),
                         pl.ds(h * HW, HW)]
        return pltpu.async_copy(bufs[j], dst, sems[j])

    def _zloop0(i, _):
        for r in range(ZROWS):
            buf0[r, pl.ds(i * L, L)] = jnp.zeros((L,), jnp.float32)
        return 0
    lax.fori_loop(0, HW // L, _zloop0, 0)
    in_cp.wait()
    _fire(0, 0)

    def _zloop1(i, _):
        for r in range(ZROWS):
            buf1[r, pl.ds(i * L, L)] = jnp.zeros((L,), jnp.float32)
        return 0
    lax.fori_loop(0, HW // L, _zloop1, 0)
    _fire(1, 1)

    ds_cp.wait()
    in0 = [in_v[bb, pl.ds(0, L)] for bb in range(BS)]
    wild0 = [v == MASK_ID for v in in0]

    def _gbody(g, cnts):
        nvec = g * L + iota
        cands = [iota == iota for _ in range(BS)]
        for t in range(SCREEN):
            colv = plsc.load_gather(ds_v, [nvec, jnp.full((L,), t, jnp.int32)])
            for bb in range(BS):
                tok_t = in0[bb][t]
                cands[bb] = cands[bb] & ((colv == tok_t) | (tok_t == MASK_ID))
        comb = cands[0]
        for bb in range(1, BS):
            comb = comb | cands[bb]

        def _slow(g=g, cnts=cnts):
            def _lbody(l, inner):
                vecs, cnts = inner
                n = g * L + l
                ds0 = ds_v[n, pl.ds(0, L)]
                new_vecs, new_cnts = [], []
                for bb in range(BS):
                    ok0 = (ds0 == in0[bb]) | wild0[bb]

                    def _full(bb=bb, n=n, ok0=ok0):
                        def _cbody(t, acc):
                            dsv = ds_v[n, pl.ds(t * L, L)]
                            inv = in_v[bb, pl.ds(t * L, L)]
                            return acc & ((dsv == inv) | (inv == MASK_ID))
                        acc = lax.fori_loop(1, CCHUNKS, _cbody, ok0)
                        return jnp.where(_all_lanes(acc), jnp.float32(1.0),
                                         jnp.float32(0.0))

                    flag = lax.cond(_all_lanes(ok0), _full,
                                    lambda: jnp.float32(0.0))
                    new_vecs.append(jnp.where(iota == l, flag, vecs[bb]))
                    new_cnts.append(cnts[bb] + flag)
                return tuple(new_vecs), tuple(new_cnts)

            vecs, cnts2 = lax.fori_loop(
                0, L, _lbody, (tuple(zero_vec for _ in range(BS)), cnts))
            return vecs + cnts2

        def _fast(cnts=cnts):
            return tuple(zero_vec for _ in range(BS)) + cnts

        res = lax.cond(_no_lanes(comb), _fast, _slow)
        vecs, cnts = res[:BS], res[BS:]
        for bb in range(BS):
            w_local[pl.ds(bb * NPT + g * L, L)] = vecs[bb]
        return cnts

    cnts = lax.fori_loop(0, NPT // L, _gbody,
                         tuple(jnp.float32(0.0) for _ in range(BS)))

    cv = zero_vec
    for bb in range(BS):
        cv = jnp.where(iota == bb, cnts[bb], cv)
    cnt_v[...] = cv

    def _wait_pair(j):
        dst = out_hbm.at[pl.ds(row_base, ZROWS), pl.ds(0, HW)]
        pltpu.make_async_copy(bufs[j], dst, sems[j]).wait()

    def _qbody(i, _):
        for j in range(2):
            q = 2 * i + j
            _wait_pair(j)
            _punch(q - 2, zero_vec, j)
            _punch(q, ones_vec, j)
            k, h = q // NH, q % NH
            dst = out_hbm.at[pl.ds(row_base + k * ZROWS, ZROWS),
                             pl.ds(h * HW, HW)]
            pltpu.async_copy(bufs[j], dst, sems[j])
        return 0
    lax.fori_loop(1, (NZ * NH) // 2, _qbody, 0)
    for j in range(2):
        q = NZ * NH - 2 + j
        _wait_pair(j)
        _punch(q, zero_vec, j)

    pltpu.sync_copy(w_local, w_sh.at[pl.ds(sid * (BS * NPT), BS * NPT)])
    pltpu.sync_copy(cnt_v, cnt_sh.at[pl.ds(sid * L, L)])

    plsc.subcore_barrier()
    pltpu.sync_copy(cnt_sh, cnt_all)
    ns = cnt_all[pl.ds(0, L)]
    for s in range(1, NS):
        ns = ns + cnt_all[pl.ds(s * L, L)]
    ns_v[...] = ns

    my_ns = ns[BS - 1]
    for bb in range(BS - 1):
        my_ns = jnp.where(b == bb, ns[bb], my_ns)

    @pl.when(my_ns > 0.0)
    def _match():
        inv_v = ones_vec / jnp.full((L,), my_ns, jnp.float32)
        pltpu.sync_copy(w_sh, w_all)

        def _stripe(q, _):
            blk, h = q // NH, q % NH

            def _z2(i, _2):
                for r in range(ZROWS):
                    buf0[r, pl.ds(i * L, L)] = jnp.zeros((L,), jnp.float32)
                return 0
            lax.fori_loop(0, HW // L, _z2, 0)

            def _acc(j, _2):
                pltpu.sync_copy(ds_hbm.at[pl.ds(j * L, L)], dsrow_v)
                off = ((j // (NPT // L)) * (BS * NPT) + b * NPT
                       + (j % (NPT // L)) * L)
                wmsk = w_all[pl.ds(off, L)] > 0.5
                for r in range(ZROWS):
                    col = base_c + blk * ZROWS + r
                    toks = plsc.load_gather(
                        dsrow_v, [iota, jnp.full((L,), col, jnp.int32)])
                    msk = wmsk & ((toks >> HSH) == h)
                    plsc.addupdate_scatter(
                        buf0, [jnp.full((L,), r, jnp.int32), toks & (HW - 1)],
                        inv_v, mask=msk)
                return 0
            lax.fori_loop(0, N // L, _acc, 0)

            pltpu.sync_copy(buf0,
                            out_hbm.at[pl.ds(row_base + blk * ZROWS, ZROWS),
                                       pl.ds(h * HW, HW)])
            return 0

        lax.fori_loop(0, NZ * NH, _stripe, 0)


@jax.jit
def _impl(input_tokens, dataset_tokens):
    mesh = plsc.VectorSubcoreMesh(core_axis_name="c", subcore_axis_name="s")
    run = functools.partial(
        pl.kernel,
        mesh=mesh,
        compiler_params=pltpu.CompilerParams(needs_layout_passes=False),
        out_type=jax.ShapeDtypeStruct((ROWS, NUM_TOKENS), jnp.float32),
        scratch_types=[
            pltpu.VMEM((BS, C + L), jnp.int32),
            pltpu.VMEM((NPT, C), jnp.int32),
            pltpu.VMEM((L, C), jnp.int32),
            pltpu.VMEM((ZROWS, HW), jnp.float32),
            pltpu.VMEM((ZROWS, HW), jnp.float32),
            pltpu.VMEM((BS * NPT,), jnp.float32),
            pltpu.VMEM((L,), jnp.float32),
            pltpu.VMEM((NS * BS * NPT,), jnp.float32),
            pltpu.VMEM((NS * L,), jnp.float32),
            pltpu.VMEM((L,), jnp.float32),
            pltpu.VMEM_SHARED((NS * BS * NPT,), jnp.float32),
            pltpu.VMEM_SHARED((NS * L,), jnp.float32),
            pltpu.SemaphoreType.DMA,
            pltpu.SemaphoreType.DMA,
            pltpu.SemaphoreType.DMA,
            pltpu.SemaphoreType.DMA,
        ],
    )(_sc_body)
    out2d = run(input_tokens, dataset_tokens)
    return out2d.reshape(BS, C, NUM_TOKENS)


def kernel(input_tokens, dataset_tokens, t):
    del t
    return _impl(input_tokens, dataset_tokens)

# --- scband reference (transcript-rebuilt; emitter-appended) ---
"""Pipeline reference for scband-empirical-dfm-5617817224099 (READ-ONLY COPY).

The authoritative reference and input builder live on the scoring server;
editing this copy changes nothing except your own understanding.
"""

import jax, jax.numpy as jnp
import numpy as np

NUM_TOKENS = 8192
MASK_ID = 3
BS, C, N = 4, 384, 1024

def setup_inputs(seed: int = 0) -> dict:
    key = jax.random.key(seed)
    k1, k2, k3, k4 = jax.random.split(key, 4)
    input_tokens = jax.random.randint(k1, (BS, C), 0, NUM_TOKENS)
    # emulate partially-masked diffusion state: ~30% of tokens are mask tokens
    m = jax.random.uniform(k2, (BS, C)) < 0.3
    input_tokens = jnp.where(m, MASK_ID, input_tokens)
    dataset_tokens = jax.random.randint(k3, (N, C), 0, NUM_TOKENS)
    t = jax.random.uniform(k4, (BS,))
    return {"input_tokens": input_tokens, "dataset_tokens": dataset_tokens, "t": t}

def _masked_probabilities(input_tokens, dataset_tokens):
    bs, c = input_tokens.shape
    n = dataset_tokens.shape[0]
    S = NUM_TOKENS
    is_unmasked = input_tokens != MASK_ID
    # matches[n, b, c]: dataset row n agrees with query b on all unmasked positions
    matches = (dataset_tokens[:, None, :] == input_tokens[None, :, :]) | (~is_unmasked)[None, :, :]
    match_mask = jnp.all(matches, axis=2)  # [N, bs] bool
    w = match_mask.astype(jnp.float32)
    # predicted_flow[b,c,s] = sum_n w[n,b] * onehot(dataset_tokens[n,c])[s]
    # (equivalent to einsum('n b, n c s -> b c s') with dataset one-hot, done via
    #  scatter-add to avoid materializing the [N,c,S] one-hot tensor)
    b_idx = jnp.broadcast_to(jnp.arange(bs)[None, :, None], (n, bs, c))
    c_idx = jnp.broadcast_to(jnp.arange(c)[None, None, :], (n, bs, c))
    s_idx = jnp.broadcast_to(dataset_tokens[:, None, :], (n, bs, c))
    vals = jnp.broadcast_to(w[:, :, None], (n, bs, c))
    predicted_flow = jnp.zeros((bs, c, S), dtype=jnp.float32).at[b_idx, c_idx, s_idx].add(vals)
    num_samples = w.sum(axis=0)  # [bs]
    valid = num_samples > 0
    predicted_flow = jnp.where(
        valid[:, None, None],
        predicted_flow / jnp.maximum(num_samples, 1.0)[:, None, None],
        0.0,
    )
    return predicted_flow

def reference(input_tokens, dataset_tokens, t):
    probabilities = _masked_probabilities(input_tokens, dataset_tokens)
    # calculate_probabilities fallback: rows with zero flow get the input one-hot
    one_hot_in = jax.nn.one_hot(input_tokens, NUM_TOKENS, dtype=jnp.float32)
    zero_prob = probabilities.sum(axis=2) == 0  # [bs, c]
    probabilities = jnp.where(zero_prob[..., None], one_hot_in, probabilities)
    return probabilities

if __name__ == "__main__":
    import jax
    _d = setup_inputs()
    print(jax.jit(kernel)(*tuple(_d.values())))

</pallas_src>

<mosaic_0001>
#map = affine_map<(d0, d1) -> (0, 0)>
module attributes {stable_mosaic.version = 14 : i64} {
  func.func @_sc_body(%arg0: i32, %arg1: i32, %arg2: memref<4x384xi32, #tpu.memory_space<hbm>>, %arg3: memref<1024x384xi32, #tpu.memory_space<hbm>>, %arg4: memref<1536x8192xf32, #tpu.memory_space<hbm>>, %arg5: memref<4x400xi32, #tpu.memory_space<vmem>>, %arg6: memref<64x384xi32, #tpu.memory_space<vmem>>, %arg7: memref<16x384xi32, #tpu.memory_space<vmem>>, %arg8: memref<8x2048xf32, #tpu.memory_space<vmem>>, %arg9: memref<8x2048xf32, #tpu.memory_space<vmem>>, %arg10: memref<256xf32, #tpu.memory_space<vmem>>, %arg11: memref<16xf32, #tpu.memory_space<vmem>>, %arg12: memref<4096xf32, #tpu.memory_space<vmem>>, %arg13: memref<256xf32, #tpu.memory_space<vmem>>, %arg14: memref<16xf32, #tpu.memory_space<vmem>>, %arg15: memref<4096xf32, #tpu.memory_space<vmem_shared>>, %arg16: memref<256xf32, #tpu.memory_space<vmem_shared>>, %arg17: memref<!tpu.dma_semaphore, #tpu.memory_space<semaphore_mem>>, %arg18: memref<!tpu.dma_semaphore, #tpu.memory_space<semaphore_mem>>, %arg19: memref<!tpu.dma_semaphore, #tpu.memory_space<semaphore_mem>>, %arg20: memref<!tpu.dma_semaphore, #tpu.memory_space<semaphore_mem>>) attributes {dimension_semantics = [#tpu.dimension_semantics<core_parallel>, #tpu.dimension_semantics<subcore_parallel>], iteration_bounds = array<i64: 2, 16>, scalar_prefetch = 0 : i64, scratch_operands = 16 : i64, tpu.core_type = #tpu.core_type<sc_vector_subcore>, window_params = [{transform_indices = #map}, {transform_indices = #map}, {transform_indices = #map}]} {
    %mul3A = arith.constant 16 : i32
    %mul3A_0 = arith.muli %arg0, %mul3A : i32
    %add3A = arith.addi %mul3A_0, %arg1 : i32
    %iota3A = tpu.iota {dimensions = array<i32: 0>} : vector<16xi32>
    %dma_start3A = arith.constant 0 : i32
    %dma_start3A_1 = arith.constant 0 : i32
    %dma_start3A_2 = tpu.memref_slice %arg5[%dma_start3A, %dma_start3A_1] : memref<4x400xi32, #tpu.memory_space<vmem>> -> memref<4x384xi32, #tpu.memory_space<vmem>>
    %dma_start3A_3 = arith.constant 0 : i32
    %dma_start3A_4 = arith.constant 0 : i32
    %dma_start3A_5 = tpu.memref_slice %arg5[%dma_start3A_3, %dma_start3A_4] : memref<4x400xi32, #tpu.memory_space<vmem>> -> memref<4x384xi32, #tpu.memory_space<vmem>>
    tpu.enqueue_dma source(%arg2 : memref<4x384xi32, #tpu.memory_space<hbm>>) target(%dma_start3A_5 : memref<4x384xi32, #tpu.memory_space<vmem>>) target_semaphore(%arg20 : memref<!tpu.dma_semaphore, #tpu.memory_space<semaphore_mem>>)
    %mul3A_6 = arith.constant 64 : i32
    %mul3A_7 = arith.muli %arg1, %mul3A_6 : i32
    %dma_start3A_8 = arith.constant 0 : i32
    %dma_start3A_9 = tpu.memref_slice %arg3[%mul3A_7, %dma_start3A_8] : memref<1024x384xi32, #tpu.memory_space<hbm>> -> memref<64x384xi32, #tpu.memory_space<hbm>>
    %dma_start3A_10 = arith.constant 0 : i32
    %dma_start3A_11 = tpu.memref_slice %arg3[%mul3A_7, %dma_start3A_10] : memref<1024x384xi32, #tpu.memory_space<hbm>> -> memref<64x384xi32, #tpu.memory_space<hbm>>
    tpu.enqueue_dma source(%dma_start3A_11 : memref<64x384xi32, #tpu.memory_space<hbm>>) target(%arg6 : memref<64x384xi32, #tpu.memory_space<vmem>>) target_semaphore(%arg19 : memref<!tpu.dma_semaphore, #tpu.memory_space<semaphore_mem>>)
    %mul3A_12 = arith.constant 48 : i32
    %mul3A_13 = arith.muli %add3A, %mul3A_12 : i32
    %jit3A = arith.constant 8 : i32
    %div3A = arith.divsi %add3A, %jit3A : i32
    %sign3A = arith.constant 0 : i32
    %sign3A_14 = arith.cmpi sgt, %add3A, %sign3A : i32
    %sign3A_15 = arith.extui %sign3A_14 : i1 to i32
    %sign3A_16 = arith.constant 0 : i32
    %sign3A_17 = arith.cmpi slt, %add3A, %sign3A_16 : i32
    %sign3A_18 = arith.extui %sign3A_17 : i1 to i32
    %sign3A_19 = arith.subi %sign3A_15, %sign3A_18 : i32
    %sign3A_20 = arith.constant 0 : i32
    %sign3A_21 = arith.cmpi sgt, %jit3A, %sign3A_20 : i32
    %sign3A_22 = arith.extui %sign3A_21 : i1 to i32
    %sign3A_23 = arith.constant 0 : i32
    %sign3A_24 = arith.cmpi slt, %jit3A, %sign3A_23 : i32
    %sign3A_25 = arith.extui %sign3A_24 : i1 to i32
    %sign3A_26 = arith.subi %sign3A_22, %sign3A_25 : i32
    %ne3A = arith.cmpi ne, %sign3A_19, %sign3A_26 : i32
    %rem3A = arith.remsi %add3A, %jit3A : i32
    %ne3A_27 = arith.constant 0 : i32
    %ne3A_28 = arith.cmpi ne, %rem3A, %ne3A_27 : i32
    %and3A = arith.andi %ne3A, %ne3A_28 : i1
    %sub3A = arith.constant 1 : i32
    %sub3A_29 = arith.subi %div3A, %sub3A : i32
    %select_n3A = arith.select %and3A, %sub3A_29, %div3A : i32
    %jit3A_30 = arith.constant 8 : i32
    %eq3A = arith.constant 0 : i32
    %eq3A_31 = arith.cmpi eq, %jit3A_30, %eq3A : i32
    %jit3A_32 = arith.constant 1 : i32
    %select_n3A_33 = arith.select %eq3A_31, %jit3A_32, %jit3A_30 : i32
    %rem3A_34 = arith.remsi %add3A, %select_n3A_33 : i32
    %ne3A_35 = arith.constant 0 : i32
    %ne3A_36 = arith.cmpi ne, %rem3A_34, %ne3A_35 : i32
    %lt3A = arith.constant 0 : i32
    %lt3A_37 = arith.cmpi slt, %rem3A_34, %lt3A : i32
    %lt3A_38 = arith.constant 0 : i32
    %lt3A_39 = arith.cmpi slt, %select_n3A_33, %lt3A_38 : i32
    %ne3A_40 = arith.xori %lt3A_37, %lt3A_39 : i1
    %and3A_41 = arith.andi %ne3A_40, %ne3A_36 : i1
    %add3A_42 = arith.addi %rem3A_34, %select_n3A_33 : i32
    %select_n3A_43 = arith.select %and3A_41, %add3A_42, %rem3A_34 : i32
    %mul3A_44 = arith.constant 48 : i32
    %mul3A_45 = arith.muli %select_n3A_43, %mul3A_44 : i32
    %broadcast_in_dim3A = arith.constant 1.000000e+00 : f32
    %broadcast_in_dim3A_46 = vector.broadcast %broadcast_in_dim3A : f32 to vector<16xf32>
    %broadcast_in_dim3A_47 = arith.constant 0.000000e+00 : f32
    %broadcast_in_dim3A_48 = vector.broadcast %broadcast_in_dim3A_47 : f32 to vector<16xf32>
    %lt3A_49 = arith.constant 8 : i32
    %lt3A_50 = vector.broadcast %lt3A_49 : i32 to vector<16xi32>
    %lt3A_51 = arith.cmpi slt, %iota3A, %lt3A_50 : vector<16xi32>
    %scan3A = arith.constant 0 : i32
    %scan3A_52 = arith.constant 0 : i32
    %scan3A_53 = arith.constant 128 : i32
    %scan3A_54 = arith.addi %scan3A_52, %scan3A_53 : i32
    %scan3A_55 = arith.constant 1 : i32
    %scan3A_56 = scf.for %scan3A_288 = %scan3A_52 to %scan3A_54 step %scan3A_55 iter_args(%scan3A_289 = %scan3A) -> (i32)  : i32 {
      %broadcast_in_dim3A_290 = arith.constant 0.000000e+00 : f32
      %broadcast_in_dim3A_291 = vector.broadcast %broadcast_in_dim3A_290 : f32 to vector<16xf32>
      %mul3A_292 = arith.constant 16 : i32
      %mul3A_293 = arith.muli %scan3A_288, %mul3A_292 : i32
      %swap3A_294 = arith.constant 0 : i32
      %swap3A_295 = arith.index_cast %swap3A_294 : i32 to index
      %swap3A_296 = arith.index_cast %mul3A_293 : i32 to index
      %swap3A_297 = tpu.vector_load %arg8[%swap3A_295, %swap3A_296] {strides = array<i32>} : memref<8x2048xf32, #tpu.memory_space<vmem>>, vector<16xf32>,
      tpu.vector_store %arg8[%swap3A_295, %swap3A_296], %broadcast_in_dim3A_291 {strides = array<i32>} : memref<8x2048xf32, #tpu.memory_space<vmem>>, vector<16xf32>,
      %broadcast_in_dim3A_298 = arith.constant 0.000000e+00 : f32
      %broadcast_in_dim3A_299 = vector.broadcast %broadcast_in_dim3A_298 : f32 to vector<16xf32>
      %mul3A_300 = arith.constant 16 : i32
      %mul3A_301 = arith.muli %scan3A_288, %mul3A_300 : i32
      %swap3A_302 = arith.constant 1 : i32
      %swap3A_303 = arith.index_cast %swap3A_302 : i32 to index
      %swap3A_304 = arith.index_cast %mul3A_301 : i32 to index
      %swap3A_305 = tpu.vector_load %arg8[%swap3A_303, %swap3A_304] {strides = array<i32>} : memref<8x2048xf32, #tpu.memory_space<vmem>>, vector<16xf32>,
      tpu.vector_store %arg8[%swap3A_303, %swap3A_304], %broadcast_in_dim3A_299 {strides = array<i32>} : memref<8x2048xf32, #tpu.memory_space<vmem>>, vector<16xf32>,
      %broadcast_in_dim3A_306 = arith.constant 0.000000e+00 : f32
      %broadcast_in_dim3A_307 = vector.broadcast %broadcast_in_dim3A_306 : f32 to vector<16xf32>
      %mul3A_308 = arith.constant 16 : i32
      %mul3A_309 = arith.muli %scan3A_288, %mul3A_308 : i32
      %swap3A_310 = arith.constant 2 : i32
      %swap3A_311 = arith.index_cast %swap3A_310 : i32 to index
      %swap3A_312 = arith.index_cast %mul3A_309 : i32 to index
      %swap3A_313 = tpu.vector_load %arg8[%swap3A_311, %swap3A_312] {strides = array<i32>} : memref<8x2048xf32, #tpu.memory_space<vmem>>, vector<16xf32>,
      tpu.vector_store %arg8[%swap3A_311, %swap3A_312], %broadcast_in_dim3A_307 {strides = array<i32>} : memref<8x2048xf32, #tpu.memory_space<vmem>>, vector<16xf32>,
      %broadcast_in_dim3A_314 = arith.constant 0.000000e+00 : f32
      %broadcast_in_dim3A_315 = vector.broadcast %broadcast_in_dim3A_314 : f32 to vector<16xf32>
      %mul3A_316 = arith.constant 16 : i32
      %mul3A_317 = arith.muli %scan3A_288, %mul3A_316 : i32
      %swap3A_318 = arith.constant 3 : i32
      %swap3A_319 = arith.index_cast %swap3A_318 : i32 to index
      %swap3A_320 = arith.index_cast %mul3A_317 : i32 to index
      %swap3A_321 = tpu.vector_load %arg8[%swap3A_319, %swap3A_320] {strides = array<i32>} : memref<8x2048xf32, #tpu.memory_space<vmem>>, vector<16xf32>,
      tpu.vector_store %arg8[%swap3A_319, %swap3A_320], %broadcast_in_dim3A_315 {strides = array<i32>} : memref<8x2048xf32, #tpu.memory_space<vmem>>, vector<16xf32>,
      %broadcast_in_dim3A_322 = arith.constant 0.000000e+00 : f32
      %broadcast_in_dim3A_323 = vector.broadcast %broadcast_in_dim3A_322 : f32 to vector<16xf32>
      %mul3A_324 = arith.constant 16 : i32
      %mul3A_325 = arith.muli %scan3A_288, %mul3A_324 : i32
      %swap3A_326 = arith.constant 4 : i32
      %swap3A_327 = arith.index_cast %swap3A_326 : i32 to index
      %swap3A_328 = arith.index_cast %mul3A_325 : i32 to index
      %swap3A_329 = tpu.vector_load %arg8[%swap3A_327, %swap3A_328] {strides = array<i32>} : memref<8x2048xf32, #tpu.memory_space<vmem>>, vector<16xf32>,
      tpu.vector_store %arg8[%swap3A_327, %swap3A_328], %broadcast_in_dim3A_323 {strides = array<i32>} : memref<8x2048xf32, #tpu.memory_space<vmem>>, vector<16xf32>,
      %broadcast_in_dim3A_330 = arith.constant 0.000000e+00 : f32
      %broadcast_in_dim3A_331 = vector.broadcast %broadcast_in_dim3A_330 : f32 to vector<16xf32>
      %mul3A_332 = arith.constant 16 : i32
      %mul3A_333 = arith.muli %scan3A_288, %mul3A_332 : i32
      %swap3A_334 = arith.constant 5 : i32
      %swap3A_335 = arith.index_cast %swap3A_334 : i32 to index
      %swap3A_336 = arith.index_cast %mul3A_333 : i32 to index
      %swap3A_337 = tpu.vector_load %arg8[%swap3A_335, %swap3A_336] {strides = array<i32>} : memref<8x2048xf32, #tpu.memory_space<vmem>>, vector<16xf32>,
      tpu.vector_store %arg8[%swap3A_335, %swap3A_336], %broadcast_in_dim3A_331 {strides = array<i32>} : memref<8x2048xf32, #tpu.memory_space<vmem>>, vector<16xf32>,
      %broadcast_in_dim3A_338 = arith.constant 0.000000e+00 : f32
      %broadcast_in_dim3A_339 = vector.broadcast %broadcast_in_dim3A_338 : f32 to vector<16xf32>
      %mul3A_340 = arith.constant 16 : i32
      %mul3A_341 = arith.muli %scan3A_288, %mul3A_340 : i32
      %swap3A_342 = arith.constant 6 : i32
      %swap3A_343 = arith.index_cast %swap3A_342 : i32 to index
      %swap3A_344 = arith.index_cast %mul3A_341 : i32 to index
      %swap3A_345 = tpu.vector_load %arg8[%swap3A_343, %swap3A_344] {strides = array<i32>} : memref<8x2048xf32, #tpu.memory_space<vmem>>, vector<16xf32>,
      tpu.vector_store %arg8[%swap3A_343, %swap3A_344], %broadcast_in_dim3A_339 {strides = array<i32>} : memref<8x2048xf32, #tpu.memory_space<vmem>>, vector<16xf32>,
      %broadcast_in_dim3A_346 = arith.constant 0.000000e+00 : f32
      %broadcast_in_dim3A_347 = vector.broadcast %broadcast_in_dim3A_346 : f32 to vector<16xf32>
      %mul3A_348 = arith.constant 16 : i32
      %mul3A_349 = arith.muli %scan3A_288, %mul3A_348 : i32
      %swap3A_350 = arith.constant 7 : i32
      %swap3A_351 = arith.index_cast %swap3A_350 : i32 to index
      %swap3A_352 = arith.index_cast %mul3A_349 : i32 to index
      %swap3A_353 = tpu.vector_load %arg8[%swap3A_351, %swap3A_352] {strides = array<i32>} : memref<8x2048xf32, #tpu.memory_space<vmem>>, vector<16xf32>,
      tpu.vector_store %arg8[%swap3A_351, %swap3A_352], %broadcast_in_dim3A_347 {strides = array<i32>} : memref<8x2048xf32, #tpu.memory_space<vmem>>, vector<16xf32>,
      %scan3A_354 = arith.constant 0 : i32
      scf.yield %scan3A_354 : i32
    }
    %scan3A_57 = arith.constant 128 : i32
    %dma_wait3A = arith.constant 0 : i32
    %dma_wait3A_58 = arith.constant 0 : i32
    %dma_wait3A_59 = tpu.memref_slice %arg5[%dma_wait3A, %dma_wait3A_58] : memref<4x400xi32, #tpu.memory_space<vmem>> -> memref<4x384xi32, #tpu.memory_space<vmem>>
    %dma_wait3A_60 = arith.constant 0 : i32
    %dma_wait3A_61 = arith.constant 0 : i32
    %dma_wait3A_62 = tpu.memref_slice %arg5[%dma_wait3A_60, %dma_wait3A_61] : memref<4x400xi32, #tpu.memory_space<vmem>> -> memref<4x384xi32, #tpu.memory_space<vmem>>
    tpu.wait_dma2 semaphore(%arg20 : memref<!tpu.dma_semaphore, #tpu.memory_space<semaphore_mem>>) src(%arg2 : memref<4x384xi32, #tpu.memory_space<hbm>>) dst(%dma_wait3A_62 : memref<4x384xi32, #tpu.memory_space<vmem>>)
    %add3A_63 = arith.constant 0 : i32
    %add3A_64 = arith.addi %mul3A_45, %add3A_63 : i32
    %get3A = arith.index_cast %select_n3A : i32 to index
    %get3A_65 = arith.index_cast %add3A_64 : i32 to index
    %get3A_66 = tpu.vector_load %arg5[%get3A, %get3A_65] {strides = array<i32>} : memref<4x400xi32, #tpu.memory_space<vmem>>, vector<16xi32>,
    %shift_right_arithmetic3A = arith.constant 11 : i32
    %shift_right_arithmetic3A_67 = vector.broadcast %shift_right_arithmetic3A : i32 to vector<16xi32>
    %shift_right_arithmetic3A_68 = arith.shrsi %get3A_66, %shift_right_arithmetic3A_67 : vector<16xi32>
    %eq3A_69 = arith.constant 0 : i32
    %eq3A_70 = vector.broadcast %eq3A_69 : i32 to vector<16xi32>
    %eq3A_71 = arith.cmpi eq, %shift_right_arithmetic3A_68, %eq3A_70 : vector<16xi32>
    %and3A_72 = arith.andi %lt3A_51, %eq3A_71 : vector<16xi1>
    %and3A_73 = arith.constant 2047 : i32
    %and3A_74 = vector.broadcast %and3A_73 : i32 to vector<16xi32>
    %and3A_75 = arith.andi %get3A_66, %and3A_74 : vector<16xi32>
    tpu.vector_store_idx %arg8[%iota3A, %and3A_75], %broadcast_in_dim3A_46 masked %and3A_72 : memref<8x2048xf32, #tpu.memory_space<vmem>>[vector<16xi32>, vector<16xi32>], vector<16xf32>, vector<16xi1>
    %add3A_76 = arith.constant 0 : i32
    %add3A_77 = arith.addi %mul3A_13, %add3A_76 : i32
    %dma_start3A_78 = arith.constant 0 : i32
    %dma_start3A_79 = tpu.memref_slice %arg4[%add3A_77, %dma_start3A_78] : memref<1536x8192xf32, #tpu.memory_space<hbm>> -> memref<8x2048xf32, #tpu.memory_space<hbm>>
    %dma_start3A_80 = arith.constant 0 : i32
    %dma_start3A_81 = tpu.memref_slice %arg4[%add3A_77, %dma_start3A_80] : memref<1536x8192xf32, #tpu.memory_space<hbm>> -> memref<8x2048xf32, #tpu.memory_space<hbm>>
    tpu.enqueue_dma source(%arg8 : memref<8x2048xf32, #tpu.memory_space<vmem>>) target(%dma_start3A_81 : memref<8x2048xf32, #tpu.memory_space<hbm>>) target_semaphore(%arg17 : memref<!tpu.dma_semaphore, #tpu.memory_space<semaphore_mem>>)
    %scan3A_82 = arith.constant 0 : i32
    %scan3A_83 = arith.constant 0 : i32
    %scan3A_84 = arith.constant 128 : i32
    %scan3A_85 = arith.addi %scan3A_83, %scan3A_84 : i32
    %scan3A_86 = arith.constant 1 : i32
    %scan3A_87 = scf.for %scan3A_288 = %scan3A_83 to %scan3A_85 step %scan3A_86 iter_args(%scan3A_289 = %scan3A_82) -> (i32)  : i32 {
      %broadcast_in_dim3A_290 = arith.constant 0.000000e+00 : f32
      %broadcast_in_dim3A_291 = vector.broadcast %broadcast_in_dim3A_290 : f32 to vector<16xf32>
      %mul3A_292 = arith.constant 16 : i32
      %mul3A_293 = arith.muli %scan3A_288, %mul3A_292 : i32
      %swap3A_294 = arith.constant 0 : i32
      %swap3A_295 = arith.index_cast %swap3A_294 : i32 to index
      %swap3A_296 = arith.index_cast %mul3A_293 : i32 to index
      %swap3A_297 = tpu.vector_load %arg9[%swap3A_295, %swap3A_296] {strides = array<i32>} : memref<8x2048xf32, #tpu.memory_space<vmem>>, vector<16xf32>,
      tpu.vector_store %arg9[%swap3A_295, %swap3A_296], %broadcast_in_dim3A_291 {strides = array<i32>} : memref<8x2048xf32, #tpu.memory_space<vmem>>, vector<16xf32>,
      %broadcast_in_dim3A_298 = arith.constant 0.000000e+00 : f32
      %broadcast_in_dim3A_299 = vector.broadcast %broadcast_in_dim3A_298 : f32 to vector<16xf32>
      %mul3A_300 = arith.constant 16 : i32
      %mul3A_301 = arith.muli %scan3A_288, %mul3A_300 : i32
      %swap3A_302 = arith.constant 1 : i32
      %swap3A_303 = arith.index_cast %swap3A_302 : i32 to index
      %swap3A_304 = arith.index_cast %mul3A_301 : i32 to index
      %swap3A_305 = tpu.vector_load %arg9[%swap3A_303, %swap3A_304] {strides = array<i32>} : memref<8x2048xf32, #tpu.memory_space<vmem>>, vector<16xf32>,
      tpu.vector_store %arg9[%swap3A_303, %swap3A_304], %broadcast_in_dim3A_299 {strides = array<i32>} : memref<8x2048xf32, #tpu.memory_space<vmem>>, vector<16xf32>,
      %broadcast_in_dim3A_306 = arith.constant 0.000000e+00 : f32
      %broadcast_in_dim3A_307 = vector.broadcast %broadcast_in_dim3A_306 : f32 to vector<16xf32>
      %mul3A_308 = arith.constant 16 : i32
      %mul3A_309 = arith.muli %scan3A_288, %mul3A_308 : i32
      %swap3A_310 = arith.constant 2 : i32
      %swap3A_311 = arith.index_cast %swap3A_310 : i32 to index
      %swap3A_312 = arith.index_cast %mul3A_309 : i32 to index
      %swap3A_313 = tpu.vector_load %arg9[%swap3A_311, %swap3A_312] {strides = array<i32>} : memref<8x2048xf32, #tpu.memory_space<vmem>>, vector<16xf32>,
      tpu.vector_store %arg9[%swap3A_311, %swap3A_312], %broadcast_in_dim3A_307 {strides = array<i32>} : memref<8x2048xf32, #tpu.memory_space<vmem>>, vector<16xf32>,
      %broadcast_in_dim3A_314 = arith.constant 0.000000e+00 : f32
      %broadcast_in_dim3A_315 = vector.broadcast %broadcast_in_dim3A_314 : f32 to vector<16xf32>
      %mul3A_316 = arith.constant 16 : i32
      %mul3A_317 = arith.muli %scan3A_288, %mul3A_316 : i32
      %swap3A_318 = arith.constant 3 : i32
      %swap3A_319 = arith.index_cast %swap3A_318 : i32 to index
      %swap3A_320 = arith.index_cast %mul3A_317 : i32 to index
      %swap3A_321 = tpu.vector_load %arg9[%swap3A_319, %swap3A_320] {strides = array<i32>} : memref<8x2048xf32, #tpu.memory_space<vmem>>, vector<16xf32>,
      tpu.vector_store %arg9[%swap3A_319, %swap3A_320], %broadcast_in_dim3A_315 {strides = array<i32>} : memref<8x2048xf32, #tpu.memory_space<vmem>>, vector<16xf32>,
      %broadcast_in_dim3A_322 = arith.constant 0.000000e+00 : f32
      %broadcast_in_dim3A_323 = vector.broadcast %broadcast_in_dim3A_322 : f32 to vector<16xf32>
      %mul3A_324 = arith.constant 16 : i32
      %mul3A_325 = arith.muli %scan3A_288, %mul3A_324 : i32
      %swap3A_326 = arith.constant 4 : i32
      %swap3A_327 = arith.index_cast %swap3A_326 : i32 to index
      %swap3A_328 = arith.index_cast %mul3A_325 : i32 to index
      %swap3A_329 = tpu.vector_load %arg9[%swap3A_327, %swap3A_328] {strides = array<i32>} : memref<8x2048xf32, #tpu.memory_space<vmem>>, vector<16xf32>,
      tpu.vector_store %arg9[%swap3A_327, %swap3A_328], %broadcast_in_dim3A_323 {strides = array<i32>} : memref<8x2048xf32, #tpu.memory_space<vmem>>, vector<16xf32>,
      %broadcast_in_dim3A_330 = arith.constant 0.000000e+00 : f32
      %broadcast_in_dim3A_331 = vector.broadcast %broadcast_in_dim3A_330 : f32 to vector<16xf32>
      %mul3A_332 = arith.constant 16 : i32
      %mul3A_333 = arith.muli %scan3A_288, %mul3A_332 : i32
      %swap3A_334 = arith.constant 5 : i32
      %swap3A_335 = arith.index_cast %swap3A_334 : i32 to index
      %swap3A_336 = arith.index_cast %mul3A_333 : i32 to index
      %swap3A_337 = tpu.vector_load %arg9[%swap3A_335, %swap3A_336] {strides = array<i32>} : memref<8x2048xf32, #tpu.memory_space<vmem>>, vector<16xf32>,
      tpu.vector_store %arg9[%swap3A_335, %swap3A_336], %broadcast_in_dim3A_331 {strides = array<i32>} : memref<8x2048xf32, #tpu.memory_space<vmem>>, vector<16xf32>,
      %broadcast_in_dim3A_338 = arith.constant 0.000000e+00 : f32
      %broadcast_in_dim3A_339 = vector.broadcast %broadcast_in_dim3A_338 : f32 to vector<16xf32>
      %mul3A_340 = arith.constant 16 : i32
      %mul3A_341 = arith.muli %scan3A_288, %mul3A_340 : i32
      %swap3A_342 = arith.constant 6 : i32
      %swap3A_343 = arith.index_cast %swap3A_342 : i32 to index
      %swap3A_344 = arith.index_cast %mul3A_341 : i32 to index
      %swap3A_345 = tpu.vector_load %arg9[%swap3A_343, %swap3A_344] {strides = array<i32>} : memref<8x2048xf32, #tpu.memory_space<vmem>>, vector<16xf32>,
      tpu.vector_store %arg9[%swap3A_343, %swap3A_344], %broadcast_in_dim3A_339 {strides = array<i32>} : memref<8x2048xf32, #tpu.memory_space<vmem>>, vector<16xf32>,
      %broadcast_in_dim3A_346 = arith.constant 0.000000e+00 : f32
      %broadcast_in_dim3A_347 = vector.broadcast %broadcast_in_dim3A_346 : f32 to vector<16xf32>
      %mul3A_348 = arith.constant 16 : i32
      %mul3A_349 = arith.muli %scan3A_288, %mul3A_348 : i32
      %swap3A_350 = arith.constant 7 : i32
      %swap3A_351 = arith.index_cast %swap3A_350 : i32 to index
      %swap3A_352 = arith.index_cast %mul3A_349 : i32 to index
      %swap3A_353 = tpu.vector_load %arg9[%swap3A_351, %swap3A_352] {strides = array<i32>} : memref<8x2048xf32, #tpu.memory_space<vmem>>, vector<16xf32>,
      tpu.vector_store %arg9[%swap3A_351, %swap3A_352], %broadcast_in_dim3A_347 {strides = array<i32>} : memref<8x2048xf32, #tpu.memory_space<vmem>>, vector<16xf32>,
      %scan3A_354 = arith.constant 0 : i32
      scf.yield %scan3A_354 : i32
    }
    %scan3A_88 = arith.constant 128 : i32
    %add3A_89 = arith.constant 0 : i32
    %add3A_90 = arith.addi %mul3A_45, %add3A_89 : i32
    %get3A_91 = arith.index_cast %select_n3A : i32 to index
    %get3A_92 = arith.index_cast %add3A_90 : i32 to index
    %get3A_93 = tpu.vector_load %arg5[%get3A_91, %get3A_92] {strides = array<i32>} : memref<4x400xi32, #tpu.memory_space<vmem>>, vector<16xi32>,
    %shift_right_arithmetic3A_94 = arith.constant 11 : i32
    %shift_right_arithmetic3A_95 = vector.broadcast %shift_right_arithmetic3A_94 : i32 to vector<16xi32>
    %shift_right_arithmetic3A_96 = arith.shrsi %get3A_93, %shift_right_arithmetic3A_95 : vector<16xi32>
    %eq3A_97 = arith.constant 1 : i32
    %eq3A_98 = vector.broadcast %eq3A_97 : i32 to vector<16xi32>
    %eq3A_99 = arith.cmpi eq, %shift_right_arithmetic3A_96, %eq3A_98 : vector<16xi32>
    %and3A_100 = arith.andi %lt3A_51, %eq3A_99 : vector<16xi1>
    %and3A_101 = arith.constant 2047 : i32
    %and3A_102 = vector.broadcast %and3A_101 : i32 to vector<16xi32>
    %and3A_103 = arith.andi %get3A_93, %and3A_102 : vector<16xi32>
    tpu.vector_store_idx %arg9[%iota3A, %and3A_103], %broadcast_in_dim3A_46 masked %and3A_100 : memref<8x2048xf32, #tpu.memory_space<vmem>>[vector<16xi32>, vector<16xi32>], vector<16xf32>, vector<16xi1>
    %add3A_104 = arith.constant 0 : i32
    %add3A_105 = arith.addi %mul3A_13, %add3A_104 : i32
    %dma_start3A_106 = arith.constant 2048 : i32
    %dma_start3A_107 = tpu.memref_slice %arg4[%add3A_105, %dma_start3A_106] : memref<1536x8192xf32, #tpu.memory_space<hbm>> -> memref<8x2048xf32, #tpu.memory_space<hbm>>
    %dma_start3A_108 = arith.constant 2048 : i32
    %dma_start3A_109 = tpu.memref_slice %arg4[%add3A_105, %dma_start3A_108] : memref<1536x8192xf32, #tpu.memory_space<hbm>> -> memref<8x2048xf32, #tpu.memory_space<hbm>>
    tpu.enqueue_dma source(%arg9 : memref<8x2048xf32, #tpu.memory_space<vmem>>) target(%dma_start3A_109 : memref<8x2048xf32, #tpu.memory_space<hbm>>) target_semaphore(%arg18 : memref<!tpu.dma_semaphore, #tpu.memory_space<semaphore_mem>>)
    %dma_wait3A_110 = arith.constant 0 : i32
    %dma_wait3A_111 = tpu.memref_slice %arg3[%mul3A_7, %dma_wait3A_110] : memref<1024x384xi32, #tpu.memory_space<hbm>> -> memref<64x384xi32, #tpu.memory_space<hbm>>
    %dma_wait3A_112 = arith.constant 0 : i32
    %dma_wait3A_113 = tpu.memref_slice %arg3[%mul3A_7, %dma_wait3A_112] : memref<1024x384xi32, #tpu.memory_space<hbm>> -> memref<64x384xi32, #tpu.memory_space<hbm>>
    tpu.wait_dma2 semaphore(%arg19 : memref<!tpu.dma_semaphore, #tpu.memory_space<semaphore_mem>>) src(%dma_wait3A_113 : memref<64x384xi32, #tpu.memory_space<hbm>>) dst(%arg6 : memref<64x384xi32, #tpu.memory_space<vmem>>)
    %get3A_114 = arith.constant 0 : i32
    %get3A_115 = arith.index_cast %get3A_114 : i32 to index
    %get3A_116 = arith.constant 0 : index
    %get3A_117 = tpu.vector_load %arg5[%get3A_115, %get3A_116] {strides = array<i32>} : memref<4x400xi32, #tpu.memory_space<vmem>>, vector<16xi32>,
    %get3A_118 = arith.constant 1 : i32
    %get3A_119 = arith.index_cast %get3A_118 : i32 to index
    %get3A_120 = arith.constant 0 : index
    %get3A_121 = tpu.vector_load %arg5[%get3A_119, %get3A_120] {strides = array<i32>} : memref<4x400xi32, #tpu.memory_space<vmem>>, vector<16xi32>,
    %get3A_122 = arith.constant 2 : i32
    %get3A_123 = arith.index_cast %get3A_122 : i32 to index
    %get3A_124 = arith.constant 0 : index
    %get3A_125 = tpu.vector_load %arg5[%get3A_123, %get3A_124] {strides = array<i32>} : memref<4x400xi32, #tpu.memory_space<vmem>>, vector<16xi32>,
    %get3A_126 = arith.constant 3 : i32
    %get3A_127 = arith.index_cast %get3A_126 : i32 to index
    %get3A_128 = arith.constant 0 : index
    %get3A_129 = tpu.vector_load %arg5[%get3A_127, %get3A_128] {strides = array<i32>} : memref<4x400xi32, #tpu.memory_space<vmem>>, vector<16xi32>,
    %eq3A_130 = arith.constant 3 : i32
    %eq3A_131 = vector.broadcast %eq3A_130 : i32 to vector<16xi32>
    %eq3A_132 = arith.cmpi eq, %get3A_117, %eq3A_131 : vector<16xi32>
    %eq3A_133 = arith.constant 3 : i32
    %eq3A_134 = vector.broadcast %eq3A_133 : i32 to vector<16xi32>
    %eq3A_135 = arith.cmpi eq, %get3A_121, %eq3A_134 : vector<16xi32>
    %eq3A_136 = arith.constant 3 : i32
    %eq3A_137 = vector.broadcast %eq3A_136 : i32 to vector<16xi32>
    %eq3A_138 = arith.cmpi eq, %get3A_125, %eq3A_137 : vector<16xi32>
    %eq3A_139 = arith.constant 3 : i32
    %eq3A_140 = vector.broadcast %eq3A_139 : i32 to vector<16xi32>
    %eq3A_141 = arith.cmpi eq, %get3A_129, %eq3A_140 : vector<16xi32>
    %scan3A_142 = arith.constant 0.000000e+00 : f32
    %scan3A_143 = arith.constant 0.000000e+00 : f32
    %scan3A_144 = arith.constant 0.000000e+00 : f32
    %scan3A_145 = arith.constant 0.000000e+00 : f32
    %scan3A_146 = arith.constant 0 : i32
    %scan3A_147 = arith.constant 4 : i32
    %scan3A_148 = arith.addi %scan3A_146, %scan3A_147 : i32
    %scan3A_149 = arith.constant 1 : i32
    %scan3A_150:4 = scf.for %scan3A_288 = %scan3A_146 to %scan3A_148 step %scan3A_149 iter_args(%scan3A_289 = %scan3A_142, %scan3A_290 = %scan3A_143, %scan3A_291 = %scan3A_144, %scan3A_292 = %scan3A_145) -> (f32, f32, f32, f32)  : i32 {
      %mul3A_293 = arith.constant 16 : i32
      %mul3A_294 = arith.muli %scan3A_288, %mul3A_293 : i32
      %add3A_295 = vector.broadcast %mul3A_294 : i32 to vector<16xi32>
      %add3A_296 = arith.addi %add3A_295, %iota3A : vector<16xi32>
      %eq3A_297 = arith.cmpi eq, %iota3A, %iota3A : vector<16xi32>
      %eq3A_298 = arith.cmpi eq, %iota3A, %iota3A : vector<16xi32>
      %eq3A_299 = arith.cmpi eq, %iota3A, %iota3A : vector<16xi32>
      %eq3A_300 = arith.cmpi eq, %iota3A, %iota3A : vector<16xi32>
      %broadcast_in_dim3A_301 = arith.constant 0 : i32
      %broadcast_in_dim3A_302 = vector.broadcast %broadcast_in_dim3A_301 : i32 to vector<16xi32>
      %gather3A = tpu.vector_load_idx %arg6[%add3A_296, %broadcast_in_dim3A_302] : memref<64x384xi32, #tpu.memory_space<vmem>>[vector<16xi32>, vector<16xi32>], vector<16xi32>,
      %slice3A_303 = vector.extract_strided_slice %get3A_117 {offsets = [0], sizes = [1], strides = [1]} : vector<16xi32> to vector<1xi32>
      %squeeze3A_304 = vector.extract %slice3A_303[0] : i32 from vector<1xi32>
      %eq3A_305 = vector.broadcast %squeeze3A_304 : i32 to vector<16xi32>
      %eq3A_306 = arith.cmpi eq, %gather3A, %eq3A_305 : vector<16xi32>
      %eq3A_307 = arith.constant 3 : i32
      %eq3A_308 = arith.cmpi eq, %squeeze3A_304, %eq3A_307 : i32
      %or3A = vector.broadcast %eq3A_308 : i1 to vector<16xi1>
      %or3A_309 = arith.ori %eq3A_306, %or3A : vector<16xi1>
      %and3A_310 = arith.andi %eq3A_297, %or3A_309 : vector<16xi1>
      %slice3A_311 = vector.extract_strided_slice %get3A_121 {offsets = [0], sizes = [1], strides = [1]} : vector<16xi32> to vector<1xi32>
      %squeeze3A_312 = vector.extract %slice3A_311[0] : i32 from vector<1xi32>
      %eq3A_313 = vector.broadcast %squeeze3A_312 : i32 to vector<16xi32>
      %eq3A_314 = arith.cmpi eq, %gather3A, %eq3A_313 : vector<16xi32>
      %eq3A_315 = arith.constant 3 : i32
      %eq3A_316 = arith.cmpi eq, %squeeze3A_312, %eq3A_315 : i32
      %or3A_317 = vector.broadcast %eq3A_316 : i1 to vector<16xi1>
      %or3A_318 = arith.ori %eq3A_314, %or3A_317 : vector<16xi1>
      %and3A_319 = arith.andi %eq3A_298, %or3A_318 : vector<16xi1>
      %slice3A_320 = vector.extract_strided_slice %get3A_125 {offsets = [0], sizes = [1], strides = [1]} : vector<16xi32> to vector<1xi32>
      %squeeze3A_321 = vector.extract %slice3A_320[0] : i32 from vector<1xi32>
      %eq3A_322 = vector.broadcast %squeeze3A_321 : i32 to vector<16xi32>
      %eq3A_323 = arith.cmpi eq, %gather3A, %eq3A_322 : vector<16xi32>
      %eq3A_324 = arith.constant 3 : i32
      %eq3A_325 = arith.cmpi eq, %squeeze3A_321, %eq3A_324 : i32
      %or3A_326 = vector.broadcast %eq3A_325 : i1 to vector<16xi1>
      %or3A_327 = arith.ori %eq3A_323, %or3A_326 : vector<16xi1>
      %and3A_328 = arith.andi %eq3A_299, %or3A_327 : vector<16xi1>
      %slice3A_329 = vector.extract_strided_slice %get3A_129 {offsets = [0], sizes = [1], strides = [1]} : vector<16xi32> to vector<1xi32>
      %squeeze3A_330 = vector.extract %slice3A_329[0] : i32 from vector<1xi32>
      %eq3A_331 = vector.broadcast %squeeze3A_330 : i32 to vector<16xi32>
      %eq3A_332 = arith.cmpi eq, %gather3A, %eq3A_331 : vector<16xi32>
      %eq3A_333 = arith.constant 3 : i32
      %eq3A_334 = arith.cmpi eq, %squeeze3A_330, %eq3A_333 : i32
      %or3A_335 = vector.broadcast %eq3A_334 : i1 to vector<16xi1>
      %or3A_336 = arith.ori %eq3A_332, %or3A_335 : vector<16xi1>
      %and3A_337 = arith.andi %eq3A_300, %or3A_336 : vector<16xi1>
      %broadcast_in_dim3A_338 = arith.constant 1 : i32
      %broadcast_in_dim3A_339 = vector.broadcast %broadcast_in_dim3A_338 : i32 to vector<16xi32>
      %gather3A_340 = tpu.vector_load_idx %arg6[%add3A_296, %broadcast_in_dim3A_339] : memref<64x384xi32, #tpu.memory_space<vmem>>[vector<16xi32>, vector<16xi32>], vector<16xi32>,
      %slice3A_341 = vector.extract_strided_slice %get3A_117 {offsets = [1], sizes = [1], strides = [1]} : vector<16xi32> to vector<1xi32>
      %squeeze3A_342 = vector.extract %slice3A_341[0] : i32 from vector<1xi32>
      %eq3A_343 = vector.broadcast %squeeze3A_342 : i32 to vector<16xi32>
      %eq3A_344 = arith.cmpi eq, %gather3A_340, %eq3A_343 : vector<16xi32>
      %eq3A_345 = arith.constant 3 : i32
      %eq3A_346 = arith.cmpi eq, %squeeze3A_342, %eq3A_345 : i32
      %or3A_347 = vector.broadcast %eq3A_346 : i1 to vector<16xi1>
      %or3A_348 = arith.ori %eq3A_344, %or3A_347 : vector<16xi1>
      %and3A_349 = arith.andi %and3A_310, %or3A_348 : vector<16xi1>
      %slice3A_350 = vector.extract_strided_slice %get3A_121 {offsets = [1], sizes = [1], strides = [1]} : vector<16xi32> to vector<1xi32>
      %squeeze3A_351 = vector.extract %slice3A_350[0] : i32 from vector<1xi32>
      %eq3A_352 = vector.broadcast %squeeze3A_351 : i32 to vector<16xi32>
      %eq3A_353 = arith.cmpi eq, %gather3A_340, %eq3A_352 : vector<16xi32>
      %eq3A_354 = arith.constant 3 : i32
      %eq3A_355 = arith.cmpi eq, %squeeze3A_351, %eq3A_354 : i32
      %or3A_356 = vector.broadcast %eq3A_355 : i1 to vector<16xi1>
      %or3A_357 = arith.ori %eq3A_353, %or3A_356 : vector<16xi1>
      %and3A_358 = arith.andi %and3A_319, %or3A_357 : vector<16xi1>
      %slice3A_359 = vector.extract_strided_slice %get3A_125 {offsets = [1], sizes = [1], strides = [1]} : vector<16xi32> to vector<1xi32>
      %squeeze3A_360 = vector.extract %slice3A_359[0] : i32 from vector<1xi32>
      %eq3A_361 = vector.broadcast %squeeze3A_360 : i32 to vector<16xi32>
      %eq3A_362 = arith.cmpi eq, %gather3A_340, %eq3A_361 : vector<16xi32>
      %eq3A_363 = arith.constant 3 : i32
      %eq3A_364 = arith.cmpi eq, %squeeze3A_360, %eq3A_363 : i32
      %or3A_365 = vector.broadcast %eq3A_364 : i1 to vector<16xi1>
      %or3A_366 = arith.ori %eq3A_362, %or3A_365 : vector<16xi1>
      %and3A_367 = arith.andi %and3A_328, %or3A_366 : vector<16xi1>
      %slice3A_368 = vector.extract_strided_slice %get3A_129 {offsets = [1], sizes = [1], strides = [1]} : vector<16xi32> to vector<1xi32>
      %squeeze3A_369 = vector.extract %slice3A_368[0] : i32 from vector<1xi32>
      %eq3A_370 = vector.broadcast %squeeze3A_369 : i32 to vector<16xi32>
      %eq3A_371 = arith.cmpi eq, %gather3A_340, %eq3A_370 : vector<16xi32>
      %eq3A_372 = arith.constant 3 : i32
      %eq3A_373 = arith.cmpi eq, %squeeze3A_369, %eq3A_372 : i32
      %or3A_374 = vector.broadcast %eq3A_373 : i1 to vector<16xi1>
      %or3A_375 = arith.ori %eq3A_371, %or3A_374 : vector<16xi1>
      %and3A_376 = arith.andi %and3A_337, %or3A_375 : vector<16xi1>
      %broadcast_in_dim3A_377 = arith.constant 2 : i32
      %broadcast_in_dim3A_378 = vector.broadcast %broadcast_in_dim3A_377 : i32 to vector<16xi32>
      %gather3A_379 = tpu.vector_load_idx %arg6[%add3A_296, %broadcast_in_dim3A_378] : memref<64x384xi32, #tpu.memory_space<vmem>>[vector<16xi32>, vector<16xi32>], vector<16xi32>,
      %slice3A_380 = vector.extract_strided_slice %get3A_117 {offsets = [2], sizes = [1], strides = [1]} : vector<16xi32> to vector<1xi32>
      %squeeze3A_381 = vector.extract %slice3A_380[0] : i32 from vector<1xi32>
      %eq3A_382 = vector.broadcast %squeeze3A_381 : i32 to vector<16xi32>
      %eq3A_383 = arith.cmpi eq, %gather3A_379, %eq3A_382 : vector<16xi32>
      %eq3A_384 = arith.constant 3 : i32
      %eq3A_385 = arith.cmpi eq, %squeeze3A_381, %eq3A_384 : i32
      %or3A_386 = vector.broadcast %eq3A_385 : i1 to vector<16xi1>
      %or3A_387 = arith.ori %eq3A_383, %or3A_386 : vector<16xi1>
      %and3A_388 = arith.andi %and3A_349, %or3A_387 : vector<16xi1>
      %slice3A_389 = vector.extract_strided_slice %get3A_121 {offsets = [2], sizes = [1], strides = [1]} : vector<16xi32> to vector<1xi32>
      %squeeze3A_390 = vector.extract %slice3A_389[0] : i32 from vector<1xi32>
      %eq3A_391 = vector.broadcast %squeeze3A_390 : i32 to vector<16xi32>
      %eq3A_392 = arith.cmpi eq, %gather3A_379, %eq3A_391 : vector<16xi32>
      %eq3A_393 = arith.constant 3 : i32
      %eq3A_394 = arith.cmpi eq, %squeeze3A_390, %eq3A_393 : i32
      %or3A_395 = vector.broadcast %eq3A_394 : i1 to vector<16xi1>
      %or3A_396 = arith.ori %eq3A_392, %or3A_395 : vector<16xi1>
      %and3A_397 = arith.andi %and3A_358, %or3A_396 : vector<16xi1>
      %slice3A_398 = vector.extract_strided_slice %get3A_125 {offsets = [2], sizes = [1], strides = [1]} : vector<16xi32> to vector<1xi32>
      %squeeze3A_399 = vector.extract %slice3A_398[0] : i32 from vector<1xi32>
      %eq3A_400 = vector.broadcast %squeeze3A_399 : i32 to vector<16xi32>
      %eq3A_401 = arith.cmpi eq, %gather3A_379, %eq3A_400 : vector<16xi32>
      %eq3A_402 = arith.constant 3 : i32
      %eq3A_403 = arith.cmpi eq, %squeeze3A_399, %eq3A_402 : i32
      %or3A_404 = vector.broadcast %eq3A_403 : i1 to vector<16xi1>
      %or3A_405 = arith.ori %eq3A_401, %or3A_404 : vector<16xi1>
      %and3A_406 = arith.andi %and3A_367, %or3A_405 : vector<16xi1>
      %slice3A_407 = vector.extract_strided_slice %get3A_129 {offsets = [2], sizes = [1], strides = [1]} : vector<16xi32> to vector<1xi32>
      %squeeze3A_408 = vector.extract %slice3A_407[0] : i32 from vector<1xi32>
      %eq3A_409 = vector.broadcast %squeeze3A_408 : i32 to vector<16xi32>
      %eq3A_410 = arith.cmpi eq, %gather3A_379, %eq3A_409 : vector<16xi32>
      %eq3A_411 = arith.constant 3 : i32
      %eq3A_412 = arith.cmpi eq, %squeeze3A_408, %eq3A_411 : i32
      %or3A_413 = vector.broadcast %eq3A_412 : i1 to vector<16xi1>
      %or3A_414 = arith.ori %eq3A_410, %or3A_413 : vector<16xi1>
      %and3A_415 = arith.andi %and3A_376, %or3A_414 : vector<16xi1>
      %broadcast_in_dim3A_416 = arith.constant 3 : i32
      %broadcast_in_dim3A_417 = vector.broadcast %broadcast_in_dim3A_416 : i32 to vector<16xi32>
      %gather3A_418 = tpu.vector_load_idx %arg6[%add3A_296, %broadcast_in_dim3A_417] : memref<64x384xi32, #tpu.memory_space<vmem>>[vector<16xi32>, vector<16xi32>], vector<16xi32>,
      %slice3A_419 = vector.extract_strided_slice %get3A_117 {offsets = [3], sizes = [1], strides = [1]} : vector<16xi32> to vector<1xi32>
      %squeeze3A_420 = vector.extract %slice3A_419[0] : i32 from vector<1xi32>
      %eq3A_421 = vector.broadcast %squeeze3A_420 : i32 to vector<16xi32>
      %eq3A_422 = arith.cmpi eq, %gather3A_418, %eq3A_421 : vector<16xi32>
      %eq3A_423 = arith.constant 3 : i32
      %eq3A_424 = arith.cmpi eq, %squeeze3A_420, %eq3A_423 : i32
      %or3A_425 = vector.broadcast %eq3A_424 : i1 to vector<16xi1>
      %or3A_426 = arith.ori %eq3A_422, %or3A_425 : vector<16xi1>
      %and3A_427 = arith.andi %and3A_388, %or3A_426 : vector<16xi1>
      %slice3A_428 = vector.extract_strided_slice %get3A_121 {offsets = [3], sizes = [1], strides = [1]} : vector<16xi32> to vector<1xi32>
      %squeeze3A_429 = vector.extract %slice3A_428[0] : i32 from vector<1xi32>
      %eq3A_430 = vector.broadcast %squeeze3A_429 : i32 to vector<16xi32>
      %eq3A_431 = arith.cmpi eq, %gather3A_418, %eq3A_430 : vector<16xi32>
      %eq3A_432 = arith.constant 3 : i32
      %eq3A_433 = arith.cmpi eq, %squeeze3A_429, %eq3A_432 : i32
      %or3A_434 = vector.broadcast %eq3A_433 : i1 to vector<16xi1>
      %or3A_435 = arith.ori %eq3A_431, %or3A_434 : vector<16xi1>
      %and3A_436 = arith.andi %and3A_397, %or3A_435 : vector<16xi1>
      %slice3A_437 = vector.extract_strided_slice %get3A_125 {offsets = [3], sizes = [1], strides = [1]} : vector<16xi32> to vector<1xi32>
      %squeeze3A_438 = vector.extract %slice3A_437[0] : i32 from vector<1xi32>
      %eq3A_439 = vector.broadcast %squeeze3A_438 : i32 to vector<16xi32>
      %eq3A_440 = arith.cmpi eq, %gather3A_418, %eq3A_439 : vector<16xi32>
      %eq3A_441 = arith.constant 3 : i32
      %eq3A_442 = arith.cmpi eq, %squeeze3A_438, %eq3A_441 : i32
      %or3A_443 = vector.broadcast %eq3A_442 : i1 to vector<16xi1>
      %or3A_444 = arith.ori %eq3A_440, %or3A_443 : vector<16xi1>
      %and3A_445 = arith.andi %and3A_406, %or3A_444 : vector<16xi1>
      %slice3A_446 = vector.extract_strided_slice %get3A_129 {offsets = [3], sizes = [1], strides = [1]} : vector<16xi32> to vector<1xi32>
      %squeeze3A_447 = vector.extract %slice3A_446[0] : i32 from vector<1xi32>
      %eq3A_448 = vector.broadcast %squeeze3A_447 : i32 to vector<16xi32>
      %eq3A_449 = arith.cmpi eq, %gather3A_418, %eq3A_448 : vector<16xi32>
      %eq3A_450 = arith.constant 3 : i32
      %eq3A_451 = arith.cmpi eq, %squeeze3A_447, %eq3A_450 : i32
      %or3A_452 = vector.broadcast %eq3A_451 : i1 to vector<16xi1>
      %or3A_453 = arith.ori %eq3A_449, %or3A_452 : vector<16xi1>
      %and3A_454 = arith.andi %and3A_415, %or3A_453 : vector<16xi1>
      %broadcast_in_dim3A_455 = arith.constant 4 : i32
      %broadcast_in_dim3A_456 = vector.broadcast %broadcast_in_dim3A_455 : i32 to vector<16xi32>
      %gather3A_457 = tpu.vector_load_idx %arg6[%add3A_296, %broadcast_in_dim3A_456] : memref<64x384xi32, #tpu.memory_space<vmem>>[vector<16xi32>, vector<16xi32>], vector<16xi32>,
      %slice3A_458 = vector.extract_strided_slice %get3A_117 {offsets = [4], sizes = [1], strides = [1]} : vector<16xi32> to vector<1xi32>
      %squeeze3A_459 = vector.extract %slice3A_458[0] : i32 from vector<1xi32>
      %eq3A_460 = vector.broadcast %squeeze3A_459 : i32 to vector<16xi32>
      %eq3A_461 = arith.cmpi eq, %gather3A_457, %eq3A_460 : vector<16xi32>
      %eq3A_462 = arith.constant 3 : i32
      %eq3A_463 = arith.cmpi eq, %squeeze3A_459, %eq3A_462 : i32
      %or3A_464 = vector.broadcast %eq3A_463 : i1 to vector<16xi1>
      %or3A_465 = arith.ori %eq3A_461, %or3A_464 : vector<16xi1>
      %and3A_466 = arith.andi %and3A_427, %or3A_465 : vector<16xi1>
      %slice3A_467 = vector.extract_strided_slice %get3A_121 {offsets = [4], sizes = [1], strides = [1]} : vector<16xi32> to vector<1xi32>
      %squeeze3A_468 = vector.extract %slice3A_467[0] : i32 from vector<1xi32>
      %eq3A_469 = vector.broadcast %squeeze3A_468 : i32 to vector<16xi32>
      %eq3A_470 = arith.cmpi eq, %gather3A_457, %eq3A_469 : vector<16xi32>
      %eq3A_471 = arith.constant 3 : i32
      %eq3A_472 = arith.cmpi eq, %squeeze3A_468, %eq3A_471 : i32
      %or3A_473 = vector.broadcast %eq3A_472 : i1 to vector<16xi1>
      %or3A_474 = arith.ori %eq3A_470, %or3A_473 : vector<16xi1>
      %and3A_475 = arith.andi %and3A_436, %or3A_474 : vector<16xi1>
      %slice3A_476 = vector.extract_strided_slice %get3A_125 {offsets = [4], sizes = [1], strides = [1]} : vector<16xi32> to vector<1xi32>
      %squeeze3A_477 = vector.extract %slice3A_476[0] : i32 from vector<1xi32>
      %eq3A_478 = vector.broadcast %squeeze3A_477 : i32 to vector<16xi32>
      %eq3A_479 = arith.cmpi eq, %gather3A_457, %eq3A_478 : vector<16xi32>
      %eq3A_480 = arith.constant 3 : i32
      %eq3A_481 = arith.cmpi eq, %squeeze3A_477, %eq3A_480 : i32
      %or3A_482 = vector.broadcast %eq3A_481 : i1 to vector<16xi1>
      %or3A_483 = arith.ori %eq3A_479, %or3A_482 : vector<16xi1>
      %and3A_484 = arith.andi %and3A_445, %or3A_483 : vector<16xi1>
      %slice3A_485 = vector.extract_strided_slice %get3A_129 {offsets = [4], sizes = [1], strides = [1]} : vector<16xi32> to vector<1xi32>
      %squeeze3A_486 = vector.extract %slice3A_485[0] : i32 from vector<1xi32>
      %eq3A_487 = vector.broadcast %squeeze3A_486 : i32 to vector<16xi32>
      %eq3A_488 = arith.cmpi eq, %gather3A_457, %eq3A_487 : vector<16xi32>
      %eq3A_489 = arith.constant 3 : i32
      %eq3A_490 = arith.cmpi eq, %squeeze3A_486, %eq3A_489 : i32
      %or3A_491 = vector.broadcast %eq3A_490 : i1 to vector<16xi1>
      %or3A_492 = arith.ori %eq3A_488, %or3A_491 : vector<16xi1>
      %and3A_493 = arith.andi %and3A_454, %or3A_492 : vector<16xi1>
      %broadcast_in_dim3A_494 = arith.constant 5 : i32
      %broadcast_in_dim3A_495 = vector.broadcast %broadcast_in_dim3A_494 : i32 to vector<16xi32>
      %gather3A_496 = tpu.vector_load_idx %arg6[%add3A_296, %broadcast_in_dim3A_495] : memref<64x384xi32, #tpu.memory_space<vmem>>[vector<16xi32>, vector<16xi32>], vector<16xi32>,
      %slice3A_497 = vector.extract_strided_slice %get3A_117 {offsets = [5], sizes = [1], strides = [1]} : vector<16xi32> to vector<1xi32>
      %squeeze3A_498 = vector.extract %slice3A_497[0] : i32 from vector<1xi32>
      %eq3A_499 = vector.broadcast %squeeze3A_498 : i32 to vector<16xi32>
      %eq3A_500 = arith.cmpi eq, %gather3A_496, %eq3A_499 : vector<16xi32>
      %eq3A_501 = arith.constant 3 : i32
      %eq3A_502 = arith.cmpi eq, %squeeze3A_498, %eq3A_501 : i32
      %or3A_503 = vector.broadcast %eq3A_502 : i1 to vector<16xi1>
      %or3A_504 = arith.ori %eq3A_500, %or3A_503 : vector<16xi1>
      %and3A_505 = arith.andi %and3A_466, %or3A_504 : vector<16xi1>
      %slice3A_506 = vector.extract_strided_slice %get3A_121 {offsets = [5], sizes = [1], strides = [1]} : vector<16xi32> to vector<1xi32>
      %squeeze3A_507 = vector.extract %slice3A_506[0] : i32 from vector<1xi32>
      %eq3A_508 = vector.broadcast %squeeze3A_507 : i32 to vector<16xi32>
      %eq3A_509 = arith.cmpi eq, %gather3A_496, %eq3A_508 : vector<16xi32>
      %eq3A_510 = arith.constant 3 : i32
      %eq3A_511 = arith.cmpi eq, %squeeze3A_507, %eq3A_510 : i32
      %or3A_512 = vector.broadcast %eq3A_511 : i1 to vector<16xi1>
      %or3A_513 = arith.ori %eq3A_509, %or3A_512 : vector<16xi1>
      %and3A_514 = arith.andi %and3A_475, %or3A_513 : vector<16xi1>
      %slice3A_515 = vector.extract_strided_slice %get3A_125 {offsets = [5], sizes = [1], strides = [1]} : vector<16xi32> to vector<1xi32>
      %squeeze3A_516 = vector.extract %slice3A_515[0] : i32 from vector<1xi32>
      %eq3A_517 = vector.broadcast %squeeze3A_516 : i32 to vector<16xi32>
      %eq3A_518 = arith.cmpi eq, %gather3A_496, %eq3A_517 : vector<16xi32>
      %eq3A_519 = arith.constant 3 : i32
      %eq3A_520 = arith.cmpi eq, %squeeze3A_516, %eq3A_519 : i32
      %or3A_521 = vector.broadcast %eq3A_520 : i1 to vector<16xi1>
      %or3A_522 = arith.ori %eq3A_518, %or3A_521 : vector<16xi1>
      %and3A_523 = arith.andi %and3A_484, %or3A_522 : vector<16xi1>
      %slice3A_524 = vector.extract_strided_slice %get3A_129 {offsets = [5], sizes = [1], strides = [1]} : vector<16xi32> to vector<1xi32>
      %squeeze3A_525 = vector.extract %slice3A_524[0] : i32 from vector<1xi32>
      %eq3A_526 = vector.broadcast %squeeze3A_525 : i32 to vector<16xi32>
      %eq3A_527 = arith.cmpi eq, %gather3A_496, %eq3A_526 : vector<16xi32>
      %eq3A_528 = arith.constant 3 : i32
      %eq3A_529 = arith.cmpi eq, %squeeze3A_525, %eq3A_528 : i32
      %or3A_530 = vector.broadcast %eq3A_529 : i1 to vector<16xi1>
      %or3A_531 = arith.ori %eq3A_527, %or3A_530 : vector<16xi1>
      %and3A_532 = arith.andi %and3A_493, %or3A_531 : vector<16xi1>
      %broadcast_in_dim3A_533 = arith.constant 6 : i32
      %broadcast_in_dim3A_534 = vector.broadcast %broadcast_in_dim3A_533 : i32 to vector<16xi32>
      %gather3A_535 = tpu.vector_load_idx %arg6[%add3A_296, %broadcast_in_dim3A_534] : memref<64x384xi32, #tpu.memory_space<vmem>>[vector<16xi32>, vector<16xi32>], vector<16xi32>,
      %slice3A_536 = vector.extract_strided_slice %get3A_117 {offsets = [6], sizes = [1], strides = [1]} : vector<16xi32> to vector<1xi32>
      %squeeze3A_537 = vector.extract %slice3A_536[0] : i32 from vector<1xi32>
      %eq3A_538 = vector.broadcast %squeeze3A_537 : i32 to vector<16xi32>
      %eq3A_539 = arith.cmpi eq, %gather3A_535, %eq3A_538 : vector<16xi32>
      %eq3A_540 = arith.constant 3 : i32
      %eq3A_541 = arith.cmpi eq, %squeeze3A_537, %eq3A_540 : i32
      %or3A_542 = vector.broadcast %eq3A_541 : i1 to vector<16xi1>
      %or3A_543 = arith.ori %eq3A_539, %or3A_542 : vector<16xi1>
      %and3A_544 = arith.andi %and3A_505, %or3A_543 : vector<16xi1>
      %slice3A_545 = vector.extract_strided_slice %get3A_121 {offsets = [6], sizes = [1], strides = [1]} : vector<16xi32> to vector<1xi32>
      %squeeze3A_546 = vector.extract %slice3A_545[0] : i32 from vector<1xi32>
      %eq3A_547 = vector.broadcast %squeeze3A_546 : i32 to vector<16xi32>
      %eq3A_548 = arith.cmpi eq, %gather3A_535, %eq3A_547 : vector<16xi32>
      %eq3A_549 = arith.constant 3 : i32
      %eq3A_550 = arith.cmpi eq, %squeeze3A_546, %eq3A_549 : i32
      %or3A_551 = vector.broadcast %eq3A_550 : i1 to vector<16xi1>
      %or3A_552 = arith.ori %eq3A_548, %or3A_551 : vector<16xi1>
      %and3A_553 = arith.andi %and3A_514, %or3A_552 : vector<16xi1>
      %slice3A_554 = vector.extract_strided_slice %get3A_125 {offsets = [6], sizes = [1], strides = [1]} : vector<16xi32> to vector<1xi32>
      %squeeze3A_555 = vector.extract %slice3A_554[0] : i32 from vector<1xi32>
      %eq3A_556 = vector.broadcast %squeeze3A_555 : i32 to vector<16xi32>
      %eq3A_557 = arith.cmpi eq, %gather3A_535, %eq3A_556 : vector<16xi32>
      %eq3A_558 = arith.constant 3 : i32
      %eq3A_559 = arith.cmpi eq, %squeeze3A_555, %eq3A_558 : i32
      %or3A_560 = vector.broadcast %eq3A_559 : i1 to vector<16xi1>
      %or3A_561 = arith.ori %eq3A_557, %or3A_560 : vector<16xi1>
      %and3A_562 = arith.andi %and3A_523, %or3A_561 : vector<16xi1>
      %slice3A_563 = vector.extract_strided_slice %get3A_129 {offsets = [6], sizes = [1], strides = [1]} : vector<16xi32> to vector<1xi32>
      %squeeze3A_564 = vector.extract %slice3A_563[0] : i32 from vector<1xi32>
      %eq3A_565 = vector.broadcast %squeeze3A_564 : i32 to vector<16xi32>
      %eq3A_566 = arith.cmpi eq, %gather3A_535, %eq3A_565 : vector<16xi32>
      %eq3A_567 = arith.constant 3 : i32
      %eq3A_568 = arith.cmpi eq, %squeeze3A_564, %eq3A_567 : i32
      %or3A_569 = vector.broadcast %eq3A_568 : i1 to vector<16xi1>
      %or3A_570 = arith.ori %eq3A_566, %or3A_569 : vector<16xi1>
      %and3A_571 = arith.andi %and3A_532, %or3A_570 : vector<16xi1>
      %broadcast_in_dim3A_572 = arith.constant 7 : i32
      %broadcast_in_dim3A_573 = vector.broadcast %broadcast_in_dim3A_572 : i32 to vector<16xi32>
      %gather3A_574 = tpu.vector_load_idx %arg6[%add3A_296, %broadcast_in_dim3A_573] : memref<64x384xi32, #tpu.memory_space<vmem>>[vector<16xi32>, vector<16xi32>], vector<16xi32>,
      %slice3A_575 = vector.extract_strided_slice %get3A_117 {offsets = [7], sizes = [1], strides = [1]} : vector<16xi32> to vector<1xi32>
      %squeeze3A_576 = vector.extract %slice3A_575[0] : i32 from vector<1xi32>
      %eq3A_577 = vector.broadcast %squeeze3A_576 : i32 to vector<16xi32>
      %eq3A_578 = arith.cmpi eq, %gather3A_574, %eq3A_577 : vector<16xi32>
      %eq3A_579 = arith.constant 3 : i32
      %eq3A_580 = arith.cmpi eq, %squeeze3A_576, %eq3A_579 : i32
      %or3A_581 = vector.broadcast %eq3A_580 : i1 to vector<16xi1>
      %or3A_582 = arith.ori %eq3A_578, %or3A_581 : vector<16xi1>
      %and3A_583 = arith.andi %and3A_544, %or3A_582 : vector<16xi1>
      %slice3A_584 = vector.extract_strided_slice %get3A_121 {offsets = [7], sizes = [1], strides = [1]} : vector<16xi32> to vector<1xi32>
      %squeeze3A_585 = vector.extract %slice3A_584[0] : i32 from vector<1xi32>
      %eq3A_586 = vector.broadcast %squeeze3A_585 : i32 to vector<16xi32>
      %eq3A_587 = arith.cmpi eq, %gather3A_574, %eq3A_586 : vector<16xi32>
      %eq3A_588 = arith.constant 3 : i32
      %eq3A_589 = arith.cmpi eq, %squeeze3A_585, %eq3A_588 : i32
      %or3A_590 = vector.broadcast %eq3A_589 : i1 to vector<16xi1>
      %or3A_591 = arith.ori %eq3A_587, %or3A_590 : vector<16xi1>
      %and3A_592 = arith.andi %and3A_553, %or3A_591 : vector<16xi1>
      %slice3A_593 = vector.extract_strided_slice %get3A_125 {offsets = [7], sizes = [1], strides = [1]} : vector<16xi32> to vector<1xi32>
      %squeeze3A_594 = vector.extract %slice3A_593[0] : i32 from vector<1xi32>
      %eq3A_595 = vector.broadcast %squeeze3A_594 : i32 to vector<16xi32>
      %eq3A_596 = arith.cmpi eq, %gather3A_574, %eq3A_595 : vector<16xi32>
      %eq3A_597 = arith.constant 3 : i32
      %eq3A_598 = arith.cmpi eq, %squeeze3A_594, %eq3A_597 : i32
      %or3A_599 = vector.broadcast %eq3A_598 : i1 to vector<16xi1>
      %or3A_600 = arith.ori %eq3A_596, %or3A_599 : vector<16xi1>
      %and3A_601 = arith.andi %and3A_562, %or3A_600 : vector<16xi1>
      %slice3A_602 = vector.extract_strided_slice %get3A_129 {offsets = [7], sizes = [1], strides = [1]} : vector<16xi32> to vector<1xi32>
      %squeeze3A_603 = vector.extract %slice3A_602[0] : i32 from vector<1xi32>
      %eq3A_604 = vector.broadcast %squeeze3A_603 : i32 to vector<16xi32>
      %eq3A_605 = arith.cmpi eq, %gather3A_574, %eq3A_604 : vector<16xi32>
      %eq3A_606 = arith.constant 3 : i32
      %eq3A_607 = arith.cmpi eq, %squeeze3A_603, %eq3A_606 : i32
      %or3A_608 = vector.broadcast %eq3A_607 : i1 to vector<16xi1>
      %or3A_609 = arith.ori %eq3A_605, %or3A_608 : vector<16xi1>
      %and3A_610 = arith.andi %and3A_571, %or3A_609 : vector<16xi1>
      %or3A_611 = arith.ori %and3A_583, %and3A_592 : vector<16xi1>
      %or3A_612 = arith.ori %or3A_611, %and3A_601 : vector<16xi1>
      %or3A_613 = arith.ori %or3A_612, %and3A_610 : vector<16xi1>
      %all_reduce_population_count3A = tpu.all_reduce %or3A_613 {dim = 0 : i64, kind = #tpu.reduction_kind<sum>} : vector<16xi1> -> vector<16xi32>
      %slice3A_614 = vector.extract_strided_slice %all_reduce_population_count3A {offsets = [0], sizes = [1], strides = [1]} : vector<16xi32> to vector<1xi32>
      %squeeze3A_615 = vector.extract %slice3A_614[0] : i32 from vector<1xi32>
      %eq3A_616 = arith.constant 0 : i32
      %eq3A_617 = arith.cmpi eq, %squeeze3A_615, %eq3A_616 : i32
      %convert_element_type3A_618 = arith.extui %eq3A_617 : i1 to i32
      %cond3A_619 = arith.constant 0 : i32
      %cond3A_620 = arith.cmpi ne, %convert_element_type3A_618, %cond3A_619 : i32
      %cond3A_621:8 = scf.if %cond3A_620 -> (vector<16xf32>, vector<16xf32>, vector<16xf32>, vector<16xf32>, f32, f32, f32, f32) {
        scf.yield %broadcast_in_dim3A_48, %broadcast_in_dim3A_48, %broadcast_in_dim3A_48, %broadcast_in_dim3A_48, %scan3A_289, %scan3A_290, %scan3A_291, %scan3A_292 : vector<16xf32>, vector<16xf32>, vector<16xf32>, vector<16xf32>, f32, f32, f32, f32
      } else {
        %scan3A_646 = arith.constant 0 : i32
        %scan3A_647 = arith.constant 16 : i32
        %scan3A_648 = arith.addi %scan3A_646, %scan3A_647 : i32
        %scan3A_649 = arith.constant 1 : i32
        %scan3A_650:8 = scf.for %scan3A_652 = %scan3A_646 to %scan3A_648 step %scan3A_649 iter_args(%scan3A_653 = %broadcast_in_dim3A_48, %scan3A_654 = %broadcast_in_dim3A_48, %scan3A_655 = %broadcast_in_dim3A_48, %scan3A_656 = %broadcast_in_dim3A_48, %scan3A_657 = %scan3A_289, %scan3A_658 = %scan3A_290, %scan3A_659 = %scan3A_291, %scan3A_660 = %scan3A_292) -> (vector<16xf32>, vector<16xf32>, vector<16xf32>, vector<16xf32>, f32, f32, f32, f32)  : i32 {
          %mul3A_661 = arith.constant 16 : i32
          %mul3A_662 = arith.muli %scan3A_288, %mul3A_661 : i32
          %add3A_663 = arith.addi %mul3A_662, %scan3A_652 : i32
          %get3A_664 = arith.index_cast %add3A_663 : i32 to index
          %get3A_665 = arith.constant 0 : index
          %get3A_666 = tpu.vector_load %arg6[%get3A_664, %get3A_665] {strides = array<i32>} : memref<64x384xi32, #tpu.memory_space<vmem>>, vector<16xi32>,
          %eq3A_667 = arith.cmpi eq, %get3A_666, %get3A_117 : vector<16xi32>
          %or3A_668 = arith.ori %eq3A_667, %eq3A_132 : vector<16xi1>
          %all_reduce_population_count3A_669 = tpu.all_reduce %or3A_668 {dim = 0 : i64, kind = #tpu.reduction_kind<sum>} : vector<16xi1> -> vector<16xi32>
          %slice3A_670 = vector.extract_strided_slice %all_reduce_population_count3A_669 {offsets = [0], sizes = [1], strides = [1]} : vector<16xi32> to vector<1xi32>
          %squeeze3A_671 = vector.extract %slice3A_670[0] : i32 from vector<1xi32>
          %eq3A_672 = arith.constant 16 : i32
          %eq3A_673 = arith.cmpi eq, %squeeze3A_671, %eq3A_672 : i32
          %convert_element_type3A_674 = arith.extui %eq3A_673 : i1 to i32
          %cond3A_675 = arith.constant 0 : i32
          %cond3A_676 = arith.cmpi ne, %convert_element_type3A_674, %cond3A_675 : i32
          %cond3A_677 = scf.if %cond3A_676 -> (f32) {
            %scan3A_731 = arith.constant 1 : i32
            %scan3A_732 = arith.constant 23 : i32
            %scan3A_733 = arith.addi %scan3A_731, %scan3A_732 : i32
            %scan3A_734 = arith.constant 1 : i32
            %scan3A_735 = scf.for %scan3A_745 = %scan3A_731 to %scan3A_733 step %scan3A_734 iter_args(%scan3A_746 = %or3A_668) -> (vector<16xi1>)  : i32 {
              %mul3A_747 = arith.constant 16 : i32
              %mul3A_748 = arith.muli %scan3A_745, %mul3A_747 : i32
              %get3A_749 = arith.index_cast %add3A_663 : i32 to index
              %get3A_750 = arith.index_cast %mul3A_748 : i32 to index
              %get3A_751 = tpu.vector_load %arg6[%get3A_749, %get3A_750] {strides = array<i32>} : memref<64x384xi32, #tpu.memory_space<vmem>>, vector<16xi32>,
              %mul3A_752 = arith.constant 16 : i32
              %mul3A_753 = arith.muli %scan3A_745, %mul3A_752 : i32
              %get3A_754 = arith.constant 0 : i32
              %get3A_755 = arith.index_cast %get3A_754 : i32 to index
              %get3A_756 = arith.index_cast %mul3A_753 : i32 to index
              %get3A_757 = tpu.vector_load %arg5[%get3A_755, %get3A_756] {strides = array<i32>} : memref<4x400xi32, #tpu.memory_space<vmem>>, vector<16xi32>,
              %eq3A_758 = arith.cmpi eq, %get3A_751, %get3A_757 : vector<16xi32>
              %eq3A_759 = arith.constant 3 : i32
              %eq3A_760 = vector.broadcast %eq3A_759 : i32 to vector<16xi32>
              %eq3A_761 = arith.cmpi eq, %get3A_757, %eq3A_760 : vector<16xi32>
              %or3A_762 = arith.ori %eq3A_758, %eq3A_761 : vector<16xi1>
              %and3A_763 = arith.andi %scan3A_746, %or3A_762 : vector<16xi1>
              scf.yield %and3A_763 : vector<16xi1>
            }
            %scan3A_736 = arith.constant 23 : i32
            %all_reduce_population_count3A_737 = tpu.all_reduce %scan3A_735 {dim = 0 : i64, kind = #tpu.reduction_kind<sum>} : vector<16xi1> -> vector<16xi32>
            %slice3A_738 = vector.extract_strided_slice %all_reduce_population_count3A_737 {offsets = [0], sizes = [1], strides = [1]} : vector<16xi32> to vector<1xi32>
            %squeeze3A_739 = vector.extract %slice3A_738[0] : i32 from vector<1xi32>
            %eq3A_740 = arith.constant 16 : i32
            %eq3A_741 = arith.cmpi eq, %squeeze3A_739, %eq3A_740 : i32
            %jit3A_742 = arith.constant 1.000000e+00 : f32
            %jit3A_743 = arith.constant 0.000000e+00 : f32
            %select_n3A_744 = arith.select %eq3A_741, %jit3A_742, %jit3A_743 : f32
            scf.yield %select_n3A_744 : f32
          } else {
            %cond3A_731 = arith.constant 0.000000e+00 : f32
            scf.yield %cond3A_731 : f32
          }
          %eq3A_678 = vector.broadcast %scan3A_652 : i32 to vector<16xi32>
          %eq3A_679 = arith.cmpi eq, %iota3A, %eq3A_678 : vector<16xi32>
          %broadcast_in_dim3A_680 = vector.broadcast %cond3A_677 : f32 to vector<16xf32>
          %select_n3A_681 = arith.select %eq3A_679, %broadcast_in_dim3A_680, %scan3A_653 : vector<16xi1>, vector<16xf32>
          %add3A_682 = arith.addf %scan3A_657, %cond3A_677 : f32
          %eq3A_683 = arith.cmpi eq, %get3A_666, %get3A_121 : vector<16xi32>
          %or3A_684 = arith.ori %eq3A_683, %eq3A_135 : vector<16xi1>
          %all_reduce_population_count3A_685 = tpu.all_reduce %or3A_684 {dim = 0 : i64, kind = #tpu.reduction_kind<sum>} : vector<16xi1> -> vector<16xi32>
          %slice3A_686 = vector.extract_strided_slice %all_reduce_population_count3A_685 {offsets = [0], sizes = [1], strides = [1]} : vector<16xi32> to vector<1xi32>
          %squeeze3A_687 = vector.extract %slice3A_686[0] : i32 from vector<1xi32>
          %eq3A_688 = arith.constant 16 : i32
          %eq3A_689 = arith.cmpi eq, %squeeze3A_687, %eq3A_688 : i32
          %convert_element_type3A_690 = arith.extui %eq3A_689 : i1 to i32
          %cond3A_691 = arith.constant 0 : i32
          %cond3A_692 = arith.cmpi ne, %convert_element_type3A_690, %cond3A_691 : i32
          %cond3A_693 = scf.if %cond3A_692 -> (f32) {
            %scan3A_731 = arith.constant 1 : i32
            %scan3A_732 = arith.constant 23 : i32
            %scan3A_733 = arith.addi %scan3A_731, %scan3A_732 : i32
            %scan3A_734 = arith.constant 1 : i32
            %scan3A_735 = scf.for %scan3A_745 = %scan3A_731 to %scan3A_733 step %scan3A_734 iter_args(%scan3A_746 = %or3A_684) -> (vector<16xi1>)  : i32 {
              %mul3A_747 = arith.constant 16 : i32
              %mul3A_748 = arith.muli %scan3A_745, %mul3A_747 : i32
              %get3A_749 = arith.index_cast %add3A_663 : i32 to index
              %get3A_750 = arith.index_cast %mul3A_748 : i32 to index
              %get3A_751 = tpu.vector_load %arg6[%get3A_749, %get3A_750] {strides = array<i32>} : memref<64x384xi32, #tpu.memory_space<vmem>>, vector<16xi32>,
              %mul3A_752 = arith.constant 16 : i32
              %mul3A_753 = arith.muli %scan3A_745, %mul3A_752 : i32
              %get3A_754 = arith.constant 1 : i32
              %get3A_755 = arith.index_cast %get3A_754 : i32 to index
              %get3A_756 = arith.index_cast %mul3A_753 : i32 to index
              %get3A_757 = tpu.vector_load %arg5[%get3A_755, %get3A_756] {strides = array<i32>} : memref<4x400xi32, #tpu.memory_space<vmem>>, vector<16xi32>,
              %eq3A_758 = arith.cmpi eq, %get3A_751, %get3A_757 : vector<16xi32>
              %eq3A_759 = arith.constant 3 : i32
              %eq3A_760 = vector.broadcast %eq3A_759 : i32 to vector<16xi32>
              %eq3A_761 = arith.cmpi eq, %get3A_757, %eq3A_760 : vector<16xi32>
              %or3A_762 = arith.ori %eq3A_758, %eq3A_761 : vector<16xi1>
              %and3A_763 = arith.andi %scan3A_746, %or3A_762 : vector<16xi1>
              scf.yield %and3A_763 : vector<16xi1>
            }
            %scan3A_736 = arith.constant 23 : i32
            %all_reduce_population_count3A_737 = tpu.all_reduce %scan3A_735 {dim = 0 : i64, kind = #tpu.reduction_kind<sum>} : vector<16xi1> -> vector<16xi32>
            %slice3A_738 = vector.extract_strided_slice %all_reduce_population_count3A_737 {offsets = [0], sizes = [1], strides = [1]} : vector<16xi32> to vector<1xi32>
            %squeeze3A_739 = vector.extract %slice3A_738[0] : i32 from vector<1xi32>
            %eq3A_740 = arith.constant 16 : i32
            %eq3A_741 = arith.cmpi eq, %squeeze3A_739, %eq3A_740 : i32
            %jit3A_742 = arith.constant 1.000000e+00 : f32
            %jit3A_743 = arith.constant 0.000000e+00 : f32
            %select_n3A_744 = arith.select %eq3A_741, %jit3A_742, %jit3A_743 : f32
            scf.yield %select_n3A_744 : f32
          } else {
            %cond3A_731 = arith.constant 0.000000e+00 : f32
            scf.yield %cond3A_731 : f32
          }
          %eq3A_694 = vector.broadcast %scan3A_652 : i32 to vector<16xi32>
          %eq3A_695 = arith.cmpi eq, %iota3A, %eq3A_694 : vector<16xi32>
          %broadcast_in_dim3A_696 = vector.broadcast %cond3A_693 : f32 to vector<16xf32>
          %select_n3A_697 = arith.select %eq3A_695, %broadcast_in_dim3A_696, %scan3A_654 : vector<16xi1>, vector<16xf32>
          %add3A_698 = arith.addf %scan3A_658, %cond3A_693 : f32
          %eq3A_699 = arith.cmpi eq, %get3A_666, %get3A_125 : vector<16xi32>
          %or3A_700 = arith.ori %eq3A_699, %eq3A_138 : vector<16xi1>
          %all_reduce_population_count3A_701 = tpu.all_reduce %or3A_700 {dim = 0 : i64, kind = #tpu.reduction_kind<sum>} : vector<16xi1> -> vector<16xi32>
          %slice3A_702 = vector.extract_strided_slice %all_reduce_population_count3A_701 {offsets = [0], sizes = [1], strides = [1]} : vector<16xi32> to vector<1xi32>
          %squeeze3A_703 = vector.extract %slice3A_702[0] : i32 from vector<1xi32>
          %eq3A_704 = arith.constant 16 : i32
          %eq3A_705 = arith.cmpi eq, %squeeze3A_703, %eq3A_704 : i32
          %convert_element_type3A_706 = arith.extui %eq3A_705 : i1 to i32
          %cond3A_707 = arith.constant 0 : i32
          %cond3A_708 = arith.cmpi ne, %convert_element_type3A_706, %cond3A_707 : i32
          %cond3A_709 = scf.if %cond3A_708 -> (f32) {
            %scan3A_731 = arith.constant 1 : i32
            %scan3A_732 = arith.constant 23 : i32
            %scan3A_733 = arith.addi %scan3A_731, %scan3A_732 : i32
            %scan3A_734 = arith.constant 1 : i32
            %scan3A_735 = scf.for %scan3A_745 = %scan3A_731 to %scan3A_733 step %scan3A_734 iter_args(%scan3A_746 = %or3A_700) -> (vector<16xi1>)  : i32 {
              %mul3A_747 = arith.constant 16 : i32
              %mul3A_748 = arith.muli %scan3A_745, %mul3A_747 : i32
              %get3A_749 = arith.index_cast %add3A_663 : i32 to index
              %get3A_750 = arith.index_cast %mul3A_748 : i32 to index
              %get3A_751 = tpu.vector_load %arg6[%get3A_749, %get3A_750] {strides = array<i32>} : memref<64x384xi32, #tpu.memory_space<vmem>>, vector<16xi32>,
              %mul3A_752 = arith.constant 16 : i32
              %mul3A_753 = arith.muli %scan3A_745, %mul3A_752 : i32
              %get3A_754 = arith.constant 2 : i32
              %get3A_755 = arith.index_cast %get3A_754 : i32 to index
              %get3A_756 = arith.index_cast %mul3A_753 : i32 to index
              %get3A_757 = tpu.vector_load %arg5[%get3A_755, %get3A_756] {strides = array<i32>} : memref<4x400xi32, #tpu.memory_space<vmem>>, vector<16xi32>,
              %eq3A_758 = arith.cmpi eq, %get3A_751, %get3A_757 : vector<16xi32>
              %eq3A_759 = arith.constant 3 : i32
              %eq3A_760 = vector.broadcast %eq3A_759 : i32 to vector<16xi32>
              %eq3A_761 = arith.cmpi eq, %get3A_757, %eq3A_760 : vector<16xi32>
              %or3A_762 = arith.ori %eq3A_758, %eq3A_761 : vector<16xi1>
              %and3A_763 = arith.andi %scan3A_746, %or3A_762 : vector<16xi1>
              scf.yield %and3A_763 : vector<16xi1>
            }
            %scan3A_736 = arith.constant 23 : i32
            %all_reduce_population_count3A_737 = tpu.all_reduce %scan3A_735 {dim = 0 : i64, kind = #tpu.reduction_kind<sum>} : vector<16xi1> -> vector<16xi32>
            %slice3A_738 = vector.extract_strided_slice %all_reduce_population_count3A_737 {offsets = [0], sizes = [1], strides = [1]} : vector<16xi32> to vector<1xi32>
            %squeeze3A_739 = vector.extract %slice3A_738[0] : i32 from vector<1xi32>
            %eq3A_740 = arith.constant 16 : i32
            %eq3A_741 = arith.cmpi eq, %squeeze3A_739, %eq3A_740 : i32
            %jit3A_742 = arith.constant 1.000000e+00 : f32
            %jit3A_743 = arith.constant 0.000000e+00 : f32
            %select_n3A_744 = arith.select %eq3A_741, %jit3A_742, %jit3A_743 : f32
            scf.yield %select_n3A_744 : f32
          } else {
            %cond3A_731 = arith.constant 0.000000e+00 : f32
            scf.yield %cond3A_731 : f32
          }
          %eq3A_710 = vector.broadcast %scan3A_652 : i32 to vector<16xi32>
          %eq3A_711 = arith.cmpi eq, %iota3A, %eq3A_710 : vector<16xi32>
          %broadcast_in_dim3A_712 = vector.broadcast %cond3A_709 : f32 to vector<16xf32>
          %select_n3A_713 = arith.select %eq3A_711, %broadcast_in_dim3A_712, %scan3A_655 : vector<16xi1>, vector<16xf32>
          %add3A_714 = arith.addf %scan3A_659, %cond3A_709 : f32
          %eq3A_715 = arith.cmpi eq, %get3A_666, %get3A_129 : vector<16xi32>
          %or3A_716 = arith.ori %eq3A_715, %eq3A_141 : vector<16xi1>
          %all_reduce_population_count3A_717 = tpu.all_reduce %or3A_716 {dim = 0 : i64, kind = #tpu.reduction_kind<sum>} : vector<16xi1> -> vector<16xi32>
          %slice3A_718 = vector.extract_strided_slice %all_reduce_population_count3A_717 {offsets = [0], sizes = [1], strides = [1]} : vector<16xi32> to vector<1xi32>
          %squeeze3A_719 = vector.extract %slice3A_718[0] : i32 from vector<1xi32>
          %eq3A_720 = arith.constant 16 : i32
          %eq3A_721 = arith.cmpi eq, %squeeze3A_719, %eq3A_720 : i32
          %convert_element_type3A_722 = arith.extui %eq3A_721 : i1 to i32
          %cond3A_723 = arith.constant 0 : i32
          %cond3A_724 = arith.cmpi ne, %convert_element_type3A_722, %cond3A_723 : i32
          %cond3A_725 = scf.if %cond3A_724 -> (f32) {
            %scan3A_731 = arith.constant 1 : i32
            %scan3A_732 = arith.constant 23 : i32
            %scan3A_733 = arith.addi %scan3A_731, %scan3A_732 : i32
            %scan3A_734 = arith.constant 1 : i32
            %scan3A_735 = scf.for %scan3A_745 = %scan3A_731 to %scan3A_733 step %scan3A_734 iter_args(%scan3A_746 = %or3A_716) -> (vector<16xi1>)  : i32 {
              %mul3A_747 = arith.constant 16 : i32
              %mul3A_748 = arith.muli %scan3A_745, %mul3A_747 : i32
              %get3A_749 = arith.index_cast %add3A_663 : i32 to index
              %get3A_750 = arith.index_cast %mul3A_748 : i32 to index
              %get3A_751 = tpu.vector_load %arg6[%get3A_749, %get3A_750] {strides = array<i32>} : memref<64x384xi32, #tpu.memory_space<vmem>>, vector<16xi32>,
              %mul3A_752 = arith.constant 16 : i32
              %mul3A_753 = arith.muli %scan3A_745, %mul3A_752 : i32
              %get3A_754 = arith.constant 3 : i32
              %get3A_755 = arith.index_cast %get3A_754 : i32 to index
              %get3A_756 = arith.index_cast %mul3A_753 : i32 to index
              %get3A_757 = tpu.vector_load %arg5[%get3A_755, %get3A_756] {strides = array<i32>} : memref<4x400xi32, #tpu.memory_space<vmem>>, vector<16xi32>,
              %eq3A_758 = arith.cmpi eq, %get3A_751, %get3A_757 : vector<16xi32>
              %eq3A_759 = arith.constant 3 : i32
              %eq3A_760 = vector.broadcast %eq3A_759 : i32 to vector<16xi32>
              %eq3A_761 = arith.cmpi eq, %get3A_757, %eq3A_760 : vector<16xi32>
              %or3A_762 = arith.ori %eq3A_758, %eq3A_761 : vector<16xi1>
              %and3A_763 = arith.andi %scan3A_746, %or3A_762 : vector<16xi1>
              scf.yield %and3A_763 : vector<16xi1>
            }
            %scan3A_736 = arith.constant 23 : i32
            %all_reduce_population_count3A_737 = tpu.all_reduce %scan3A_735 {dim = 0 : i64, kind = #tpu.reduction_kind<sum>} : vector<16xi1> -> vector<16xi32>
            %slice3A_738 = vector.extract_strided_slice %all_reduce_population_count3A_737 {offsets = [0], sizes = [1], strides = [1]} : vector<16xi32> to vector<1xi32>
            %squeeze3A_739 = vector.extract %slice3A_738[0] : i32 from vector<1xi32>
            %eq3A_740 = arith.constant 16 : i32
            %eq3A_741 = arith.cmpi eq, %squeeze3A_739, %eq3A_740 : i32
            %jit3A_742 = arith.constant 1.000000e+00 : f32
            %jit3A_743 = arith.constant 0.000000e+00 : f32
            %select_n3A_744 = arith.select %eq3A_741, %jit3A_742, %jit3A_743 : f32
            scf.yield %select_n3A_744 : f32
          } else {
            %cond3A_731 = arith.constant 0.000000e+00 : f32
            scf.yield %cond3A_731 : f32
          }
          %eq3A_726 = vector.broadcast %scan3A_652 : i32 to vector<16xi32>
          %eq3A_727 = arith.cmpi eq, %iota3A, %eq3A_726 : vector<16xi32>
          %broadcast_in_dim3A_728 = vector.broadcast %cond3A_725 : f32 to vector<16xf32>
          %select_n3A_729 = arith.select %eq3A_727, %broadcast_in_dim3A_728, %scan3A_656 : vector<16xi1>, vector<16xf32>
          %add3A_730 = arith.addf %scan3A_660, %cond3A_725 : f32
          scf.yield %select_n3A_681, %select_n3A_697, %select_n3A_713, %select_n3A_729, %add3A_682, %add3A_698, %add3A_714, %add3A_730 : vector<16xf32>, vector<16xf32>, vector<16xf32>, vector<16xf32>, f32, f32, f32, f32
        }
        %scan3A_651 = arith.constant 16 : i32
        scf.yield %scan3A_650#0, %scan3A_650#1, %scan3A_650#2, %scan3A_650#3, %scan3A_650#4, %scan3A_650#5, %scan3A_650#6, %scan3A_650#7 : vector<16xf32>, vector<16xf32>, vector<16xf32>, vector<16xf32>, f32, f32, f32, f32
      }
      %mul3A_622 = arith.constant 16 : i32
      %mul3A_623 = arith.muli %scan3A_288, %mul3A_622 : i32
      %add3A_624 = arith.constant 0 : i32
      %add3A_625 = arith.addi %add3A_624, %mul3A_623 : i32
      %swap3A_626 = arith.index_cast %add3A_625 : i32 to index
      %swap3A_627 = tpu.vector_load %arg10[%swap3A_626] {strides = array<i32>} : memref<256xf32, #tpu.memory_space<vmem>>, vector<16xf32>,
      tpu.vector_store %arg10[%swap3A_626], %cond3A_621#0 {strides = array<i32>} : memref<256xf32, #tpu.memory_space<vmem>>, vector<16xf32>,
      %mul3A_628 = arith.constant 16 : i32
      %mul3A_629 = arith.muli %scan3A_288, %mul3A_628 : i32
      %add3A_630 = arith.constant 64 : i32
      %add3A_631 = arith.addi %add3A_630, %mul3A_629 : i32
      %swap3A_632 = arith.index_cast %add3A_631 : i32 to index
      %swap3A_633 = tpu.vector_load %arg10[%swap3A_632] {strides = array<i32>} : memref<256xf32, #tpu.memory_space<vmem>>, vector<16xf32>,
      tpu.vector_store %arg10[%swap3A_632], %cond3A_621#1 {strides = array<i32>} : memref<256xf32, #tpu.memory_space<vmem>>, vector<16xf32>,
      %mul3A_634 = arith.constant 16 : i32
      %mul3A_635 = arith.muli %scan3A_288, %mul3A_634 : i32
      %add3A_636 = arith.constant 128 : i32
      %add3A_637 = arith.addi %add3A_636, %mul3A_635 : i32
      %swap3A_638 = arith.index_cast %add3A_637 : i32 to index
      %swap3A_639 = tpu.vector_load %arg10[%swap3A_638] {strides = array<i32>} : memref<256xf32, #tpu.memory_space<vmem>>, vector<16xf32>,
      tpu.vector_store %arg10[%swap3A_638], %cond3A_621#2 {strides = array<i32>} : memref<256xf32, #tpu.memory_space<vmem>>, vector<16xf32>,
      %mul3A_640 = arith.constant 16 : i32
      %mul3A_641 = arith.muli %scan3A_288, %mul3A_640 : i32
      %add3A_642 = arith.constant 192 : i32
      %add3A_643 = arith.addi %add3A_642, %mul3A_641 : i32
      %swap3A_644 = arith.index_cast %add3A_643 : i32 to index
      %swap3A_645 = tpu.vector_load %arg10[%swap3A_644] {strides = array<i32>} : memref<256xf32, #tpu.memory_space<vmem>>, vector<16xf32>,
      tpu.vector_store %arg10[%swap3A_644], %cond3A_621#3 {strides = array<i32>} : memref<256xf32, #tpu.memory_space<vmem>>, vector<16xf32>,
      scf.yield %cond3A_621#4, %cond3A_621#5, %cond3A_621#6, %cond3A_621#7 : f32, f32, f32, f32
    }
    %scan3A_151 = arith.constant 4 : i32
    %eq3A_152 = arith.constant 0 : i32
    %eq3A_153 = vector.broadcast %eq3A_152 : i32 to vector<16xi32>
    %eq3A_154 = arith.cmpi eq, %iota3A, %eq3A_153 : vector<16xi32>
    %broadcast_in_dim3A_155 = vector.broadcast %scan3A_150#0 : f32 to vector<16xf32>
    %select_n3A_156 = arith.select %eq3A_154, %broadcast_in_dim3A_155, %broadcast_in_dim3A_48 : vector<16xi1>, vector<16xf32>
    %eq3A_157 = arith.constant 1 : i32
    %eq3A_158 = vector.broadcast %eq3A_157 : i32 to vector<16xi32>
    %eq3A_159 = arith.cmpi eq, %iota3A, %eq3A_158 : vector<16xi32>
    %broadcast_in_dim3A_160 = vector.broadcast %scan3A_150#1 : f32 to vector<16xf32>
    %select_n3A_161 = arith.select %eq3A_159, %broadcast_in_dim3A_160, %select_n3A_156 : vector<16xi1>, vector<16xf32>
    %eq3A_162 = arith.constant 2 : i32
    %eq3A_163 = vector.broadcast %eq3A_162 : i32 to vector<16xi32>
    %eq3A_164 = arith.cmpi eq, %iota3A, %eq3A_163 : vector<16xi32>
    %broadcast_in_dim3A_165 = vector.broadcast %scan3A_150#2 : f32 to vector<16xf32>
    %select_n3A_166 = arith.select %eq3A_164, %broadcast_in_dim3A_165, %select_n3A_161 : vector<16xi1>, vector<16xf32>
    %eq3A_167 = arith.constant 3 : i32
    %eq3A_168 = vector.broadcast %eq3A_167 : i32 to vector<16xi32>
    %eq3A_169 = arith.cmpi eq, %iota3A, %eq3A_168 : vector<16xi32>
    %broadcast_in_dim3A_170 = vector.broadcast %scan3A_150#3 : f32 to vector<16xf32>
    %select_n3A_171 = arith.select %eq3A_169, %broadcast_in_dim3A_170, %select_n3A_166 : vector<16xi1>, vector<16xf32>
    %swap3A = arith.constant 0 : index
    %swap3A_172 = tpu.vector_load %arg11[%swap3A] {strides = array<i32>} : memref<16xf32, #tpu.memory_space<vmem>>, vector<16xf32>,
    tpu.vector_store %arg11[%swap3A], %select_n3A_171 {strides = array<i32>} : memref<16xf32, #tpu.memory_space<vmem>>, vector<16xf32>,
    %scan3A_173 = arith.constant 0 : i32
    %scan3A_174 = arith.constant 1 : i32
    %scan3A_175 = arith.constant 11 : i32
    %scan3A_176 = arith.addi %scan3A_174, %scan3A_175 : i32
    %scan3A_177 = arith.constant 1 : i32
    %scan3A_178 = scf.for %scan3A_288 = %scan3A_174 to %scan3A_176 step %scan3A_177 iter_args(%scan3A_289 = %scan3A_173) -> (i32)  : i32 {
      %mul3A_290 = arith.constant 2 : i32
      %mul3A_291 = arith.muli %mul3A_290, %scan3A_288 : i32
      %add3A_292 = arith.constant 0 : i32
      %add3A_293 = arith.addi %mul3A_291, %add3A_292 : i32
      %dma_wait3A_294 = arith.constant 0 : i32
      %dma_wait3A_295 = tpu.memref_slice %arg4[%mul3A_13, %dma_wait3A_294] : memref<1536x8192xf32, #tpu.memory_space<hbm>> -> memref<8x2048xf32, #tpu.memory_space<hbm>>
      %dma_wait3A_296 = arith.constant 0 : i32
      %dma_wait3A_297 = tpu.memref_slice %arg4[%mul3A_13, %dma_wait3A_296] : memref<1536x8192xf32, #tpu.memory_space<hbm>> -> memref<8x2048xf32, #tpu.memory_space<hbm>>
      tpu.wait_dma2 semaphore(%arg17 : memref<!tpu.dma_semaphore, #tpu.memory_space<semaphore_mem>>) src(%arg8 : memref<8x2048xf32, #tpu.memory_space<vmem>>) dst(%dma_wait3A_297 : memref<8x2048xf32, #tpu.memory_space<hbm>>)
      %sub3A_298 = arith.constant 2 : i32
      %sub3A_299 = arith.subi %add3A_293, %sub3A_298 : i32
      %jit3A_300 = arith.constant 4 : i32
      %div3A_301 = arith.divsi %sub3A_299, %jit3A_300 : i32
      %sign3A_302 = arith.constant 0 : i32
      %sign3A_303 = arith.cmpi sgt, %sub3A_299, %sign3A_302 : i32
      %sign3A_304 = arith.extui %sign3A_303 : i1 to i32
      %sign3A_305 = arith.constant 0 : i32
      %sign3A_306 = arith.cmpi slt, %sub3A_299, %sign3A_305 : i32
      %sign3A_307 = arith.extui %sign3A_306 : i1 to i32
      %sign3A_308 = arith.subi %sign3A_304, %sign3A_307 : i32
      %sign3A_309 = arith.constant 0 : i32
      %sign3A_310 = arith.cmpi sgt, %jit3A_300, %sign3A_309 : i32
      %sign3A_311 = arith.extui %sign3A_310 : i1 to i32
      %sign3A_312 = arith.constant 0 : i32
      %sign3A_313 = arith.cmpi slt, %jit3A_300, %sign3A_312 : i32
      %sign3A_314 = arith.extui %sign3A_313 : i1 to i32
      %sign3A_315 = arith.subi %sign3A_311, %sign3A_314 : i32
      %ne3A_316 = arith.cmpi ne, %sign3A_308, %sign3A_315 : i32
      %rem3A_317 = arith.remsi %sub3A_299, %jit3A_300 : i32
      %ne3A_318 = arith.constant 0 : i32
      %ne3A_319 = arith.cmpi ne, %rem3A_317, %ne3A_318 : i32
      %and3A_320 = arith.andi %ne3A_316, %ne3A_319 : i1
      %sub3A_321 = arith.constant 1 : i32
      %sub3A_322 = arith.subi %div3A_301, %sub3A_321 : i32
      %select_n3A_323 = arith.select %and3A_320, %sub3A_322, %div3A_301 : i32
      %jit3A_324 = arith.constant 4 : i32
      %eq3A_325 = arith.constant 0 : i32
      %eq3A_326 = arith.cmpi eq, %jit3A_324, %eq3A_325 : i32
      %jit3A_327 = arith.constant 1 : i32
      %select_n3A_328 = arith.select %eq3A_326, %jit3A_327, %jit3A_324 : i32
      %rem3A_329 = arith.remsi %sub3A_299, %select_n3A_328 : i32
      %ne3A_330 = arith.constant 0 : i32
      %ne3A_331 = arith.cmpi ne, %rem3A_329, %ne3A_330 : i32
      %lt3A_332 = arith.constant 0 : i32
      %lt3A_333 = arith.cmpi slt, %rem3A_329, %lt3A_332 : i32
      %lt3A_334 = arith.constant 0 : i32
      %lt3A_335 = arith.cmpi slt, %select_n3A_328, %lt3A_334 : i32
      %ne3A_336 = arith.xori %lt3A_333, %lt3A_335 : i1
      %and3A_337 = arith.andi %ne3A_336, %ne3A_331 : i1
      %add3A_338 = arith.addi %rem3A_329, %select_n3A_328 : i32
      %select_n3A_339 = arith.select %and3A_337, %add3A_338, %rem3A_329 : i32
      %mul3A_340 = arith.constant 8 : i32
      %mul3A_341 = arith.muli %select_n3A_323, %mul3A_340 : i32
      %add3A_342 = arith.addi %mul3A_45, %mul3A_341 : i32
      %get3A_343 = arith.index_cast %select_n3A : i32 to index
      %get3A_344 = arith.index_cast %add3A_342 : i32 to index
      %get3A_345 = tpu.vector_load %arg5[%get3A_343, %get3A_344] {strides = array<i32>} : memref<4x400xi32, #tpu.memory_space<vmem>>, vector<16xi32>,
      %shift_right_arithmetic3A_346 = arith.constant 11 : i32
      %shift_right_arithmetic3A_347 = vector.broadcast %shift_right_arithmetic3A_346 : i32 to vector<16xi32>
      %shift_right_arithmetic3A_348 = arith.shrsi %get3A_345, %shift_right_arithmetic3A_347 : vector<16xi32>
      %eq3A_349 = vector.broadcast %select_n3A_339 : i32 to vector<16xi32>
      %eq3A_350 = arith.cmpi eq, %shift_right_arithmetic3A_348, %eq3A_349 : vector<16xi32>
      %and3A_351 = arith.andi %lt3A_51, %eq3A_350 : vector<16xi1>
      %and3A_352 = arith.constant 2047 : i32
      %and3A_353 = vector.broadcast %and3A_352 : i32 to vector<16xi32>
      %and3A_354 = arith.andi %get3A_345, %and3A_353 : vector<16xi32>
      tpu.vector_store_idx %arg8[%iota3A, %and3A_354], %broadcast_in_dim3A_48 masked %and3A_351 : memref<8x2048xf32, #tpu.memory_space<vmem>>[vector<16xi32>, vector<16xi32>], vector<16xf32>, vector<16xi1>
      %jit3A_355 = arith.constant 4 : i32
      %div3A_356 = arith.divsi %add3A_293, %jit3A_355 : i32
      %sign3A_357 = arith.constant 0 : i32
      %sign3A_358 = arith.cmpi sgt, %add3A_293, %sign3A_357 : i32
      %sign3A_359 = arith.extui %sign3A_358 : i1 to i32
      %sign3A_360 = arith.constant 0 : i32
      %sign3A_361 = arith.cmpi slt, %add3A_293, %sign3A_360 : i32
      %sign3A_362 = arith.extui %sign3A_361 : i1 to i32
      %sign3A_363 = arith.subi %sign3A_359, %sign3A_362 : i32
      %sign3A_364 = arith.constant 0 : i32
      %sign3A_365 = arith.cmpi sgt, %jit3A_355, %sign3A_364 : i32
      %sign3A_366 = arith.extui %sign3A_365 : i1 to i32
      %sign3A_367 = arith.constant 0 : i32
      %sign3A_368 = arith.cmpi slt, %jit3A_355, %sign3A_367 : i32
      %sign3A_369 = arith.extui %sign3A_368 : i1 to i32
      %sign3A_370 = arith.subi %sign3A_366, %sign3A_369 : i32
      %ne3A_371 = arith.cmpi ne, %sign3A_363, %sign3A_370 : i32
      %rem3A_372 = arith.remsi %add3A_293, %jit3A_355 : i32
      %ne3A_373 = arith.constant 0 : i32
      %ne3A_374 = arith.cmpi ne, %rem3A_372, %ne3A_373 : i32
      %and3A_375 = arith.andi %ne3A_371, %ne3A_374 : i1
      %sub3A_376 = arith.constant 1 : i32
      %sub3A_377 = arith.subi %div3A_356, %sub3A_376 : i32
      %select_n3A_378 = arith.select %and3A_375, %sub3A_377, %div3A_356 : i32
      %jit3A_379 = arith.constant 4 : i32
      %eq3A_380 = arith.constant 0 : i32
      %eq3A_381 = arith.cmpi eq, %jit3A_379, %eq3A_380 : i32
      %jit3A_382 = arith.constant 1 : i32
      %select_n3A_383 = arith.select %eq3A_381, %jit3A_382, %jit3A_379 : i32
      %rem3A_384 = arith.remsi %add3A_293, %select_n3A_383 : i32
      %ne3A_385 = arith.constant 0 : i32
      %ne3A_386 = arith.cmpi ne, %rem3A_384, %ne3A_385 : i32
      %lt3A_387 = arith.constant 0 : i32
      %lt3A_388 = arith.cmpi slt, %rem3A_384, %lt3A_387 : i32
      %lt3A_389 = arith.constant 0 : i32
      %lt3A_390 = arith.cmpi slt, %select_n3A_383, %lt3A_389 : i32
      %ne3A_391 = arith.xori %lt3A_388, %lt3A_390 : i1
      %and3A_392 = arith.andi %ne3A_391, %ne3A_386 : i1
      %add3A_393 = arith.addi %rem3A_384, %select_n3A_383 : i32
      %select_n3A_394 = arith.select %and3A_392, %add3A_393, %rem3A_384 : i32
      %mul3A_395 = arith.constant 8 : i32
      %mul3A_396 = arith.muli %select_n3A_378, %mul3A_395 : i32
      %add3A_397 = arith.addi %mul3A_45, %mul3A_396 : i32
      %get3A_398 = arith.index_cast %select_n3A : i32 to index
      %get3A_399 = arith.index_cast %add3A_397 : i32 to index
      %get3A_400 = tpu.vector_load %arg5[%get3A_398, %get3A_399] {strides = array<i32>} : memref<4x400xi32, #tpu.memory_space<vmem>>, vector<16xi32>,
      %shift_right_arithmetic3A_401 = arith.constant 11 : i32
      %shift_right_arithmetic3A_402 = vector.broadcast %shift_right_arithmetic3A_401 : i32 to vector<16xi32>
      %shift_right_arithmetic3A_403 = arith.shrsi %get3A_400, %shift_right_arithmetic3A_402 : vector<16xi32>
      %eq3A_404 = vector.broadcast %select_n3A_394 : i32 to vector<16xi32>
      %eq3A_405 = arith.cmpi eq, %shift_right_arithmetic3A_403, %eq3A_404 : vector<16xi32>
      %and3A_406 = arith.andi %lt3A_51, %eq3A_405 : vector<16xi1>
      %and3A_407 = arith.constant 2047 : i32
      %and3A_408 = vector.broadcast %and3A_407 : i32 to vector<16xi32>
      %and3A_409 = arith.andi %get3A_400, %and3A_408 : vector<16xi32>
      tpu.vector_store_idx %arg8[%iota3A, %and3A_409], %broadcast_in_dim3A_46 masked %and3A_406 : memref<8x2048xf32, #tpu.memory_space<vmem>>[vector<16xi32>, vector<16xi32>], vector<16xf32>, vector<16xi1>
      %jit3A_410 = arith.constant 4 : i32
      %div3A_411 = arith.divsi %add3A_293, %jit3A_410 : i32
      %sign3A_412 = arith.constant 0 : i32
      %sign3A_413 = arith.cmpi sgt, %add3A_293, %sign3A_412 : i32
      %sign3A_414 = arith.extui %sign3A_413 : i1 to i32
      %sign3A_415 = arith.constant 0 : i32
      %sign3A_416 = arith.cmpi slt, %add3A_293, %sign3A_415 : i32
      %sign3A_417 = arith.extui %sign3A_416 : i1 to i32
      %sign3A_418 = arith.subi %sign3A_414, %sign3A_417 : i32
      %sign3A_419 = arith.constant 0 : i32
      %sign3A_420 = arith.cmpi sgt, %jit3A_410, %sign3A_419 : i32
      %sign3A_421 = arith.extui %sign3A_420 : i1 to i32
      %sign3A_422 = arith.constant 0 : i32
      %sign3A_423 = arith.cmpi slt, %jit3A_410, %sign3A_422 : i32
      %sign3A_424 = arith.extui %sign3A_423 : i1 to i32
      %sign3A_425 = arith.subi %sign3A_421, %sign3A_424 : i32
      %ne3A_426 = arith.cmpi ne, %sign3A_418, %sign3A_425 : i32
      %rem3A_427 = arith.remsi %add3A_293, %jit3A_410 : i32
      %ne3A_428 = arith.constant 0 : i32
      %ne3A_429 = arith.cmpi ne, %rem3A_427, %ne3A_428 : i32
      %and3A_430 = arith.andi %ne3A_426, %ne3A_429 : i1
      %sub3A_431 = arith.constant 1 : i32
      %sub3A_432 = arith.subi %div3A_411, %sub3A_431 : i32
      %select_n3A_433 = arith.select %and3A_430, %sub3A_432, %div3A_411 : i32
      %jit3A_434 = arith.constant 4 : i32
      %eq3A_435 = arith.constant 0 : i32
      %eq3A_436 = arith.cmpi eq, %jit3A_434, %eq3A_435 : i32
      %jit3A_437 = arith.constant 1 : i32
      %select_n3A_438 = arith.select %eq3A_436, %jit3A_437, %jit3A_434 : i32
      %rem3A_439 = arith.remsi %add3A_293, %select_n3A_438 : i32
      %ne3A_440 = arith.constant 0 : i32
      %ne3A_441 = arith.cmpi ne, %rem3A_439, %ne3A_440 : i32
      %lt3A_442 = arith.constant 0 : i32
      %lt3A_443 = arith.cmpi slt, %rem3A_439, %lt3A_442 : i32
      %lt3A_444 = arith.constant 0 : i32
      %lt3A_445 = arith.cmpi slt, %select_n3A_438, %lt3A_444 : i32
      %ne3A_446 = arith.xori %lt3A_443, %lt3A_445 : i1
      %and3A_447 = arith.andi %ne3A_446, %ne3A_441 : i1
      %add3A_448 = arith.addi %rem3A_439, %select_n3A_438 : i32
      %select_n3A_449 = arith.select %and3A_447, %add3A_448, %rem3A_439 : i32
      %mul3A_450 = arith.constant 8 : i32
      %mul3A_451 = arith.muli %select_n3A_433, %mul3A_450 : i32
      %add3A_452 = arith.addi %mul3A_13, %mul3A_451 : i32
      %mul3A_453 = arith.constant 2048 : i32
      %mul3A_454 = arith.muli %select_n3A_449, %mul3A_453 : i32
      %dma_start3A_455 = tpu.memref_slice %arg4[%add3A_452, %mul3A_454] : memref<1536x8192xf32, #tpu.memory_space<hbm>> -> memref<8x2048xf32, #tpu.memory_space<hbm>>
      %dma_start3A_456 = tpu.memref_slice %arg4[%add3A_452, %mul3A_454] : memref<1536x8192xf32, #tpu.memory_space<hbm>> -> memref<8x2048xf32, #tpu.memory_space<hbm>>
      tpu.enqueue_dma source(%arg8 : memref<8x2048xf32, #tpu.memory_space<vmem>>) target(%dma_start3A_456 : memref<8x2048xf32, #tpu.memory_space<hbm>>) target_semaphore(%arg17 : memref<!tpu.dma_semaphore, #tpu.memory_space<semaphore_mem>>)
      %mul3A_457 = arith.constant 2 : i32
      %mul3A_458 = arith.muli %mul3A_457, %scan3A_288 : i32
      %add3A_459 = arith.constant 1 : i32
      %add3A_460 = arith.addi %mul3A_458, %add3A_459 : i32
      %dma_wait3A_461 = arith.constant 0 : i32
      %dma_wait3A_462 = tpu.memref_slice %arg4[%mul3A_13, %dma_wait3A_461] : memref<1536x8192xf32, #tpu.memory_space<hbm>> -> memref<8x2048xf32, #tpu.memory_space<hbm>>
      %dma_wait3A_463 = arith.constant 0 : i32
      %dma_wait3A_464 = tpu.memref_slice %arg4[%mul3A_13, %dma_wait3A_463] : memref<1536x8192xf32, #tpu.memory_space<hbm>> -> memref<8x2048xf32, #tpu.memory_space<hbm>>
      tpu.wait_dma2 semaphore(%arg18 : memref<!tpu.dma_semaphore, #tpu.memory_space<semaphore_mem>>) src(%arg9 : memref<8x2048xf32, #tpu.memory_space<vmem>>) dst(%dma_wait3A_464 : memref<8x2048xf32, #tpu.memory_space<hbm>>)
      %sub3A_465 = arith.constant 2 : i32
      %sub3A_466 = arith.subi %add3A_460, %sub3A_465 : i32
      %jit3A_467 = arith.constant 4 : i32
      %div3A_468 = arith.divsi %sub3A_466, %jit3A_467 : i32
      %sign3A_469 = arith.constant 0 : i32
      %sign3A_470 = arith.cmpi sgt, %sub3A_466, %sign3A_469 : i32
      %sign3A_471 = arith.extui %sign3A_470 : i1 to i32
      %sign3A_472 = arith.constant 0 : i32
      %sign3A_473 = arith.cmpi slt, %sub3A_466, %sign3A_472 : i32
      %sign3A_474 = arith.extui %sign3A_473 : i1 to i32
      %sign3A_475 = arith.subi %sign3A_471, %sign3A_474 : i32
      %sign3A_476 = arith.constant 0 : i32
      %sign3A_477 = arith.cmpi sgt, %jit3A_467, %sign3A_476 : i32
      %sign3A_478 = arith.extui %sign3A_477 : i1 to i32
      %sign3A_479 = arith.constant 0 : i32
      %sign3A_480 = arith.cmpi slt, %jit3A_467, %sign3A_479 : i32
      %sign3A_481 = arith.extui %sign3A_480 : i1 to i32
      %sign3A_482 = arith.subi %sign3A_478, %sign3A_481 : i32
      %ne3A_483 = arith.cmpi ne, %sign3A_475, %sign3A_482 : i32
      %rem3A_484 = arith.remsi %sub3A_466, %jit3A_467 : i32
      %ne3A_485 = arith.constant 0 : i32
      %ne3A_486 = arith.cmpi ne, %rem3A_484, %ne3A_485 : i32
      %and3A_487 = arith.andi %ne3A_483, %ne3A_486 : i1
      %sub3A_488 = arith.constant 1 : i32
      %sub3A_489 = arith.subi %div3A_468, %sub3A_488 : i32
      %select_n3A_490 = arith.select %and3A_487, %sub3A_489, %div3A_468 : i32
      %jit3A_491 = arith.constant 4 : i32
      %eq3A_492 = arith.constant 0 : i32
      %eq3A_493 = arith.cmpi eq, %jit3A_491, %eq3A_492 : i32
      %jit3A_494 = arith.constant 1 : i32
      %select_n3A_495 = arith.select %eq3A_493, %jit3A_494, %jit3A_491 : i32
      %rem3A_496 = arith.remsi %sub3A_466, %select_n3A_495 : i32
      %ne3A_497 = arith.constant 0 : i32
      %ne3A_498 = arith.cmpi ne, %rem3A_496, %ne3A_497 : i32
      %lt3A_499 = arith.constant 0 : i32
      %lt3A_500 = arith.cmpi slt, %rem3A_496, %lt3A_499 : i32
      %lt3A_501 = arith.constant 0 : i32
      %lt3A_502 = arith.cmpi slt, %select_n3A_495, %lt3A_501 : i32
      %ne3A_503 = arith.xori %lt3A_500, %lt3A_502 : i1
      %and3A_504 = arith.andi %ne3A_503, %ne3A_498 : i1
      %add3A_505 = arith.addi %rem3A_496, %select_n3A_495 : i32
      %select_n3A_506 = arith.select %and3A_504, %add3A_505, %rem3A_496 : i32
      %mul3A_507 = arith.constant 8 : i32
      %mul3A_508 = arith.muli %select_n3A_490, %mul3A_507 : i32
      %add3A_509 = arith.addi %mul3A_45, %mul3A_508 : i32
      %get3A_510 = arith.index_cast %select_n3A : i32 to index
      %get3A_511 = arith.index_cast %add3A_509 : i32 to index
      %get3A_512 = tpu.vector_load %arg5[%get3A_510, %get3A_511] {strides = array<i32>} : memref<4x400xi32, #tpu.memory_space<vmem>>, vector<16xi32>,
      %shift_right_arithmetic3A_513 = arith.constant 11 : i32
      %shift_right_arithmetic3A_514 = vector.broadcast %shift_right_arithmetic3A_513 : i32 to vector<16xi32>
      %shift_right_arithmetic3A_515 = arith.shrsi %get3A_512, %shift_right_arithmetic3A_514 : vector<16xi32>
      %eq3A_516 = vector.broadcast %select_n3A_506 : i32 to vector<16xi32>
      %eq3A_517 = arith.cmpi eq, %shift_right_arithmetic3A_515, %eq3A_516 : vector<16xi32>
      %and3A_518 = arith.andi %lt3A_51, %eq3A_517 : vector<16xi1>
      %and3A_519 = arith.constant 2047 : i32
      %and3A_520 = vector.broadcast %and3A_519 : i32 to vector<16xi32>
      %and3A_521 = arith.andi %get3A_512, %and3A_520 : vector<16xi32>
      tpu.vector_store_idx %arg9[%iota3A, %and3A_521], %broadcast_in_dim3A_48 masked %and3A_518 : memref<8x2048xf32, #tpu.memory_space<vmem>>[vector<16xi32>, vector<16xi32>], vector<16xf32>, vector<16xi1>
      %jit3A_522 = arith.constant 4 : i32
      %div3A_523 = arith.divsi %add3A_460, %jit3A_522 : i32
      %sign3A_524 = arith.constant 0 : i32
      %sign3A_525 = arith.cmpi sgt, %add3A_460, %sign3A_524 : i32
      %sign3A_526 = arith.extui %sign3A_525 : i1 to i32
      %sign3A_527 = arith.constant 0 : i32
      %sign3A_528 = arith.cmpi slt, %add3A_460, %sign3A_527 : i32
      %sign3A_529 = arith.extui %sign3A_528 : i1 to i32
      %sign3A_530 = arith.subi %sign3A_526, %sign3A_529 : i32
      %sign3A_531 = arith.constant 0 : i32
      %sign3A_532 = arith.cmpi sgt, %jit3A_522, %sign3A_531 : i32
      %sign3A_533 = arith.extui %sign3A_532 : i1 to i32
      %sign3A_534 = arith.constant 0 : i32
      %sign3A_535 = arith.cmpi slt, %jit3A_522, %sign3A_534 : i32
      %sign3A_536 = arith.extui %sign3A_535 : i1 to i32
      %sign3A_537 = arith.subi %sign3A_533, %sign3A_536 : i32
      %ne3A_538 = arith.cmpi ne, %sign3A_530, %sign3A_537 : i32
      %rem3A_539 = arith.remsi %add3A_460, %jit3A_522 : i32
      %ne3A_540 = arith.constant 0 : i32
      %ne3A_541 = arith.cmpi ne, %rem3A_539, %ne3A_540 : i32
      %and3A_542 = arith.andi %ne3A_538, %ne3A_541 : i1
      %sub3A_543 = arith.constant 1 : i32
      %sub3A_544 = arith.subi %div3A_523, %sub3A_543 : i32
      %select_n3A_545 = arith.select %and3A_542, %sub3A_544, %div3A_523 : i32
      %jit3A_546 = arith.constant 4 : i32
      %eq3A_547 = arith.constant 0 : i32
      %eq3A_548 = arith.cmpi eq, %jit3A_546, %eq3A_547 : i32
      %jit3A_549 = arith.constant 1 : i32
      %select_n3A_550 = arith.select %eq3A_548, %jit3A_549, %jit3A_546 : i32
      %rem3A_551 = arith.remsi %add3A_460, %select_n3A_550 : i32
      %ne3A_552 = arith.constant 0 : i32
      %ne3A_553 = arith.cmpi ne, %rem3A_551, %ne3A_552 : i32
      %lt3A_554 = arith.constant 0 : i32
      %lt3A_555 = arith.cmpi slt, %rem3A_551, %lt3A_554 : i32
      %lt3A_556 = arith.constant 0 : i32
      %lt3A_557 = arith.cmpi slt, %select_n3A_550, %lt3A_556 : i32
      %ne3A_558 = arith.xori %lt3A_555, %lt3A_557 : i1
      %and3A_559 = arith.andi %ne3A_558, %ne3A_553 : i1
      %add3A_560 = arith.addi %rem3A_551, %select_n3A_550 : i32
      %select_n3A_561 = arith.select %and3A_559, %add3A_560, %rem3A_551 : i32
      %mul3A_562 = arith.constant 8 : i32
      %mul3A_563 = arith.muli %select_n3A_545, %mul3A_562 : i32
      %add3A_564 = arith.addi %mul3A_45, %mul3A_563 : i32
      %get3A_565 = arith.index_cast %select_n3A : i32 to index
      %get3A_566 = arith.index_cast %add3A_564 : i32 to index
      %get3A_567 = tpu.vector_load %arg5[%get3A_565, %get3A_566] {strides = array<i32>} : memref<4x400xi32, #tpu.memory_space<vmem>>, vector<16xi32>,
      %shift_right_arithmetic3A_568 = arith.constant 11 : i32
      %shift_right_arithmetic3A_569 = vector.broadcast %shift_right_arithmetic3A_568 : i32 to vector<16xi32>
      %shift_right_arithmetic3A_570 = arith.shrsi %get3A_567, %shift_right_arithmetic3A_569 : vector<16xi32>
      %eq3A_571 = vector.broadcast %select_n3A_561 : i32 to vector<16xi32>
      %eq3A_572 = arith.cmpi eq, %shift_right_arithmetic3A_570, %eq3A_571 : vector<16xi32>
      %and3A_573 = arith.andi %lt3A_51, %eq3A_572 : vector<16xi1>
      %and3A_574 = arith.constant 2047 : i32
      %and3A_575 = vector.broadcast %and3A_574 : i32 to vector<16xi32>
      %and3A_576 = arith.andi %get3A_567, %and3A_575 : vector<16xi32>
      tpu.vector_store_idx %arg9[%iota3A, %and3A_576], %broadcast_in_dim3A_46 masked %and3A_573 : memref<8x2048xf32, #tpu.memory_space<vmem>>[vector<16xi32>, vector<16xi32>], vector<16xf32>, vector<16xi1>
      %jit3A_577 = arith.constant 4 : i32
      %div3A_578 = arith.divsi %add3A_460, %jit3A_577 : i32
      %sign3A_579 = arith.constant 0 : i32
      %sign3A_580 = arith.cmpi sgt, %add3A_460, %sign3A_579 : i32
      %sign3A_581 = arith.extui %sign3A_580 : i1 to i32
      %sign3A_582 = arith.constant 0 : i32
      %sign3A_583 = arith.cmpi slt, %add3A_460, %sign3A_582 : i32
      %sign3A_584 = arith.extui %sign3A_583 : i1 to i32
      %sign3A_585 = arith.subi %sign3A_581, %sign3A_584 : i32
      %sign3A_586 = arith.constant 0 : i32
      %sign3A_587 = arith.cmpi sgt, %jit3A_577, %sign3A_586 : i32
      %sign3A_588 = arith.extui %sign3A_587 : i1 to i32
      %sign3A_589 = arith.constant 0 : i32
      %sign3A_590 = arith.cmpi slt, %jit3A_577, %sign3A_589 : i32
      %sign3A_591 = arith.extui %sign3A_590 : i1 to i32
      %sign3A_592 = arith.subi %sign3A_588, %sign3A_591 : i32
      %ne3A_593 = arith.cmpi ne, %sign3A_585, %sign3A_592 : i32
      %rem3A_594 = arith.remsi %add3A_460, %jit3A_577 : i32
      %ne3A_595 = arith.constant 0 : i32
      %ne3A_596 = arith.cmpi ne, %rem3A_594, %ne3A_595 : i32
      %and3A_597 = arith.andi %ne3A_593, %ne3A_596 : i1
      %sub3A_598 = arith.constant 1 : i32
      %sub3A_599 = arith.subi %div3A_578, %sub3A_598 : i32
      %select_n3A_600 = arith.select %and3A_597, %sub3A_599, %div3A_578 : i32
      %jit3A_601 = arith.constant 4 : i32
      %eq3A_602 = arith.constant 0 : i32
      %eq3A_603 = arith.cmpi eq, %jit3A_601, %eq3A_602 : i32
      %jit3A_604 = arith.constant 1 : i32
      %select_n3A_605 = arith.select %eq3A_603, %jit3A_604, %jit3A_601 : i32
      %rem3A_606 = arith.remsi %add3A_460, %select_n3A_605 : i32
      %ne3A_607 = arith.constant 0 : i32
      %ne3A_608 = arith.cmpi ne, %rem3A_606, %ne3A_607 : i32
      %lt3A_609 = arith.constant 0 : i32
      %lt3A_610 = arith.cmpi slt, %rem3A_606, %lt3A_609 : i32
      %lt3A_611 = arith.constant 0 : i32
      %lt3A_612 = arith.cmpi slt, %select_n3A_605, %lt3A_611 : i32
      %ne3A_613 = arith.xori %lt3A_610, %lt3A_612 : i1
      %and3A_614 = arith.andi %ne3A_613, %ne3A_608 : i1
      %add3A_615 = arith.addi %rem3A_606, %select_n3A_605 : i32
      %select_n3A_616 = arith.select %and3A_614, %add3A_615, %rem3A_606 : i32
      %mul3A_617 = arith.constant 8 : i32
      %mul3A_618 = arith.muli %select_n3A_600, %mul3A_617 : i32
      %add3A_619 = arith.addi %mul3A_13, %mul3A_618 : i32
      %mul3A_620 = arith.constant 2048 : i32
      %mul3A_621 = arith.muli %select_n3A_616, %mul3A_620 : i32
      %dma_start3A_622 = tpu.memref_slice %arg4[%add3A_619, %mul3A_621] : memref<1536x8192xf32, #tpu.memory_space<hbm>> -> memref<8x2048xf32, #tpu.memory_space<hbm>>
      %dma_start3A_623 = tpu.memref_slice %arg4[%add3A_619, %mul3A_621] : memref<1536x8192xf32, #tpu.memory_space<hbm>> -> memref<8x2048xf32, #tpu.memory_space<hbm>>
      tpu.enqueue_dma source(%arg9 : memref<8x2048xf32, #tpu.memory_space<vmem>>) target(%dma_start3A_623 : memref<8x2048xf32, #tpu.memory_space<hbm>>) target_semaphore(%arg18 : memref<!tpu.dma_semaphore, #tpu.memory_space<semaphore_mem>>)
      %scan3A_624 = arith.constant 0 : i32
      scf.yield %scan3A_624 : i32
    }
    %scan3A_179 = arith.constant 11 : i32
    %dma_wait3A_180 = arith.constant 0 : i32
    %dma_wait3A_181 = tpu.memref_slice %arg4[%mul3A_13, %dma_wait3A_180] : memref<1536x8192xf32, #tpu.memory_space<hbm>> -> memref<8x2048xf32, #tpu.memory_space<hbm>>
    %dma_wait3A_182 = arith.constant 0 : i32
    %dma_wait3A_183 = tpu.memref_slice %arg4[%mul3A_13, %dma_wait3A_182] : memref<1536x8192xf32, #tpu.memory_space<hbm>> -> memref<8x2048xf32, #tpu.memory_space<hbm>>
    tpu.wait_dma2 semaphore(%arg17 : memref<!tpu.dma_semaphore, #tpu.memory_space<semaphore_mem>>) src(%arg8 : memref<8x2048xf32, #tpu.memory_space<vmem>>) dst(%dma_wait3A_183 : memref<8x2048xf32, #tpu.memory_space<hbm>>)
    %add3A_184 = arith.constant 40 : i32
    %add3A_185 = arith.addi %mul3A_45, %add3A_184 : i32
    %get3A_186 = arith.index_cast %select_n3A : i32 to index
    %get3A_187 = arith.index_cast %add3A_185 : i32 to index
    %get3A_188 = tpu.vector_load %arg5[%get3A_186, %get3A_187] {strides = array<i32>} : memref<4x400xi32, #tpu.memory_space<vmem>>, vector<16xi32>,
    %shift_right_arithmetic3A_189 = arith.constant 11 : i32
    %shift_right_arithmetic3A_190 = vector.broadcast %shift_right_arithmetic3A_189 : i32 to vector<16xi32>
    %shift_right_arithmetic3A_191 = arith.shrsi %get3A_188, %shift_right_arithmetic3A_190 : vector<16xi32>
    %eq3A_192 = arith.constant 2 : i32
    %eq3A_193 = vector.broadcast %eq3A_192 : i32 to vector<16xi32>
    %eq3A_194 = arith.cmpi eq, %shift_right_arithmetic3A_191, %eq3A_193 : vector<16xi32>
    %and3A_195 = arith.andi %lt3A_51, %eq3A_194 : vector<16xi1>
    %and3A_196 = arith.constant 2047 : i32
    %and3A_197 = vector.broadcast %and3A_196 : i32 to vector<16xi32>
    %and3A_198 = arith.andi %get3A_188, %and3A_197 : vector<16xi32>
    tpu.vector_store_idx %arg8[%iota3A, %and3A_198], %broadcast_in_dim3A_48 masked %and3A_195 : memref<8x2048xf32, #tpu.memory_space<vmem>>[vector<16xi32>, vector<16xi32>], vector<16xf32>, vector<16xi1>
    %dma_wait3A_199 = arith.constant 0 : i32
    %dma_wait3A_200 = tpu.memref_slice %arg4[%mul3A_13, %dma_wait3A_199] : memref<1536x8192xf32, #tpu.memory_space<hbm>> -> memref<8x2048xf32, #tpu.memory_space<hbm>>
    %dma_wait3A_201 = arith.constant 0 : i32
    %dma_wait3A_202 = tpu.memref_slice %arg4[%mul3A_13, %dma_wait3A_201] : memref<1536x8192xf32, #tpu.memory_space<hbm>> -> memref<8x2048xf32, #tpu.memory_space<hbm>>
    tpu.wait_dma2 semaphore(%arg18 : memref<!tpu.dma_semaphore, #tpu.memory_space<semaphore_mem>>) src(%arg9 : memref<8x2048xf32, #tpu.memory_space<vmem>>) dst(%dma_wait3A_202 : memref<8x2048xf32, #tpu.memory_space<hbm>>)
    %add3A_203 = arith.constant 40 : i32
    %add3A_204 = arith.addi %mul3A_45, %add3A_203 : i32
    %get3A_205 = arith.index_cast %select_n3A : i32 to index
    %get3A_206 = arith.index_cast %add3A_204 : i32 to index
    %get3A_207 = tpu.vector_load %arg5[%get3A_205, %get3A_206] {strides = array<i32>} : memref<4x400xi32, #tpu.memory_space<vmem>>, vector<16xi32>,
    %shift_right_arithmetic3A_208 = arith.constant 11 : i32
    %shift_right_arithmetic3A_209 = vector.broadcast %shift_right_arithmetic3A_208 : i32 to vector<16xi32>
    %shift_right_arithmetic3A_210 = arith.shrsi %get3A_207, %shift_right_arithmetic3A_209 : vector<16xi32>
    %eq3A_211 = arith.constant 3 : i32
    %eq3A_212 = vector.broadcast %eq3A_211 : i32 to vector<16xi32>
    %eq3A_213 = arith.cmpi eq, %shift_right_arithmetic3A_210, %eq3A_212 : vector<16xi32>
    %and3A_214 = arith.andi %lt3A_51, %eq3A_213 : vector<16xi1>
    %and3A_215 = arith.constant 2047 : i32
    %and3A_216 = vector.broadcast %and3A_215 : i32 to vector<16xi32>
    %and3A_217 = arith.andi %get3A_207, %and3A_216 : vector<16xi32>
    tpu.vector_store_idx %arg9[%iota3A, %and3A_217], %broadcast_in_dim3A_48 masked %and3A_214 : memref<8x2048xf32, #tpu.memory_space<vmem>>[vector<16xi32>, vector<16xi32>], vector<16xf32>, vector<16xi1>
    %mul3A_218 = arith.constant 256 : i32
    %mul3A_219 = arith.muli %arg1, %mul3A_218 : i32
    "tpu.region"() ({
      %run_scoped3A = tpu.sem_alloc : memref<!tpu.dma_semaphore, #tpu.memory_space<semaphore_mem>>
      %dma_start3A_288 = tpu.memref_slice %arg15[%mul3A_219] : memref<4096xf32, #tpu.memory_space<vmem_shared>> -> memref<256xf32, #tpu.memory_space<vmem_shared>>
      %dma_start3A_289 = tpu.memref_slice %arg15[%mul3A_219] : memref<4096xf32, #tpu.memory_space<vmem_shared>> -> memref<256xf32, #tpu.memory_space<vmem_shared>>
      tpu.enqueue_dma source(%arg10 : memref<256xf32, #tpu.memory_space<vmem>>) target(%dma_start3A_289 : memref<256xf32, #tpu.memory_space<vmem_shared>>) target_semaphore(%run_scoped3A : memref<!tpu.dma_semaphore, #tpu.memory_space<semaphore_mem>>)
      %dma_wait3A_290 = tpu.memref_slice %arg15[%mul3A_219] : memref<4096xf32, #tpu.memory_space<vmem_shared>> -> memref<256xf32, #tpu.memory_space<vmem_shared>>
      %dma_wait3A_291 = tpu.memref_slice %arg15[%mul3A_219] : memref<4096xf32, #tpu.memory_space<vmem_shared>> -> memref<256xf32, #tpu.memory_space<vmem_shared>>
      tpu.wait_dma2 semaphore(%run_scoped3A : memref<!tpu.dma_semaphore, #tpu.memory_space<semaphore_mem>>) src(%arg10 : memref<256xf32, #tpu.memory_space<vmem>>) dst(%dma_wait3A_291 : memref<256xf32, #tpu.memory_space<vmem_shared>>)
      tpu.yield
    }) : () -> ()
    %mul3A_220 = arith.constant 16 : i32
    %mul3A_221 = arith.muli %arg1, %mul3A_220 : i32
    "tpu.region"() ({
      %run_scoped3A = tpu.sem_alloc : memref<!tpu.dma_semaphore, #tpu.memory_space<semaphore_mem>>
      %dma_start3A_288 = tpu.memref_slice %arg16[%mul3A_221] : memref<256xf32, #tpu.memory_space<vmem_shared>> -> memref<16xf32, #tpu.memory_space<vmem_shared>>
      %dma_start3A_289 = tpu.memref_slice %arg16[%mul3A_221] : memref<256xf32, #tpu.memory_space<vmem_shared>> -> memref<16xf32, #tpu.memory_space<vmem_shared>>
      tpu.enqueue_dma source(%arg11 : memref<16xf32, #tpu.memory_space<vmem>>) target(%dma_start3A_289 : memref<16xf32, #tpu.memory_space<vmem_shared>>) target_semaphore(%run_scoped3A : memref<!tpu.dma_semaphore, #tpu.memory_space<semaphore_mem>>)
      %dma_wait3A_290 = tpu.memref_slice %arg16[%mul3A_221] : memref<256xf32, #tpu.memory_space<vmem_shared>> -> memref<16xf32, #tpu.memory_space<vmem_shared>>
      %dma_wait3A_291 = tpu.memref_slice %arg16[%mul3A_221] : memref<256xf32, #tpu.memory_space<vmem_shared>> -> memref<16xf32, #tpu.memory_space<vmem_shared>>
      tpu.wait_dma2 semaphore(%run_scoped3A : memref<!tpu.dma_semaphore, #tpu.memory_space<semaphore_mem>>) src(%arg11 : memref<16xf32, #tpu.memory_space<vmem>>) dst(%dma_wait3A_291 : memref<16xf32, #tpu.memory_space<vmem_shared>>)
      tpu.yield
    }) : () -> ()
    %barrier3A = arith.constant 0 : index
    tpu.barrier barrier_id(%barrier3A)
    "tpu.region"() ({
      %run_scoped3A = tpu.sem_alloc : memref<!tpu.dma_semaphore, #tpu.memory_space<semaphore_mem>>
      tpu.enqueue_dma source(%arg16 : memref<256xf32, #tpu.memory_space<vmem_shared>>) target(%arg13 : memref<256xf32, #tpu.memory_space<vmem>>) target_semaphore(%run_scoped3A : memref<!tpu.dma_semaphore, #tpu.memory_space<semaphore_mem>>)
      tpu.wait_dma2 semaphore(%run_scoped3A : memref<!tpu.dma_semaphore, #tpu.memory_space<semaphore_mem>>) src(%arg16 : memref<256xf32, #tpu.memory_space<vmem_shared>>) dst(%arg13 : memref<256xf32, #tpu.memory_space<vmem>>)
      tpu.yield
    }) : () -> ()
    %get3A_222 = arith.constant 0 : index
    %get3A_223 = tpu.vector_load %arg13[%get3A_222] {strides = array<i32>} : memref<256xf32, #tpu.memory_space<vmem>>, vector<16xf32>,
    %get3A_224 = arith.constant 16 : index
    %get3A_225 = tpu.vector_load %arg13[%get3A_224] {strides = array<i32>} : memref<256xf32, #tpu.memory_space<vmem>>, vector<16xf32>,
    %add3A_226 = arith.addf %get3A_223, %get3A_225 : vector<16xf32>
    %get3A_227 = arith.constant 32 : index
    %get3A_228 = tpu.vector_load %arg13[%get3A_227] {strides = array<i32>} : memref<256xf32, #tpu.memory_space<vmem>>, vector<16xf32>,
    %add3A_229 = arith.addf %add3A_226, %get3A_228 : vector<16xf32>
    %get3A_230 = arith.constant 48 : index
    %get3A_231 = tpu.vector_load %arg13[%get3A_230] {strides = array<i32>} : memref<256xf32, #tpu.memory_space<vmem>>, vector<16xf32>,
    %add3A_232 = arith.addf %add3A_229, %get3A_231 : vector<16xf32>
    %get3A_233 = arith.constant 64 : index
    %get3A_234 = tpu.vector_load %arg13[%get3A_233] {strides = array<i32>} : memref<256xf32, #tpu.memory_space<vmem>>, vector<16xf32>,
    %add3A_235 = arith.addf %add3A_232, %get3A_234 : vector<16xf32>
    %get3A_236 = arith.constant 80 : index
    %get3A_237 = tpu.vector_load %arg13[%get3A_236] {strides = array<i32>} : memref<256xf32, #tpu.memory_space<vmem>>, vector<16xf32>,
    %add3A_238 = arith.addf %add3A_235, %get3A_237 : vector<16xf32>
    %get3A_239 = arith.constant 96 : index
    %get3A_240 = tpu.vector_load %arg13[%get3A_239] {strides = array<i32>} : memref<256xf32, #tpu.memory_space<vmem>>, vector<16xf32>,
    %add3A_241 = arith.addf %add3A_238, %get3A_240 : vector<16xf32>
    %get3A_242 = arith.constant 112 : index
    %get3A_243 = tpu.vector_load %arg13[%get3A_242] {strides = array<i32>} : memref<256xf32, #tpu.memory_space<vmem>>, vector<16xf32>,
    %add3A_244 = arith.addf %add3A_241, %get3A_243 : vector<16xf32>
    %get3A_245 = arith.constant 128 : index
    %get3A_246 = tpu.vector_load %arg13[%get3A_245] {strides = array<i32>} : memref<256xf32, #tpu.memory_space<vmem>>, vector<16xf32>,
    %add3A_247 = arith.addf %add3A_244, %get3A_246 : vector<16xf32>
    %get3A_248 = arith.constant 144 : index
    %get3A_249 = tpu.vector_load %arg13[%get3A_248] {strides = array<i32>} : memref<256xf32, #tpu.memory_space<vmem>>, vector<16xf32>,
    %add3A_250 = arith.addf %add3A_247, %get3A_249 : vector<16xf32>
    %get3A_251 = arith.constant 160 : index
    %get3A_252 = tpu.vector_load %arg13[%get3A_251] {strides = array<i32>} : memref<256xf32, #tpu.memory_space<vmem>>, vector<16xf32>,
    %add3A_253 = arith.addf %add3A_250, %get3A_252 : vector<16xf32>
    %get3A_254 = arith.constant 176 : index
    %get3A_255 = tpu.vector_load %arg13[%get3A_254] {strides = array<i32>} : memref<256xf32, #tpu.memory_space<vmem>>, vector<16xf32>,
    %add3A_256 = arith.addf %add3A_253, %get3A_255 : vector<16xf32>
    %get3A_257 = arith.constant 192 : index
    %get3A_258 = tpu.vector_load %arg13[%get3A_257] {strides = array<i32>} : memref<256xf32, #tpu.memory_space<vmem>>, vector<16xf32>,
    %add3A_259 = arith.addf %add3A_256, %get3A_258 : vector<16xf32>
    %get3A_260 = arith.constant 208 : index
    %get3A_261 = tpu.vector_load %arg13[%get3A_260] {strides = array<i32>} : memref<256xf32, #tpu.memory_space<vmem>>, vector<16xf32>,
    %add3A_262 = arith.addf %add3A_259, %get3A_261 : vector<16xf32>
    %get3A_263 = arith.constant 224 : index
    %get3A_264 = tpu.vector_load %arg13[%get3A_263] {strides = array<i32>} : memref<256xf32, #tpu.memory_space<vmem>>, vector<16xf32>,
    %add3A_265 = arith.addf %add3A_262, %get3A_264 : vector<16xf32>
    %get3A_266 = arith.constant 240 : index
    %get3A_267 = tpu.vector_load %arg13[%get3A_266] {strides = array<i32>} : memref<256xf32, #tpu.memory_space<vmem>>, vector<16xf32>,
    %add3A_268 = arith.addf %add3A_265, %get3A_267 : vector<16xf32>
    %swap3A_269 = arith.constant 0 : index
    %swap3A_270 = tpu.vector_load %arg14[%swap3A_269] {strides = array<i32>} : memref<16xf32, #tpu.memory_space<vmem>>, vector<16xf32>,
    tpu.vector_store %arg14[%swap3A_269], %add3A_268 {strides = array<i32>} : memref<16xf32, #tpu.memory_space<vmem>>, vector<16xf32>,
    %slice3A = vector.extract_strided_slice %add3A_268 {offsets = [3], sizes = [1], strides = [1]} : vector<16xf32> to vector<1xf32>
    %squeeze3A = vector.extract %slice3A[0] : f32 from vector<1xf32>
    %eq3A_271 = arith.constant 0 : i32
    %eq3A_272 = arith.cmpi eq, %select_n3A, %eq3A_271 : i32
    %slice3A_273 = vector.extract_strided_slice %add3A_268 {offsets = [0], sizes = [1], strides = [1]} : vector<16xf32> to vector<1xf32>
    %squeeze3A_274 = vector.extract %slice3A_273[0] : f32 from vector<1xf32>
    %select_n3A_275 = arith.select %eq3A_272, %squeeze3A_274, %squeeze3A : f32
    %eq3A_276 = arith.constant 1 : i32
    %eq3A_277 = arith.cmpi eq, %select_n3A, %eq3A_276 : i32
    %slice3A_278 = vector.extract_strided_slice %add3A_268 {offsets = [1], sizes = [1], strides = [1]} : vector<16xf32> to vector<1xf32>
    %squeeze3A_279 = vector.extract %slice3A_278[0] : f32 from vector<1xf32>
    %select_n3A_280 = arith.select %eq3A_277, %squeeze3A_279, %select_n3A_275 : f32
    %eq3A_281 = arith.constant 2 : i32
    %eq3A_282 = arith.cmpi eq, %select_n3A, %eq3A_281 : i32
    %slice3A_283 = vector.extract_strided_slice %add3A_268 {offsets = [2], sizes = [1], strides = [1]} : vector<16xf32> to vector<1xf32>
    %squeeze3A_284 = vector.extract %slice3A_283[0] : f32 from vector<1xf32>
    %select_n3A_285 = arith.select %eq3A_282, %squeeze3A_284, %select_n3A_280 : f32
    %gt3A = arith.constant 0.000000e+00 : f32
    %gt3A_286 = arith.cmpf ogt, %select_n3A_285, %gt3A : f32
    %convert_element_type3A = arith.extui %gt3A_286 : i1 to i32
    %cond3A = arith.constant 0 : i32
    %cond3A_287 = arith.cmpi ne, %convert_element_type3A, %cond3A : i32
    scf.if %cond3A_287 {
      %broadcast_in_dim3A_288 = vector.broadcast %select_n3A_285 : f32 to vector<16xf32>
      %div3A_289 = arith.divf %broadcast_in_dim3A_46, %broadcast_in_dim3A_288 : vector<16xf32>
      "tpu.region"() ({
        %run_scoped3A = tpu.sem_alloc : memref<!tpu.dma_semaphore, #tpu.memory_space<semaphore_mem>>
        tpu.enqueue_dma source(%arg15 : memref<4096xf32, #tpu.memory_space<vmem_shared>>) target(%arg12 : memref<4096xf32, #tpu.memory_space<vmem>>) target_semaphore(%run_scoped3A : memref<!tpu.dma_semaphore, #tpu.memory_space<semaphore_mem>>)
        tpu.wait_dma2 semaphore(%run_scoped3A : memref<!tpu.dma_semaphore, #tpu.memory_space<semaphore_mem>>) src(%arg15 : memref<4096xf32, #tpu.memory_space<vmem_shared>>) dst(%arg12 : memref<4096xf32, #tpu.memory_space<vmem>>)
        tpu.yield
      }) : () -> ()
      %scan3A_290 = arith.constant 0 : i32
      %scan3A_291 = arith.constant 0 : i32
      %scan3A_292 = arith.constant 24 : i32
      %scan3A_293 = arith.addi %scan3A_291, %scan3A_292 : i32
      %scan3A_294 = arith.constant 1 : i32
      %scan3A_295 = scf.for %scan3A_297 = %scan3A_291 to %scan3A_293 step %scan3A_294 iter_args(%scan3A_298 = %scan3A_290) -> (i32)  : i32 {
        %jit3A_299 = arith.constant 4 : i32
        %div3A_300 = arith.divsi %scan3A_297, %jit3A_299 : i32
        %sign3A_301 = arith.constant 0 : i32
        %sign3A_302 = arith.cmpi sgt, %scan3A_297, %sign3A_301 : i32
        %sign3A_303 = arith.extui %sign3A_302 : i1 to i32
        %sign3A_304 = arith.constant 0 : i32
        %sign3A_305 = arith.cmpi slt, %scan3A_297, %sign3A_304 : i32
        %sign3A_306 = arith.extui %sign3A_305 : i1 to i32
        %sign3A_307 = arith.subi %sign3A_303, %sign3A_306 : i32
        %sign3A_308 = arith.constant 0 : i32
        %sign3A_309 = arith.cmpi sgt, %jit3A_299, %sign3A_308 : i32
        %sign3A_310 = arith.extui %sign3A_309 : i1 to i32
        %sign3A_311 = arith.constant 0 : i32
        %sign3A_312 = arith.cmpi slt, %jit3A_299, %sign3A_311 : i32
        %sign3A_313 = arith.extui %sign3A_312 : i1 to i32
        %sign3A_314 = arith.subi %sign3A_310, %sign3A_313 : i32
        %ne3A_315 = arith.cmpi ne, %sign3A_307, %sign3A_314 : i32
        %rem3A_316 = arith.remsi %scan3A_297, %jit3A_299 : i32
        %ne3A_317 = arith.constant 0 : i32
        %ne3A_318 = arith.cmpi ne, %rem3A_316, %ne3A_317 : i32
        %and3A_319 = arith.andi %ne3A_315, %ne3A_318 : i1
        %sub3A_320 = arith.constant 1 : i32
        %sub3A_321 = arith.subi %div3A_300, %sub3A_320 : i32
        %select_n3A_322 = arith.select %and3A_319, %sub3A_321, %div3A_300 : i32
        %jit3A_323 = arith.constant 4 : i32
        %eq3A_324 = arith.constant 0 : i32
        %eq3A_325 = arith.cmpi eq, %jit3A_323, %eq3A_324 : i32
        %jit3A_326 = arith.constant 1 : i32
        %select_n3A_327 = arith.select %eq3A_325, %jit3A_326, %jit3A_323 : i32
        %rem3A_328 = arith.remsi %scan3A_297, %select_n3A_327 : i32
        %ne3A_329 = arith.constant 0 : i32
        %ne3A_330 = arith.cmpi ne, %rem3A_328, %ne3A_329 : i32
        %lt3A_331 = arith.constant 0 : i32
        %lt3A_332 = arith.cmpi slt, %rem3A_328, %lt3A_331 : i32
        %lt3A_333 = arith.constant 0 : i32
        %lt3A_334 = arith.cmpi slt, %select_n3A_327, %lt3A_333 : i32
        %ne3A_335 = arith.xori %lt3A_332, %lt3A_334 : i1
        %and3A_336 = arith.andi %ne3A_335, %ne3A_330 : i1
        %add3A_337 = arith.addi %rem3A_328, %select_n3A_327 : i32
        %select_n3A_338 = arith.select %and3A_336, %add3A_337, %rem3A_328 : i32
        %scan3A_339 = arith.constant 0 : i32
        %scan3A_340 = arith.constant 0 : i32
        %scan3A_341 = arith.constant 128 : i32
        %scan3A_342 = arith.addi %scan3A_340, %scan3A_341 : i32
        %scan3A_343 = arith.constant 1 : i32
        %scan3A_344 = scf.for %scan3A_359 = %scan3A_340 to %scan3A_342 step %scan3A_343 iter_args(%scan3A_360 = %scan3A_339) -> (i32)  : i32 {
          %broadcast_in_dim3A_361 = arith.constant 0.000000e+00 : f32
          %broadcast_in_dim3A_362 = vector.broadcast %broadcast_in_dim3A_361 : f32 to vector<16xf32>
          %mul3A_363 = arith.constant 16 : i32
          %mul3A_364 = arith.muli %scan3A_359, %mul3A_363 : i32
          %swap3A_365 = arith.constant 0 : i32
          %swap3A_366 = arith.index_cast %swap3A_365 : i32 to index
          %swap3A_367 = arith.index_cast %mul3A_364 : i32 to index
          %swap3A_368 = tpu.vector_load %arg8[%swap3A_366, %swap3A_367] {strides = array<i32>} : memref<8x2048xf32, #tpu.memory_space<vmem>>, vector<16xf32>,
          tpu.vector_store %arg8[%swap3A_366, %swap3A_367], %broadcast_in_dim3A_362 {strides = array<i32>} : memref<8x2048xf32, #tpu.memory_space<vmem>>, vector<16xf32>,
          %broadcast_in_dim3A_369 = arith.constant 0.000000e+00 : f32
          %broadcast_in_dim3A_370 = vector.broadcast %broadcast_in_dim3A_369 : f32 to vector<16xf32>
          %mul3A_371 = arith.constant 16 : i32
          %mul3A_372 = arith.muli %scan3A_359, %mul3A_371 : i32
          %swap3A_373 = arith.constant 1 : i32
          %swap3A_374 = arith.index_cast %swap3A_373 : i32 to index
          %swap3A_375 = arith.index_cast %mul3A_372 : i32 to index
          %swap3A_376 = tpu.vector_load %arg8[%swap3A_374, %swap3A_375] {strides = array<i32>} : memref<8x2048xf32, #tpu.memory_space<vmem>>, vector<16xf32>,
          tpu.vector_store %arg8[%swap3A_374, %swap3A_375], %broadcast_in_dim3A_370 {strides = array<i32>} : memref<8x2048xf32, #tpu.memory_space<vmem>>, vector<16xf32>,
          %broadcast_in_dim3A_377 = arith.constant 0.000000e+00 : f32
          %broadcast_in_dim3A_378 = vector.broadcast %broadcast_in_dim3A_377 : f32 to vector<16xf32>
          %mul3A_379 = arith.constant 16 : i32
          %mul3A_380 = arith.muli %scan3A_359, %mul3A_379 : i32
          %swap3A_381 = arith.constant 2 : i32
          %swap3A_382 = arith.index_cast %swap3A_381 : i32 to index
          %swap3A_383 = arith.index_cast %mul3A_380 : i32 to index
          %swap3A_384 = tpu.vector_load %arg8[%swap3A_382, %swap3A_383] {strides = array<i32>} : memref<8x2048xf32, #tpu.memory_space<vmem>>, vector<16xf32>,
          tpu.vector_store %arg8[%swap3A_382, %swap3A_383], %broadcast_in_dim3A_378 {strides = array<i32>} : memref<8x2048xf32, #tpu.memory_space<vmem>>, vector<16xf32>,
          %broadcast_in_dim3A_385 = arith.constant 0.000000e+00 : f32
          %broadcast_in_dim3A_386 = vector.broadcast %broadcast_in_dim3A_385 : f32 to vector<16xf32>
          %mul3A_387 = arith.constant 16 : i32
          %mul3A_388 = arith.muli %scan3A_359, %mul3A_387 : i32
          %swap3A_389 = arith.constant 3 : i32
          %swap3A_390 = arith.index_cast %swap3A_389 : i32 to index
          %swap3A_391 = arith.index_cast %mul3A_388 : i32 to index
          %swap3A_392 = tpu.vector_load %arg8[%swap3A_390, %swap3A_391] {strides = array<i32>} : memref<8x2048xf32, #tpu.memory_space<vmem>>, vector<16xf32>,
          tpu.vector_store %arg8[%swap3A_390, %swap3A_391], %broadcast_in_dim3A_386 {strides = array<i32>} : memref<8x2048xf32, #tpu.memory_space<vmem>>, vector<16xf32>,
          %broadcast_in_dim3A_393 = arith.constant 0.000000e+00 : f32
          %broadcast_in_dim3A_394 = vector.broadcast %broadcast_in_dim3A_393 : f32 to vector<16xf32>
          %mul3A_395 = arith.constant 16 : i32
          %mul3A_396 = arith.muli %scan3A_359, %mul3A_395 : i32
          %swap3A_397 = arith.constant 4 : i32
          %swap3A_398 = arith.index_cast %swap3A_397 : i32 to index
          %swap3A_399 = arith.index_cast %mul3A_396 : i32 to index
          %swap3A_400 = tpu.vector_load %arg8[%swap3A_398, %swap3A_399] {strides = array<i32>} : memref<8x2048xf32, #tpu.memory_space<vmem>>, vector<16xf32>,
          tpu.vector_store %arg8[%swap3A_398, %swap3A_399], %broadcast_in_dim3A_394 {strides = array<i32>} : memref<8x2048xf32, #tpu.memory_space<vmem>>, vector<16xf32>,
          %broadcast_in_dim3A_401 = arith.constant 0.000000e+00 : f32
          %broadcast_in_dim3A_402 = vector.broadcast %broadcast_in_dim3A_401 : f32 to vector<16xf32>
          %mul3A_403 = arith.constant 16 : i32
          %mul3A_404 = arith.muli %scan3A_359, %mul3A_403 : i32
          %swap3A_405 = arith.constant 5 : i32
          %swap3A_406 = arith.index_cast %swap3A_405 : i32 to index
          %swap3A_407 = arith.index_cast %mul3A_404 : i32 to index
          %swap3A_408 = tpu.vector_load %arg8[%swap3A_406, %swap3A_407] {strides = array<i32>} : memref<8x2048xf32, #tpu.memory_space<vmem>>, vector<16xf32>,
          tpu.vector_store %arg8[%swap3A_406, %swap3A_407], %broadcast_in_dim3A_402 {strides = array<i32>} : memref<8x2048xf32, #tpu.memory_space<vmem>>, vector<16xf32>,
          %broadcast_in_dim3A_409 = arith.constant 0.000000e+00 : f32
          %broadcast_in_dim3A_410 = vector.broadcast %broadcast_in_dim3A_409 : f32 to vector<16xf32>
          %mul3A_411 = arith.constant 16 : i32
          %mul3A_412 = arith.muli %scan3A_359, %mul3A_411 : i32
          %swap3A_413 = arith.constant 6 : i32
          %swap3A_414 = arith.index_cast %swap3A_413 : i32 to index
          %swap3A_415 = arith.index_cast %mul3A_412 : i32 to index
          %swap3A_416 = tpu.vector_load %arg8[%swap3A_414, %swap3A_415] {strides = array<i32>} : memref<8x2048xf32, #tpu.memory_space<vmem>>, vector<16xf32>,
          tpu.vector_store %arg8[%swap3A_414, %swap3A_415], %broadcast_in_dim3A_410 {strides = array<i32>} : memref<8x2048xf32, #tpu.memory_space<vmem>>, vector<16xf32>,
          %broadcast_in_dim3A_417 = arith.constant 0.000000e+00 : f32
          %broadcast_in_dim3A_418 = vector.broadcast %broadcast_in_dim3A_417 : f32 to vector<16xf32>
          %mul3A_419 = arith.constant 16 : i32
          %mul3A_420 = arith.muli %scan3A_359, %mul3A_419 : i32
          %swap3A_421 = arith.constant 7 : i32
          %swap3A_422 = arith.index_cast %swap3A_421 : i32 to index
          %swap3A_423 = arith.index_cast %mul3A_420 : i32 to index
          %swap3A_424 = tpu.vector_load %arg8[%swap3A_422, %swap3A_423] {strides = array<i32>} : memref<8x2048xf32, #tpu.memory_space<vmem>>, vector<16xf32>,
          tpu.vector_store %arg8[%swap3A_422, %swap3A_423], %broadcast_in_dim3A_418 {strides = array<i32>} : memref<8x2048xf32, #tpu.memory_space<vmem>>, vector<16xf32>,
          %scan3A_425 = arith.constant 0 : i32
          scf.yield %scan3A_425 : i32
        }
        %scan3A_345 = arith.constant 128 : i32
        %scan3A_346 = arith.constant 0 : i32
        %scan3A_347 = arith.constant 0 : i32
        %scan3A_348 = arith.constant 64 : i32
        %scan3A_349 = arith.addi %scan3A_347, %scan3A_348 : i32
        %scan3A_350 = arith.constant 1 : i32
        %scan3A_351 = scf.for %scan3A_359 = %scan3A_347 to %scan3A_349 step %scan3A_350 iter_args(%scan3A_360 = %scan3A_346) -> (i32)  : i32 {
          %mul3A_361 = arith.constant 16 : i32
          %mul3A_362 = arith.muli %scan3A_359, %mul3A_361 : i32
          "tpu.region"() ({
            %run_scoped3A = tpu.sem_alloc : memref<!tpu.dma_semaphore, #tpu.memory_space<semaphore_mem>>
            %dma_start3A_560 = arith.constant 0 : i32
            %dma_start3A_561 = tpu.memref_slice %arg3[%mul3A_362, %dma_start3A_560] : memref<1024x384xi32, #tpu.memory_space<hbm>> -> memref<16x384xi32, #tpu.memory_space<hbm>>
            %dma_start3A_562 = arith.constant 0 : i32
            %dma_start3A_563 = tpu.memref_slice %arg3[%mul3A_362, %dma_start3A_562] : memref<1024x384xi32, #tpu.memory_space<hbm>> -> memref<16x384xi32, #tpu.memory_space<hbm>>
            tpu.enqueue_dma source(%dma_start3A_563 : memref<16x384xi32, #tpu.memory_space<hbm>>) target(%arg7 : memref<16x384xi32, #tpu.memory_space<vmem>>) target_semaphore(%run_scoped3A : memref<!tpu.dma_semaphore, #tpu.memory_space<semaphore_mem>>)
            %dma_wait3A_564 = arith.constant 0 : i32
            %dma_wait3A_565 = tpu.memref_slice %arg3[%mul3A_362, %dma_wait3A_564] : memref<1024x384xi32, #tpu.memory_space<hbm>> -> memref<16x384xi32, #tpu.memory_space<hbm>>
            %dma_wait3A_566 = arith.constant 0 : i32
            %dma_wait3A_567 = tpu.memref_slice %arg3[%mul3A_362, %dma_wait3A_566] : memref<1024x384xi32, #tpu.memory_space<hbm>> -> memref<16x384xi32, #tpu.memory_space<hbm>>
            tpu.wait_dma2 semaphore(%run_scoped3A : memref<!tpu.dma_semaphore, #tpu.memory_space<semaphore_mem>>) src(%dma_wait3A_567 : memref<16x384xi32, #tpu.memory_space<hbm>>) dst(%arg7 : memref<16x384xi32, #tpu.memory_space<vmem>>)
            tpu.yield
          }) : () -> ()
          %jit3A_363 = arith.constant 4 : i32
          %div3A_364 = arith.divsi %scan3A_359, %jit3A_363 : i32
          %sign3A_365 = arith.constant 0 : i32
          %sign3A_366 = arith.cmpi sgt, %scan3A_359, %sign3A_365 : i32
          %sign3A_367 = arith.extui %sign3A_366 : i1 to i32
          %sign3A_368 = arith.constant 0 : i32
          %sign3A_369 = arith.cmpi slt, %scan3A_359, %sign3A_368 : i32
          %sign3A_370 = arith.extui %sign3A_369 : i1 to i32
          %sign3A_371 = arith.subi %sign3A_367, %sign3A_370 : i32
          %sign3A_372 = arith.constant 0 : i32
          %sign3A_373 = arith.cmpi sgt, %jit3A_363, %sign3A_372 : i32
          %sign3A_374 = arith.extui %sign3A_373 : i1 to i32
          %sign3A_375 = arith.constant 0 : i32
          %sign3A_376 = arith.cmpi slt, %jit3A_363, %sign3A_375 : i32
          %sign3A_377 = arith.extui %sign3A_376 : i1 to i32
          %sign3A_378 = arith.subi %sign3A_374, %sign3A_377 : i32
          %ne3A_379 = arith.cmpi ne, %sign3A_371, %sign3A_378 : i32
          %rem3A_380 = arith.remsi %scan3A_359, %jit3A_363 : i32
          %ne3A_381 = arith.constant 0 : i32
          %ne3A_382 = arith.cmpi ne, %rem3A_380, %ne3A_381 : i32
          %and3A_383 = arith.andi %ne3A_379, %ne3A_382 : i1
          %sub3A_384 = arith.constant 1 : i32
          %sub3A_385 = arith.subi %div3A_364, %sub3A_384 : i32
          %select_n3A_386 = arith.select %and3A_383, %sub3A_385, %div3A_364 : i32
          %mul3A_387 = arith.constant 256 : i32
          %mul3A_388 = arith.muli %select_n3A_386, %mul3A_387 : i32
          %mul3A_389 = arith.constant 64 : i32
          %mul3A_390 = arith.muli %select_n3A, %mul3A_389 : i32
          %add3A_391 = arith.addi %mul3A_388, %mul3A_390 : i32
          %jit3A_392 = arith.constant 4 : i32
          %eq3A_393 = arith.constant 0 : i32
          %eq3A_394 = arith.cmpi eq, %jit3A_392, %eq3A_393 : i32
          %jit3A_395 = arith.constant 1 : i32
          %select_n3A_396 = arith.select %eq3A_394, %jit3A_395, %jit3A_392 : i32
          %rem3A_397 = arith.remsi %scan3A_359, %select_n3A_396 : i32
          %ne3A_398 = arith.constant 0 : i32
          %ne3A_399 = arith.cmpi ne, %rem3A_397, %ne3A_398 : i32
          %lt3A_400 = arith.constant 0 : i32
          %lt3A_401 = arith.cmpi slt, %rem3A_397, %lt3A_400 : i32
          %lt3A_402 = arith.constant 0 : i32
          %lt3A_403 = arith.cmpi slt, %select_n3A_396, %lt3A_402 : i32
          %ne3A_404 = arith.xori %lt3A_401, %lt3A_403 : i1
          %and3A_405 = arith.andi %ne3A_404, %ne3A_399 : i1
          %add3A_406 = arith.addi %rem3A_397, %select_n3A_396 : i32
          %select_n3A_407 = arith.select %and3A_405, %add3A_406, %rem3A_397 : i32
          %mul3A_408 = arith.constant 16 : i32
          %mul3A_409 = arith.muli %select_n3A_407, %mul3A_408 : i32
          %add3A_410 = arith.addi %add3A_391, %mul3A_409 : i32
          %get3A_411 = arith.index_cast %add3A_410 : i32 to index
          %get3A_412 = tpu.vector_load %arg12[%get3A_411] {strides = array<i32>} : memref<4096xf32, #tpu.memory_space<vmem>>, vector<16xf32>,
          %gt3A_413 = arith.constant 5.000000e-01 : f32
          %gt3A_414 = vector.broadcast %gt3A_413 : f32 to vector<16xf32>
          %gt3A_415 = arith.cmpf ogt, %get3A_412, %gt3A_414 : vector<16xf32>
          %mul3A_416 = arith.constant 8 : i32
          %mul3A_417 = arith.muli %select_n3A_322, %mul3A_416 : i32
          %add3A_418 = arith.addi %mul3A_45, %mul3A_417 : i32
          %add3A_419 = arith.constant 0 : i32
          %add3A_420 = arith.addi %add3A_418, %add3A_419 : i32
          %broadcast_in_dim3A_421 = vector.broadcast %add3A_420 : i32 to vector<16xi32>
          %gather3A = tpu.vector_load_idx %arg7[%iota3A, %broadcast_in_dim3A_421] : memref<16x384xi32, #tpu.memory_space<vmem>>[vector<16xi32>, vector<16xi32>], vector<16xi32>,
          %shift_right_arithmetic3A_422 = arith.constant 11 : i32
          %shift_right_arithmetic3A_423 = vector.broadcast %shift_right_arithmetic3A_422 : i32 to vector<16xi32>
          %shift_right_arithmetic3A_424 = arith.shrsi %gather3A, %shift_right_arithmetic3A_423 : vector<16xi32>
          %eq3A_425 = vector.broadcast %select_n3A_338 : i32 to vector<16xi32>
          %eq3A_426 = arith.cmpi eq, %shift_right_arithmetic3A_424, %eq3A_425 : vector<16xi32>
          %and3A_427 = arith.andi %gt3A_415, %eq3A_426 : vector<16xi1>
          %broadcast_in_dim3A_428 = arith.constant 0 : i32
          %broadcast_in_dim3A_429 = vector.broadcast %broadcast_in_dim3A_428 : i32 to vector<16xi32>
          %and3A_430 = arith.constant 2047 : i32
          %and3A_431 = vector.broadcast %and3A_430 : i32 to vector<16xi32>
          %and3A_432 = arith.andi %gather3A, %and3A_431 : vector<16xi32>
          tpu.vector_store_idx %arg8[%broadcast_in_dim3A_429, %and3A_432], %div3A_289 masked %and3A_427 {add = true} : memref<8x2048xf32, #tpu.memory_space<vmem>>[vector<16xi32>, vector<16xi32>], vector<16xf32>, vector<16xi1>
          %mul3A_433 = arith.constant 8 : i32
          %mul3A_434 = arith.muli %select_n3A_322, %mul3A_433 : i32
          %add3A_435 = arith.addi %mul3A_45, %mul3A_434 : i32
          %add3A_436 = arith.constant 1 : i32
          %add3A_437 = arith.addi %add3A_435, %add3A_436 : i32
          %broadcast_in_dim3A_438 = vector.broadcast %add3A_437 : i32 to vector<16xi32>
          %gather3A_439 = tpu.vector_load_idx %arg7[%iota3A, %broadcast_in_dim3A_438] : memref<16x384xi32, #tpu.memory_space<vmem>>[vector<16xi32>, vector<16xi32>], vector<16xi32>,
          %shift_right_arithmetic3A_440 = arith.constant 11 : i32
          %shift_right_arithmetic3A_441 = vector.broadcast %shift_right_arithmetic3A_440 : i32 to vector<16xi32>
          %shift_right_arithmetic3A_442 = arith.shrsi %gather3A_439, %shift_right_arithmetic3A_441 : vector<16xi32>
          %eq3A_443 = vector.broadcast %select_n3A_338 : i32 to vector<16xi32>
          %eq3A_444 = arith.cmpi eq, %shift_right_arithmetic3A_442, %eq3A_443 : vector<16xi32>
          %and3A_445 = arith.andi %gt3A_415, %eq3A_444 : vector<16xi1>
          %broadcast_in_dim3A_446 = arith.constant 1 : i32
          %broadcast_in_dim3A_447 = vector.broadcast %broadcast_in_dim3A_446 : i32 to vector<16xi32>
          %and3A_448 = arith.constant 2047 : i32
          %and3A_449 = vector.broadcast %and3A_448 : i32 to vector<16xi32>
          %and3A_450 = arith.andi %gather3A_439, %and3A_449 : vector<16xi32>
          tpu.vector_store_idx %arg8[%broadcast_in_dim3A_447, %and3A_450], %div3A_289 masked %and3A_445 {add = true} : memref<8x2048xf32, #tpu.memory_space<vmem>>[vector<16xi32>, vector<16xi32>], vector<16xf32>, vector<16xi1>
          %mul3A_451 = arith.constant 8 : i32
          %mul3A_452 = arith.muli %select_n3A_322, %mul3A_451 : i32
          %add3A_453 = arith.addi %mul3A_45, %mul3A_452 : i32
          %add3A_454 = arith.constant 2 : i32
          %add3A_455 = arith.addi %add3A_453, %add3A_454 : i32
          %broadcast_in_dim3A_456 = vector.broadcast %add3A_455 : i32 to vector<16xi32>
          %gather3A_457 = tpu.vector_load_idx %arg7[%iota3A, %broadcast_in_dim3A_456] : memref<16x384xi32, #tpu.memory_space<vmem>>[vector<16xi32>, vector<16xi32>], vector<16xi32>,
          %shift_right_arithmetic3A_458 = arith.constant 11 : i32
          %shift_right_arithmetic3A_459 = vector.broadcast %shift_right_arithmetic3A_458 : i32 to vector<16xi32>
          %shift_right_arithmetic3A_460 = arith.shrsi %gather3A_457, %shift_right_arithmetic3A_459 : vector<16xi32>
          %eq3A_461 = vector.broadcast %select_n3A_338 : i32 to vector<16xi32>
          %eq3A_462 = arith.cmpi eq, %shift_right_arithmetic3A_460, %eq3A_461 : vector<16xi32>
          %and3A_463 = arith.andi %gt3A_415, %eq3A_462 : vector<16xi1>
          %broadcast_in_dim3A_464 = arith.constant 2 : i32
          %broadcast_in_dim3A_465 = vector.broadcast %broadcast_in_dim3A_464 : i32 to vector<16xi32>
          %and3A_466 = arith.constant 2047 : i32
          %and3A_467 = vector.broadcast %and3A_466 : i32 to vector<16xi32>
          %and3A_468 = arith.andi %gather3A_457, %and3A_467 : vector<16xi32>
          tpu.vector_store_idx %arg8[%broadcast_in_dim3A_465, %and3A_468], %div3A_289 masked %and3A_463 {add = true} : memref<8x2048xf32, #tpu.memory_space<vmem>>[vector<16xi32>, vector<16xi32>], vector<16xf32>, vector<16xi1>
          %mul3A_469 = arith.constant 8 : i32
          %mul3A_470 = arith.muli %select_n3A_322, %mul3A_469 : i32
          %add3A_471 = arith.addi %mul3A_45, %mul3A_470 : i32
          %add3A_472 = arith.constant 3 : i32
          %add3A_473 = arith.addi %add3A_471, %add3A_472 : i32
          %broadcast_in_dim3A_474 = vector.broadcast %add3A_473 : i32 to vector<16xi32>
          %gather3A_475 = tpu.vector_load_idx %arg7[%iota3A, %broadcast_in_dim3A_474] : memref<16x384xi32, #tpu.memory_space<vmem>>[vector<16xi32>, vector<16xi32>], vector<16xi32>,
          %shift_right_arithmetic3A_476 = arith.constant 11 : i32
          %shift_right_arithmetic3A_477 = vector.broadcast %shift_right_arithmetic3A_476 : i32 to vector<16xi32>
          %shift_right_arithmetic3A_478 = arith.shrsi %gather3A_475, %shift_right_arithmetic3A_477 : vector<16xi32>
          %eq3A_479 = vector.broadcast %select_n3A_338 : i32 to vector<16xi32>
          %eq3A_480 = arith.cmpi eq, %shift_right_arithmetic3A_478, %eq3A_479 : vector<16xi32>
          %and3A_481 = arith.andi %gt3A_415, %eq3A_480 : vector<16xi1>
          %broadcast_in_dim3A_482 = arith.constant 3 : i32
          %broadcast_in_dim3A_483 = vector.broadcast %broadcast_in_dim3A_482 : i32 to vector<16xi32>
          %and3A_484 = arith.constant 2047 : i32
          %and3A_485 = vector.broadcast %and3A_484 : i32 to vector<16xi32>
          %and3A_486 = arith.andi %gather3A_475, %and3A_485 : vector<16xi32>
          tpu.vector_store_idx %arg8[%broadcast_in_dim3A_483, %and3A_486], %div3A_289 masked %and3A_481 {add = true} : memref<8x2048xf32, #tpu.memory_space<vmem>>[vector<16xi32>, vector<16xi32>], vector<16xf32>, vector<16xi1>
          %mul3A_487 = arith.constant 8 : i32
          %mul3A_488 = arith.muli %select_n3A_322, %mul3A_487 : i32
          %add3A_489 = arith.addi %mul3A_45, %mul3A_488 : i32
          %add3A_490 = arith.constant 4 : i32
          %add3A_491 = arith.addi %add3A_489, %add3A_490 : i32
          %broadcast_in_dim3A_492 = vector.broadcast %add3A_491 : i32 to vector<16xi32>
          %gather3A_493 = tpu.vector_load_idx %arg7[%iota3A, %broadcast_in_dim3A_492] : memref<16x384xi32, #tpu.memory_space<vmem>>[vector<16xi32>, vector<16xi32>], vector<16xi32>,
          %shift_right_arithmetic3A_494 = arith.constant 11 : i32
          %shift_right_arithmetic3A_495 = vector.broadcast %shift_right_arithmetic3A_494 : i32 to vector<16xi32>
          %shift_right_arithmetic3A_496 = arith.shrsi %gather3A_493, %shift_right_arithmetic3A_495 : vector<16xi32>
          %eq3A_497 = vector.broadcast %select_n3A_338 : i32 to vector<16xi32>
          %eq3A_498 = arith.cmpi eq, %shift_right_arithmetic3A_496, %eq3A_497 : vector<16xi32>
          %and3A_499 = arith.andi %gt3A_415, %eq3A_498 : vector<16xi1>
          %broadcast_in_dim3A_500 = arith.constant 4 : i32
          %broadcast_in_dim3A_501 = vector.broadcast %broadcast_in_dim3A_500 : i32 to vector<16xi32>
          %and3A_502 = arith.constant 2047 : i32
          %and3A_503 = vector.broadcast %and3A_502 : i32 to vector<16xi32>
          %and3A_504 = arith.andi %gather3A_493, %and3A_503 : vector<16xi32>
          tpu.vector_store_idx %arg8[%broadcast_in_dim3A_501, %and3A_504], %div3A_289 masked %and3A_499 {add = true} : memref<8x2048xf32, #tpu.memory_space<vmem>>[vector<16xi32>, vector<16xi32>], vector<16xf32>, vector<16xi1>
          %mul3A_505 = arith.constant 8 : i32
          %mul3A_506 = arith.muli %select_n3A_322, %mul3A_505 : i32
          %add3A_507 = arith.addi %mul3A_45, %mul3A_506 : i32
          %add3A_508 = arith.constant 5 : i32
          %add3A_509 = arith.addi %add3A_507, %add3A_508 : i32
          %broadcast_in_dim3A_510 = vector.broadcast %add3A_509 : i32 to vector<16xi32>
          %gather3A_511 = tpu.vector_load_idx %arg7[%iota3A, %broadcast_in_dim3A_510] : memref<16x384xi32, #tpu.memory_space<vmem>>[vector<16xi32>, vector<16xi32>], vector<16xi32>,
          %shift_right_arithmetic3A_512 = arith.constant 11 : i32
          %shift_right_arithmetic3A_513 = vector.broadcast %shift_right_arithmetic3A_512 : i32 to vector<16xi32>
          %shift_right_arithmetic3A_514 = arith.shrsi %gather3A_511, %shift_right_arithmetic3A_513 : vector<16xi32>
          %eq3A_515 = vector.broadcast %select_n3A_338 : i32 to vector<16xi32>
          %eq3A_516 = arith.cmpi eq, %shift_right_arithmetic3A_514, %eq3A_515 : vector<16xi32>
          %and3A_517 = arith.andi %gt3A_415, %eq3A_516 : vector<16xi1>
          %broadcast_in_dim3A_518 = arith.constant 5 : i32
          %broadcast_in_dim3A_519 = vector.broadcast %broadcast_in_dim3A_518 : i32 to vector<16xi32>
          %and3A_520 = arith.constant 2047 : i32
          %and3A_521 = vector.broadcast %and3A_520 : i32 to vector<16xi32>
          %and3A_522 = arith.andi %gather3A_511, %and3A_521 : vector<16xi32>
          tpu.vector_store_idx %arg8[%broadcast_in_dim3A_519, %and3A_522], %div3A_289 masked %and3A_517 {add = true} : memref<8x2048xf32, #tpu.memory_space<vmem>>[vector<16xi32>, vector<16xi32>], vector<16xf32>, vector<16xi1>
          %mul3A_523 = arith.constant 8 : i32
          %mul3A_524 = arith.muli %select_n3A_322, %mul3A_523 : i32
          %add3A_525 = arith.addi %mul3A_45, %mul3A_524 : i32
          %add3A_526 = arith.constant 6 : i32
          %add3A_527 = arith.addi %add3A_525, %add3A_526 : i32
          %broadcast_in_dim3A_528 = vector.broadcast %add3A_527 : i32 to vector<16xi32>
          %gather3A_529 = tpu.vector_load_idx %arg7[%iota3A, %broadcast_in_dim3A_528] : memref<16x384xi32, #tpu.memory_space<vmem>>[vector<16xi32>, vector<16xi32>], vector<16xi32>,
          %shift_right_arithmetic3A_530 = arith.constant 11 : i32
          %shift_right_arithmetic3A_531 = vector.broadcast %shift_right_arithmetic3A_530 : i32 to vector<16xi32>
          %shift_right_arithmetic3A_532 = arith.shrsi %gather3A_529, %shift_right_arithmetic3A_531 : vector<16xi32>
          %eq3A_533 = vector.broadcast %select_n3A_338 : i32 to vector<16xi32>
          %eq3A_534 = arith.cmpi eq, %shift_right_arithmetic3A_532, %eq3A_533 : vector<16xi32>
          %and3A_535 = arith.andi %gt3A_415, %eq3A_534 : vector<16xi1>
          %broadcast_in_dim3A_536 = arith.constant 6 : i32
          %broadcast_in_dim3A_537 = vector.broadcast %broadcast_in_dim3A_536 : i32 to vector<16xi32>
          %and3A_538 = arith.constant 2047 : i32
          %and3A_539 = vector.broadcast %and3A_538 : i32 to vector<16xi32>
          %and3A_540 = arith.andi %gather3A_529, %and3A_539 : vector<16xi32>
          tpu.vector_store_idx %arg8[%broadcast_in_dim3A_537, %and3A_540], %div3A_289 masked %and3A_535 {add = true} : memref<8x2048xf32, #tpu.memory_space<vmem>>[vector<16xi32>, vector<16xi32>], vector<16xf32>, vector<16xi1>
          %mul3A_541 = arith.constant 8 : i32
          %mul3A_542 = arith.muli %select_n3A_322, %mul3A_541 : i32
          %add3A_543 = arith.addi %mul3A_45, %mul3A_542 : i32
          %add3A_544 = arith.constant 7 : i32
          %add3A_545 = arith.addi %add3A_543, %add3A_544 : i32
          %broadcast_in_dim3A_546 = vector.broadcast %add3A_545 : i32 to vector<16xi32>
          %gather3A_547 = tpu.vector_load_idx %arg7[%iota3A, %broadcast_in_dim3A_546] : memref<16x384xi32, #tpu.memory_space<vmem>>[vector<16xi32>, vector<16xi32>], vector<16xi32>,
          %shift_right_arithmetic3A_548 = arith.constant 11 : i32
          %shift_right_arithmetic3A_549 = vector.broadcast %shift_right_arithmetic3A_548 : i32 to vector<16xi32>
          %shift_right_arithmetic3A_550 = arith.shrsi %gather3A_547, %shift_right_arithmetic3A_549 : vector<16xi32>
          %eq3A_551 = vector.broadcast %select_n3A_338 : i32 to vector<16xi32>
          %eq3A_552 = arith.cmpi eq, %shift_right_arithmetic3A_550, %eq3A_551 : vector<16xi32>
          %and3A_553 = arith.andi %gt3A_415, %eq3A_552 : vector<16xi1>
          %broadcast_in_dim3A_554 = arith.constant 7 : i32
          %broadcast_in_dim3A_555 = vector.broadcast %broadcast_in_dim3A_554 : i32 to vector<16xi32>
          %and3A_556 = arith.constant 2047 : i32
          %and3A_557 = vector.broadcast %and3A_556 : i32 to vector<16xi32>
          %and3A_558 = arith.andi %gather3A_547, %and3A_557 : vector<16xi32>
          tpu.vector_store_idx %arg8[%broadcast_in_dim3A_555, %and3A_558], %div3A_289 masked %and3A_553 {add = true} : memref<8x2048xf32, #tpu.memory_space<vmem>>[vector<16xi32>, vector<16xi32>], vector<16xf32>, vector<16xi1>
          %scan3A_559 = arith.constant 0 : i32
          scf.yield %scan3A_559 : i32
        }
        %scan3A_352 = arith.constant 64 : i32
        %mul3A_353 = arith.constant 8 : i32
        %mul3A_354 = arith.muli %select_n3A_322, %mul3A_353 : i32
        %add3A_355 = arith.addi %mul3A_13, %mul3A_354 : i32
        %mul3A_356 = arith.constant 2048 : i32
        %mul3A_357 = arith.muli %select_n3A_338, %mul3A_356 : i32
        "tpu.region"() ({
          %run_scoped3A = tpu.sem_alloc : memref<!tpu.dma_semaphore, #tpu.memory_space<semaphore_mem>>
          %dma_start3A_359 = tpu.memref_slice %arg4[%add3A_355, %mul3A_357] : memref<1536x8192xf32, #tpu.memory_space<hbm>> -> memref<8x2048xf32, #tpu.memory_space<hbm>>
          %dma_start3A_360 = tpu.memref_slice %arg4[%add3A_355, %mul3A_357] : memref<1536x8192xf32, #tpu.memory_space<hbm>> -> memref<8x2048xf32, #tpu.memory_space<hbm>>
          tpu.enqueue_dma source(%arg8 : memref<8x2048xf32, #tpu.memory_space<vmem>>) target(%dma_start3A_360 : memref<8x2048xf32, #tpu.memory_space<hbm>>) target_semaphore(%run_scoped3A : memref<!tpu.dma_semaphore, #tpu.memory_space<semaphore_mem>>)
          %dma_wait3A_361 = tpu.memref_slice %arg4[%add3A_355, %mul3A_357] : memref<1536x8192xf32, #tpu.memory_space<hbm>> -> memref<8x2048xf32, #tpu.memory_space<hbm>>
          %dma_wait3A_362 = tpu.memref_slice %arg4[%add3A_355, %mul3A_357] : memref<1536x8192xf32, #tpu.memory_space<hbm>> -> memref<8x2048xf32, #tpu.memory_space<hbm>>
          tpu.wait_dma2 semaphore(%run_scoped3A : memref<!tpu.dma_semaphore, #tpu.memory_space<semaphore_mem>>) src(%arg8 : memref<8x2048xf32, #tpu.memory_space<vmem>>) dst(%dma_wait3A_362 : memref<8x2048xf32, #tpu.memory_space<hbm>>)
          tpu.yield
        }) : () -> ()
        %scan3A_358 = arith.constant 0 : i32
        scf.yield %scan3A_358 : i32
      }
      %scan3A_296 = arith.constant 24 : i32
    } else {
    }
    return
  }
}

</mosaic_0001>

<sc_bundles>
// kernel: _impl.3.cloned.1.call-start
scs
__scs_entry_jumppad:
0x0: {  	(pc) =	sbr.rel $0x88, $3  }
0x1: {  	(tag) =	ssettag $0x0;
	lr =	simm.s32 $0x1  }
0x2: {  	[smem:$0x3F9F] =	sst lr;
	_ =	strace $0xD0000000  }
0x3: {  	_ = 	snop  }
0x4: {  	_ = 	snop  }
0x5: {  	_ = 	snop  }
0x6: {  	_ = 	snop  }
0x7: {  	_ = 	snop  }
__scs_overlays_trampoline_lowered:
0x8: {  	[smem:$0x3FAE] =	sst s0  }
0x9: {  	[smem:$0x3FAF] =	sst s1  }
0xa: {  	[smem:$0x3FB0] =	sst s2  }
0xb: {  	[smem:$0x3FB1] =	sst s3  }
0xc: {  	[smem:$0x3FB2] =	sst s4  }
0xd: {  	[smem:$0x3FB3] =	sst s5  }
0xe: {  	[smem:$0x3FB4] =	sst s6  }
0xf: {  	[smem:$0x3FB5] =	sst s7  }
0x10: {  	[smem:$0x3FB6] =	sst s8  }
0x11: {  	[smem:$0x3FB7] =	sst s9;
	s0 =	simm.s32 @!p0 $0x0  }
0x12: {  	s1 =	sld [smem:$0x3F9D];
	s0 =	simm.s32 @p0 $0x1  }
0x13: {  	[smem:$0x3FB8] =	sst s0;
	s0 =	simm.s32 @!p1 $0x0  }
0x14: {  	s2 =	sld [smem:$0x3F9C];
	s0 =	simm.s32 @p1 $0x1  }
0x15: {  	[smem:$0x3FB9] =	sst s0;
	s0 =	simm.s32 @!p2 $0x0  }
0x16: {  	s3 =	sld [smem:$0x3FDB];
	s0 =	simm.s32 @p2 $0x1  }
0x17: {  	s4 =	simm.s32 $0x1BF5;
	[smem:$0x3FBB] =	sst s0  }
0x18: {  	s0 =	sld [smem:$0x3F9E];
	_ =	swait.ge [sflag:s4], $0x0  }
0x19: {  	s7 =	sld [smem:$0x3F9F]  }
0x1a: {  	s8 =	sadd.s32 $0xFFFFE003, lr  }
0x1b: {  	s9 =	sadd.s32 $0xFFFFFEF7, lr;
	s5 =	simm.s32 $0xFFFFFFFF;
	p2 =	slt.u32 s8, $0xFFFFF086  }
0x1c: {  	p1 =	slt.u32 s9, $0xF7A;
	s5 =	simm.s32 @!p2 $0x0  }
0x1d: {  	s5 =	simm.s32 @p1 $0x1;
	p0 =	seq.s32 s7, s2  }
0x1e: {  	s7 =	smul.u32 @!p0 $0xF7A, s2;
	p2 =	seq.s32 @!p0 s5, $0x0  }
0x1f: {  	s9 =	smul.u32 $0xF7A, s1;
	s8 =	simm.s32 @!p0 $0x1BF5;
	p2 =	por !p2, p0  }
0x20: {  	[sflag:s8] =	ssyncset.s32 @!p0 $0xFFFFF086;
	s6 =	sadd.s32 @!p0 s3, s7;
	s7 =	simm.s32 @!p0 $0x108  }
0x21: {  	s3 =	sadd.s32 s3, s9;
	s6 =	sadd.s32 @!p0 $0x88, s6;
	s7 =	simm.s32 @p2 $0x1082  }
0x22: {  	[simem:s7], [sflag:s8] =	dma.local @!p0 [hbm:s6], $0xF7A  }
0x23: {  	s9 =	sor.u32 $0xD0000000, s2;
	s6 =	simm.s32 $0x108;
	_ =	swait.ge @!p0 [sflag:s8], $0x0  }
0x24: {  	s3 =	sadd.s32 $0x88, s3;
	s6 =	simm.s32 @!p1 $0x1082;
	[sflag:s4] =	ssyncset.s32 $0xFFFFF086  }
0x25: {  	[simem:s6], [sflag:s4] =	dma.local [hbm:s3], $0xF7A  }
0x26: {  	[smem:$0x3F9F] =	sst s1;
	(tag) =	ssettag s2;
	_ =	strace s9  }
0x27: {  	s1 =	sld [smem:$0x3FAF]  }
0x28: {  	s2 =	sld [smem:$0x3FB0]  }
0x29: {  	s4 =	sld [smem:$0x3FB2]  }
0x2a: {  	p0 =	seq.s32 s5, $0x0;
	s5 =	sld [smem:$0x3FB3]  }
0x2b: {  	s6 =	sld [smem:$0x3FB4]  }
0x2c: {  	s7 =	sld [smem:$0x3FB5]  }
0x2d: {  	s3 =	simm.s32 $0x108;
	s8 =	sld [smem:$0x3FB6]  }
0x2e: {  	s3 =	simm.s32 @!p0 $0x1082;
	s9 =	sld [smem:$0x3FB7]  }
0x2f: {  	lr =	sadd.s32 s0, s3;
	s0 =	sld [smem:$0x3FAE]  }
0x30: {  	s3 =	sld [smem:$0x3FB1]  }
0x31: {  	[smem:$0x3FBA] =	sst s10  }
0x32: {  	s10 =	sld [smem:$0x3FB8];
	_ =	sdelay $0x3  }
0x33: {  	p0 =	seq.s32 s10, $0x1;
	s10 =	sld [smem:$0x3FBA];
	_ =	sdelay $0x3  }
0x34: {  	[smem:$0x3FBA] =	sst s10  }
0x35: {  	s10 =	sld [smem:$0x3FB9];
	_ =	sdelay $0x3  }
0x36: {  	p1 =	seq.s32 s10, $0x1;
	s10 =	sld [smem:$0x3FBA];
	_ =	sdelay $0x3  }
0x37: {  	[smem:$0x3FBA] =	sst s10  }
0x38: {  	s10 =	sld [smem:$0x3FBB]  }
0x39: {  	_ = 	snop;
	(pc) =	sbr.ind lr, $3  }
0x3a: {  	_ = 	snop  }
0x3b: {  	_ = 	snop  }
0x3c: {  	p2 =	seq.s32 s10, $0x1;
	s10 =	sld [smem:$0x3FBA]  }
0x3d: {  	_ =	shalt  }
0x3e: {  	_ =	shalt  }
0x3f: {  	_ =	shalt  }
0x40: {  	_ =	shalt  }
0x41: {  	_ =	shalt  }
0x42: {  	_ =	shalt  }
0x43: {  	_ =	shalt  }
0x44: {  	_ =	shalt  }
0x45: {  	_ =	shalt  }
0x46: {  	_ =	shalt  }
0x47: {  	_ =	shalt  }
0x48: {  	_ =	shalt  }
0x49: {  	_ =	shalt  }
0x4a: {  	_ =	shalt  }
0x4b: {  	_ =	shalt  }
0x4c: {  	_ =	shalt  }
0x4d: {  	_ =	shalt  }
0x4e: {  	_ =	shalt  }
0x4f: {  	_ =	shalt  }
0x50: {  	_ =	shalt  }
0x51: {  	_ =	shalt  }
0x52: {  	_ =	shalt  }
0x53: {  	_ =	shalt  }
0x54: {  	_ =	shalt  }
0x55: {  	_ =	shalt  }
0x56: {  	_ =	shalt  }
0x57: {  	_ =	shalt  }
0x58: {  	_ =	shalt  }
0x59: {  	_ =	shalt  }
0x5a: {  	_ =	shalt  }
0x5b: {  	_ =	shalt  }
0x5c: {  	_ =	shalt  }
0x5d: {  	_ =	shalt  }
0x5e: {  	_ =	shalt  }
0x5f: {  	_ =	shalt  }
0x60: {  	_ =	shalt  }
0x61: {  	_ =	shalt  }
0x62: {  	_ =	shalt  }
0x63: {  	_ =	shalt  }
0x64: {  	_ =	shalt  }
0x65: {  	_ =	shalt  }
0x66: {  	_ =	shalt  }
0x67: {  	_ =	shalt  }
0x68: {  	_ =	shalt  }
0x69: {  	_ =	shalt  }
0x6a: {  	_ =	shalt  }
0x6b: {  	_ =	shalt  }
0x6c: {  	_ =	shalt  }
0x6d: {  	_ =	shalt  }
0x6e: {  	_ =	shalt  }
0x6f: {  	_ =	shalt  }
0x70: {  	_ =	shalt  }
0x71: {  	_ =	shalt  }
0x72: {  	_ =	shalt  }
0x73: {  	_ =	shalt  }
0x74: {  	_ =	shalt  }
0x75: {  	_ =	shalt  }
0x76: {  	_ =	shalt  }
0x77: {  	_ =	shalt  }
0x78: {  	_ =	shalt  }
0x79: {  	_ =	shalt  }
0x7a: {  	_ =	shalt  }
0x7b: {  	_ =	shalt  }
0x7c: {  	_ =	shalt  }
0x7d: {  	_ =	shalt  }
0x7e: {  	_ =	shalt  }
0x7f: {  	_ =	shalt  }
0x80: {  	_ =	shalt  }
0x81: {  	_ =	shalt  }
0x82: {  	_ =	shalt  }
0x83: {  	_ =	shalt  }
0x84: {  	_ =	shalt  }
0x85: {  	_ =	shalt  }
0x86: {  	_ =	shalt  }
0x87: {  	_ =	shalt  }
.Lfunc_end0:
.L_simem_size_0:
called_computation_lowered:
.L_overlay_start_0:
0x88: {  	s2 =	sld [smem:$0x3FD9]  }
0x89: {  	s3 =	sld [smem:$0x3FFE];
	_ =	sdelay $0x1  }
0x8a: {  	s1 =	srdreg.scid  }
0x8b: {  	s0 =	sand.u32 $0x1, s1  }
0x8c: {  	s18 =	sshll.u32 s0, $0xA;
	s2 =	sadd.s32 s3, s2  }
0x8d: {  	s2 =	sadd.s32 s2, s18  }
0x8e: {  	[smem:$0x3FC6] =	sst s2  }
0x8f: {  	_ = 	snop  }
0x90: {  	s2 =	sld [smem:$0x3FC9]  }
0x91: {  	s19 =	sld [smem:$0x3FC8]  }
0x92: {  	s4 =	sld [smem:$0x3FD0];
	(tm) =	ssettm $0x1  }
0x93: {  	s5 =	sld [smem:$0x3FFB];
	_ =	sdelay $0x3  }
0x94: {  	_ =	strace s5  }
0x95: {  	s5 =	sld [smem:$0x3FFC];
	_ =	sdelay $0x3  }
0x96: {  	_ =	strace s5  }
0x97: {  	s5 =	sld [smem:$0x3FFD];
	_ =	sdelay $0x3  }
0x98: {  	_ =	strace s5  }
0x99: {  	_ =	strace $0x8FFFFFFF  }
0x9a: {  	s20 =	sld [smem:$0x3FDB];
	_ =	sdelay $0x1  }
0x9b: {  	s6 =	simm.s32 $_scs_section_size  }
0x9c: {  	s7 =	simm.s32 $_size__tile_overlayer_lowered;
	s8 =	simm.s32 $_tile_overlayer_lowered  }
0x9d: {  	s23 =	simm.s32 $0x1BFF;
	s22 =	sshll.u32 s8, $0x1;
	s5 =	sadd.s32 s6, s20  }
0x9e: {  	s9 =	simm.s32 $0x0;
	s21 =	sshll.u32 s7, $0x1;
	s7 =	sadd.s32 s22, s5  }
0x9f: {  	[timem:s9], [sflag:s23] =	dma.local [hbm:s7], s21  }
0xa0: {  	_ =	swait.ge [sflag:s23], s21  }
0xa1: {  	s6 =	ssub.s32 $0x0, s21;
	[sflag:s23] =	ssyncset.done $0x0  }
0xa2: {  	[sflag:s23] =	ssyncadd.s32 s6;
	_ =	sdelay $0x1  }
0xa3: {  	s24 =	simm.s32 $0x1B8B  }
0xa4: {  	_ =	swait.ge [sflag:s24], $0x1  }
0xa5: {  	[sflag:s24] =	ssyncset.done $0x0  }
0xa6: {  	s25 =	simm.s32 $0x1B8E;
	[sflag:s24] =	ssyncadd.s32 $0xFFFFFFFF  }
0xa7: {  	s26 =	simm.s32 $execute0_lowered;
	[smem:$0x3FD2] =	sst s25  }
0xa8: {  	s6 =	sshll.u32 s26, $0x1;
	_ =	strace $0x80000046;
	[dreg:$0x1] =	wrdreg $0xFFFFFFFF  }
0xa9: {  	s28 =	simm.s32 $_size_execute0_lowered;
	s5 =	sadd.s32 s5, s6;
	[dreg:$0x0] =	wrdreg $0x0  }
0xaa: {  	s6 =	sshll.u32 s28, $0x1;
	[dreg:$0x2] =	wrdreg s5  }
0xab: {  	[dreg:$0x3] =	wrdreg s6  }
0xac: {  	[dreg:$0x4] =	wrdreg $0xC0  }
0xad: {  	_ =	task [dreg:s9], $0x5FFFF  }
0xae: {  	[dreg:$0x1] =	wrdreg $0xFFFFFFFF  }
0xaf: {  	[dreg:$0x0] =	wrdreg $0x60  }
0xb0: {  	[dreg:$0x2] =	wrdreg s2  }
0xb1: {  	[dreg:$0x3] =	wrdreg s19  }
0xb2: {  	[dreg:$0x4] =	wrdreg s4  }
0xb3: {  	[dreg:$0x5] =	wrdreg $0x113000  }
0xb4: {  	[dreg:$0x6] =	wrdreg $0x114000  }
0xb5: {  	[dreg:$0x7] =	wrdreg $0x9  }
0xb6: {  	_ =	task.clear_ibuf [dreg:s9], $0x8FFFF;
	_ =	strace $0x90000046  }
0xb7: {  	s29 =	simm.s32 $0x9;
	_ =	strace $0x80000048  }
0xb8: {  	_ =	swait.ge [sflag:s29], $0x1  }
0xb9: {  	[sflag:s29] =	ssyncadd.s32 $0xFFFFFFFF  }
0xba: {  	_ =	strace $0x90000048  }
0xbb: {  	_ =	sfence  }
0xbc: {  	s30 =	sld [smem:$0x0];
	_ =	sdelay $0x2  }
0xbd: {  	s31 =	sshll.u32 s1, $0xD;
	s1 =	sshrl.u32 s1, $0x2  }
0xbe: {  	s3 =	sand.u32 $0x4000, s31;
	s1 =	sadd.s32 s1, s30  }
0xbf: {  	s0 =	sor.u32 s3, s0;
	s1 =	sshll.u32 s1, $0x11  }
0xc0: {  	s0 =	sor.u32 s1, s0  }
0xc1: {  	s0 =	sadd.s32 $0x8F2B, s0  }
0xc2: {  	[sflag:s0] =	ssyncadd.remote.s32 $0x1  }
0xc3: {  	_ =	sfence.sel $0xFFFF  }
0xc4: {  	[dreg:$0x0] =	wrdreg $0xFFFFFFFF;
	(pc) =	sbr.abs _section_cstart, $3  }
0xc5: {  	[dreg:$0x1] =	wrdreg $0xFFFFFFFF  }
0xc6: {  	_ =	task.clear_ibuf [dreg:s9], $0x2FFFF;
	_ =	strace $0x9FFFFFFF  }
0xc7: {  	(tm) =	ssettm $0x7FFFFFFF  }
tec
execute0_lowered:
.L_overlay_start_1:
0x0: {  	(tag) =	ssettag $0x1  }
0x1: {  	s15 =	rddreg [dreg:$0x1]  }
0x2: {  	s3 =	rddreg [dreg:$0x2]  }
0x3: {  	s2 =	rddreg [dreg:$0x3]  }
0x4: {  	s16 =	rddreg [dreg:$0x4];
	s7 =	simm.s32 $0x0  }
0x5: {  	s0 =	srdreg.scid;
	s18 =	stileid.u32;
	s11 =	simm.s32 $0x1  }
0x6: {  	s29 =	simm.s32 $0x2;
	s31 =	simm.s32 $0x5;
	[smem:$0x7FF] =	sst s7  }
0x7: {  	s0 =	sand.u32 $0x1, s0;
	s6 =	sand.u32 $0x7, s18;
	s8 =	smul.u32 $0xC00, s18  }
0x8: {  	v0 =	vimm.s32 $0x4380;
	s25 =	sshll.u32 s18, $0x8;
	s26 =	sshll.u32 s18, $0x4;
	s1 =	ssub.s32 $0x2, s0  }
0x9: {  	vm0 =	vcmask $0x300;
	vm1 =	vcmask $0x704;
	v1 =	vimm.s32 $0xF80;
	s0 =	sshll.u32 s0, $0x4;
	p1 =	sne.s32 s6, $0x0;
	s9 =	smul.u32 $0x30, s6  }
0xa: {  	vm2 =	vcmask $0xB08;
	vm3 =	vcmask $0xF0C;
	v0 =	vsel vm0, $0x0, v0;
	_ =	strace $0x80000047;
	s6 =	smul.u32 $0xC0, s6;
	s2 =	sadd.s32 s25, s2  }
0xb: {  	vm13 =	vcmask $0x1310;
	v1 =	vsel vm0, $0x0, v1;
	v0 =	vsel vm1, $0x80, v0;
	s30 =	sadd.s32 s26, s16;
	s25 =	simm.s32 $0x8000;
	s26 =	simm.s32 $0xC000  }
0xc: {  	vm14 =	vcmask $0x1714;
	v1 =	vsel vm1, $0x80, v1;
	s4 =	sshrl.u32 s1, $0x1;
	s5 =	sor.u32 s18, s0;
	v0 =	vsel vm2, $0x100, v0;
	[dreg:$0xb] =	wrdreg s2  }
0xd: {  	vm15 =	vcmask $0x1B18;
	s17 =	sadd.s32 s15, s8;
	v1 =	vsel vm2, $0x100, v1;
	[dreg:$0xc] =	wrdreg s30;
	p0 =	seq.s32 s5, $0x0;
	v0 =	vsel vm3, $0x180, v0  }
0xe: {  	vm8 =	vcmask $0x1F1C;
	s0 =	ssub.s32 s1, s4;
	[dreg:$0x6] =	wrdreg s17;
	s1 =	simm.s32 $0x1;
	v1 =	vsel vm3, $0x180, v1;
	v0 =	vsel vm13, $0x200, v0  }
0xf: {  	vm9 =	vcmask $0x2320;
	s19 =	sshrl.u32 s5, $0x3;
	s10 =	smul.u32 $0x30, s5;
	s20 =	sand.u32 $0x70, s9;
	v1 =	vsel vm13, $0x200, v1;
	v0 =	vsel vm14, $0x280, v0  }
0x10: {  	vm10 =	vcmask $0x2724;
	s13 =	sadd.s32 $0x28, s9;
	s6 =	sand.u32 $0x600, s6;
	s5 =	smul.u32 $0xC000, s5;
	v1 =	vsel vm14, $0x280, v1;
	v0 =	vsel vm15, $0x300, v0  }
0x11: {  	vm11 =	vcmask $0x2B28;
	p0 =	por !p1, !p0;
	s14 =	sshll.u32 s13, $0x2;
	s4 =	sor.u32 s20, s6;
	v1 =	vsel vm15, $0x300, v1;
	v0 =	vsel vm8, $0x380, v0  }
0x12: {  	vm12 =	vcmask $0x2F2C;
	s13 =	sand.u32 $0x78, s13;
	s0 =	smax.u32 s0, $0x1;
	p0 =	por !p0, !p0;
	v1 =	vsel vm8, $0x380, v1;
	v0 =	vsel vm9, $0x4000, v0  }
0x13: {  	vm4 =	vmmov $0xff;
	s5 =	sadd.s32 s3, s5;
	[dreg:$0xd] =	wrdreg s0;
	s1 =	simm.s32 @!p0 $0x0;
	v1 =	vsel vm9, $0xC00, v1;
	v0 =	vsel vm10, $0x4080, v0  }
0x14: {  	vm13 =	vcmask $0x3330;
	[dreg:$0x8] =	wrdreg s5;
	s5 =	sadd.s32 $0x800, s5;
	s1 =	ssub.s32 s19, s1;
	v1 =	vsel vm10, $0xC80, v1;
	v0 =	vsel vm11, $0x4100, v0  }
0x15: {  	s23 =	sand.u32 $0xE00, s14;
	vm14 =	vcmask $0x3734;
	[dreg:$0x9] =	wrdreg s5;
	s21 =	sshll.u32 s1, $0x9;
	v1 =	vsel vm11, $0xD00, v1;
	v2 =	vsel vm12, $0x4180, v0  }
0x16: {  	s22 =	sshll.u32 s1, $0x7;
	s17 =	sshll.u32 s1, $0x6;
	p0 =	seq.s32 s1, $0x2;
	v3 =	vsel vm12, $0xD80, v1;
	v1 =	vlaneseq.u32;
	v2 =	vsel vm13, $0x4200, v2  }
0x17: {  	vm15 =	vcmask $0x3B38;
	p1 =	seq.s32 s1, $0x1;
	p2 =	seq.s32 s1, $0x0;
	s8 =	sand.u32 $0x180, s22;
	v4 =	vsel vm14, $0x4280, v2;
	v2 =	vand.u32 $0x7, v1  }
.Ltmp0:
0x18: {  	s1 =	simm.s32 $0x0;
	s12 =	sand.u32 $0xFFFFF800, s21;
	v5 =	vmov s8;
	v3 =	vsel vm13, $0xE00, v3;
	v2 =	vmul.u32 $0x80, v2;
	(pc) =	sbr.rel .LBB2_1-.Ltmp0, $4  }
0x19: {  	s28 =	sand.u32 $0x40, s17;
	s4 =	sor.u32 s12, s4;
	s6 =	sadd.s32 s23, s12;
	v0 =	vimm.f32 $0.0e+00;
	v6 =	vsel vm14, $0xE80, v3;
	v3 =	vsel vm15, $0x4300, v4  }
0x1a: {  	s21 =	sshrl.u32 s10, $0x3;
	s19 =	sor.u32 s8, s4;
	s24 =	sor.u32 s13, s6;
	v4 =	vimm.f32 $1.000000000e+00;
	v6 =	vsel vm15, $0xF00, v6;
	v7 =	vor.u32 $0x1, v2  }
0x1b: {  	s20 =	sor.u32 $0x10180, s28;
	s4 =	sor.u32 s8, s24;
	[dreg:$0x7] =	wrdreg s19;
	v8 =	vor.u32 $0x2, v2;
	v9 =	vor.u32 $0x3, v2;
	v10 =	vor.u32 $0x4, v2  }
0x1c: {  	s23 =	simm.s32 $0x800;
	[dreg:$0xa] =	wrdreg s4;
	s4 =	simm.s32 $0x6800;
	v11 =	vor.u32 $0x5, v2;
	v12 =	vor.u32 $0x6, v2;
	v13 =	vor.u32 $0x7, v2  }
.LBB2_34:
0x1d: {  	s1 =	rddreg [dreg:$0xe]  }
0x1e: {  	s0 =	rddreg [dreg:$0xd];
	s1 =	sadd.s32 $0x1, s1  }
0x1f: {  	p3 =	sne.s32 s1, s0  }
.Ltmp1:
0x20: {  	_ = 	snop;
	(pc) =	sbr.rel @!p3 .LBB2_35-.Ltmp1, $1  }
0x21: {  	_ =	sdelay $0x3  }
.LBB2_1:
0x22: {  	s0 =	rddreg [dreg:$0x0];
	s30 =	sand.u32 $0x70, s7;
	s5 =	sand.u32 $0x3C00, s7  }
0x23: {  	[tilespmem:s7], [sflag:$0x4] =	stream.linear.gather [hbm4b:s0+s7], $0x600, $0x38;
	[tilespmem:$0x11410] =	vst v63  }
0x24: {  	s28 =	rddreg [dreg:$0x6];
	s0 =	sor.u32 s30, s5  }
0x25: {  	[tilespmem:s23], [sflag:$0x3] =	stream.linear.gather [hbm4b:s28+s7], $0x6000, $0x38;
	[tilespmem:$0x11410] =	vst v63  }
0x26: {  	[tilespmem:s0+$0x8080] =	vst v0  }
0x27: {  	[tilespmem:s0+$0x8100] =	vst v0  }
0x28: {  	[dreg:$0xe] =	wrdreg s1;
	s13 =	sand.u32 $0x7, s7;
	[tilespmem:s0+$0x8180] =	vst v0  }
0x29: {  	s6 =	simm.s32 $0x10;
	s8 =	simm.s32 $0x0;
	s5 =	simm.s32 $0x0;
	[tilespmem:s0+$0x8200] =	vst v0  }
.LBB2_2:
0x2a: {  	p3 =	sne.s32 s6, $0x7F0;
	s13 =	sshll.u32 s13, $0x4;
	[tilespmem:s0+$0x8280] =	vst v0  }
0x2b: {  	s13 =	sadd.s32 s13, s5;
	[tilespmem:s0+$0x8300] =	vst v0;
	s5 =	sadd.s32 $0x80, s5  }
0x2c: {  	s14 =	sand.u32 $0x70, s6;
	s15 =	sand.u32 $0x3C00, s5;
	[tilespmem:s0+$0x8000] =	vst v0;
	s13 =	sor.u32 $0x380, s13  }
.Ltmp2:
0x2d: {  	s0 =	sor.u32 s14, s15;
	[tilespmem:s13+$0x8000] =	vst v0;
	(pc) =	sbr.rel @p3 .LBB2_2-.Ltmp2, $4  }
0x2e: {  	[tilespmem:s0+$0x8080] =	vst v0  }
0x2f: {  	[tilespmem:s0+$0x8100] =	vst v0  }
0x30: {  	s8 =	sadd.s32 $0x1, s8;
	[tilespmem:s0+$0x8180] =	vst v0  }
0x31: {  	s6 =	sadd.s32 $0x10, s6;
	s13 =	sand.u32 $0x7, s8;
	[tilespmem:s0+$0x8200] =	vst v0  }
0x32: {  	s6 =	sshll.u32 s13, $0x4;
	[tilespmem:s0+$0x8280] =	vst v0  }
0x33: {  	[tilespmem:s0+$0x8300] =	vst v0;
	s5 =	sadd.s32 s6, s5  }
0x34: {  	[tilespmem:s0+$0x8000] =	vst v0;
	s22 =	sor.u32 $0x380, s5  }
0x35: {  	s24 =	simm.s32 $0x4;
	[tilespmem:s22+$0x8000] =	vst v0  }
0x36: {  	_ =	swait.ge [sflag:s24], $0x600  }
0x37: {  	[sflag:s24] =	ssyncset.done $0x0  }
0x38: {  	[sflag:s24] =	ssyncadd.s32 $0xFFFFFA00  }
0x39: {  	v14 =	vld [tilespmem:s19+$0x0];
	_ =	sdelay $0x4  }
0x3a: {  	v15 =	vshll.u32 v14, $0x3  }
0x3b: {  	vm0 =	vlt.u32 v14, $0x800;
	v14 =	vand.u32 $0x7F, v14;
	v15 =	vand.u32 $0x3C00, v15  }
0x3c: {  	vm0 =	vmand vm0, vm4;
	v14 =	vor.u32 v15, v14  }
0x3d: {  	v14 =	vor.u32 v3, v14;
	_ =	sdelay $0x2  }
0x3e: {  	s0 =	simm.s32 $0x0  }
0x3f: {  	s28 =	sand.u32 $0x70, s0;
	s30 =	sand.u32 $0x3C00, s0  }
0x40: {  	s5 =	sor.u32 s28, s30;
	s1 =	rddreg [dreg:$0x8];
	[tilespmem:v14+s25+$0x0] =	vst.idx.msk vm0, v4  }
0x41: {  	[hbm4b:s1+s0] =	stream.linear.scatter [tilespmem:s25], [sflag:$0x1], $0x4000, $0x38;
	[tilespmem:$0x11410] =	vst v63  }
0x42: {  	[tilespmem:s5+$0xC080] =	vst v0  }
0x43: {  	[tilespmem:s5+$0xC100] =	vst v0  }
0x44: {  	[tilespmem:s5+$0xC180] =	vst v0  }
0x45: {  	s8 =	simm.s32 $0x0;
	s13 =	sand.u32 $0x7, s0;
	s6 =	simm.s32 $0x10;
	[tilespmem:s5+$0xC200] =	vst v0  }
.LBB2_4:
0x46: {  	p3 =	sne.s32 s6, $0x7F0;
	s13 =	sshll.u32 s13, $0x4;
	[tilespmem:s5+$0xC280] =	vst v0  }
0x47: {  	s13 =	sadd.s32 s13, s0;
	[tilespmem:s5+$0xC300] =	vst v0;
	s0 =	sadd.s32 $0x80, s0  }
0x48: {  	s14 =	sand.u32 $0x70, s6;
	s15 =	sand.u32 $0x3C00, s0;
	[tilespmem:s5+$0xC000] =	vst v0;
	s13 =	sor.u32 $0x380, s13  }
.Ltmp3:
0x49: {  	s5 =	sor.u32 s14, s15;
	[tilespmem:s13+$0xC000] =	vst v0;
	(pc) =	sbr.rel @p3 .LBB2_4-.Ltmp3, $4  }
0x4a: {  	[tilespmem:s5+$0xC080] =	vst v0  }
0x4b: {  	[tilespmem:s5+$0xC100] =	vst v0  }
0x4c: {  	s8 =	sadd.s32 $0x1, s8;
	[tilespmem:s5+$0xC180] =	vst v0  }
0x4d: {  	s6 =	sadd.s32 $0x10, s6;
	s13 =	sand.u32 $0x7, s8;
	[tilespmem:s5+$0xC200] =	vst v0  }
0x4e: {  	s6 =	sshll.u32 s13, $0x4;
	[tilespmem:s5+$0xC280] =	vst v0  }
0x4f: {  	[tilespmem:s5+$0xC300] =	vst v0;
	s0 =	sadd.s32 s6, s0  }
0x50: {  	[tilespmem:s5+$0xC000] =	vst v0;
	s0 =	sor.u32 $0x380, s0  }
0x51: {  	[tilespmem:s0+$0xC000] =	vst v0  }
0x52: {  	v14 =	vld [tilespmem:s19+$0x0];
	_ =	sdelay $0x4  }
0x53: {  	v15 =	vand.u32 $0xFFFFF800, v14;
	v16 =	vshll.u32 v14, $0x3  }
0x54: {  	v14 =	vand.u32 $0x7F, v14;
	vm0 =	veq.s32 v15, $0x800;
	v15 =	vand.u32 $0x3C00, v16  }
0x55: {  	vm0 =	vmand vm0, vm4;
	v14 =	vor.u32 v15, v14  }
0x56: {  	v14 =	vor.u32 v3, v14;
	_ =	sdelay $0x4  }
0x57: {  	s5 =	simm.s32 $0x0;
	s22 =	simm.s32 $0x3;
	s19 =	rddreg [dreg:$0x9];
	[tilespmem:v14+s26+$0x0] =	vst.idx.msk vm0, v4  }
0x58: {  	[hbm4b:s19+s5] =	stream.linear.scatter [tilespmem:s26], [sflag:$0x2], $0x4000, $0x38;
	[tilespmem:$0x11410] =	vst v63  }
0x59: {  	_ =	swait.ge [sflag:s22], $0x6000  }
0x5a: {  	[sflag:s22] =	ssyncset.done $0x0  }
0x5b: {  	[sflag:s22] =	ssyncadd.s32 $0xFFFFA000  }
0x5c: {  	v14 =	vld [tilespmem:$0x0];
	_ =	sdelay $0x1  }
0x5d: {  	v15 =	vld [tilespmem:$0x80];
	_ =	sdelay $0x1  }
0x5e: {  	v16 =	vld [tilespmem:$0x100]  }
0x5f: {  	(v2sf) =	vpush v14, $0x0  }
0x60: {  	v17 =	vld [tilespmem:$0x180]  }
0x61: {  	(v2sf) =	vpush v15, $0x0;
	_ =	sdelay $0x1  }
0x62: {  	(v2sf) =	vpush v16, $0x0;
	_ =	sdelay $0x1  }
0x63: {  	(v2sf) =	vpush v17, $0x0;
	_ =	sdelay $0x1  }
0x64: {  	(v2sf) =	vpush v14, $0x1;
	_ =	sdelay $0x1  }
0x65: {  	(v2sf) =	vpush v15, $0x1  }
0x66: {  	vm7 =	vmxor vm7, vm7  }
0x67: {  	v18 =	vimm.s32 $0x0;
	v20 =	vimm.s32 $0x0;
	(v2sf) =	vpush v16, $0x1  }
0x68: {  	v22 =	vimm.s32 $0x0;
	v24 =	vimm.s32 $0x0;
	v26 =	vimm.s32 $0x0  }
0x69: {  	v28 =	vimm.s32 $0x0;
	v30 =	vimm.s32 $0x0;
	(v2sf) =	vpush v17, $0x1  }
0x6a: {  	v32 =	vimm.s32 $0x0;
	v34 =	vimm.s32 $0x0;
	v36 =	vimm.s32 $0x0;
	s24 =	spop (v2sf)  }
0x6b: {  	vm1 =	vmmov vm7;
	vm0 =	vmmov vm7;
	(v2sf) =	vpush v14, $0x2;
	p3 =	seq.s32 s24, $0x3  }
0x6c: {  	vm2 =	vmmov vm7;
	vm5 =	vmmov vm7;
	s28 =	spop (v2sf);
	vm0 =	vmneg @p3 vm0  }
0x6d: {  	(v2sf) =	vpush v15, $0x2;
	p4 =	seq.s32 s28, $0x3;
	v18 =	vsel vm0, $0xFFFFFFFF, v18;
	vm0 =	vmmov vm7  }
0x6e: {  	vm3 =	vmmov vm7;
	s8 =	spop (v2sf);
	[tilespmem:$0x1FE70] =	vst v18;
	vm0 =	vmneg @p4 vm0;
	v18 =	vimm.s32 $0x0  }
0x6f: {  	vm6 =	vmmov vm7;
	(v2sf) =	vpush v16, $0x2;
	p5 =	seq.s32 s8, $0x3;
	v18 =	vsel vm0, $0xFFFFFFFF, v18  }
0x70: {  	v19 =	vbroadcast v15, $0x0;
	s1 =	spop (v2sf);
	vm1 =	vmneg @p5 vm1;
	[tilespmem:$0x1FE80] =	vst v18;
	v18 =	vimm.s32 $0x0  }
0x71: {  	(v2sf) =	vpush v17, $0x2;
	p3 =	seq.s32 s1, $0x3;
	vm0 =	vmmov vm7;
	v18 =	vsel vm1, $0xFFFFFFFF, v18  }
0x72: {  	v21 =	vbroadcast v17, $0x0;
	s14 =	spop (v2sf);
	vm0 =	vmneg @p3 vm0;
	[tilespmem:$0x1FE90] =	vst v18;
	v18 =	vimm.s32 $0x0  }
0x73: {  	(v2sf) =	vpush v14, $0x3;
	p6 =	seq.s32 s14, $0x3;
	vm1 =	vmmov vm7;
	v18 =	vsel vm0, $0xFFFFFFFF, v18  }
0x74: {  	(v2sf) =	vpush v15, $0x3;
	s15 =	spop (v2sf);
	vm1 =	vmneg @p6 vm1;
	[tilespmem:$0x1FEA0] =	vst v18;
	v18 =	vimm.s32 $0x0  }
0x75: {  	(v2sf) =	vpush v16, $0x3;
	p4 =	seq.s32 s15, $0x3;
	vm0 =	vmmov vm7;
	v18 =	vsel vm1, $0xFFFFFFFF, v18  }
0x76: {  	(v2sf) =	vpush v17, $0x3;
	s18 =	spop (v2sf);
	vm0 =	vmneg @p4 vm0;
	[tilespmem:$0x1FEB0] =	vst v18;
	v18 =	vimm.s32 $0x0  }
0x77: {  	(v2sf) =	vpush v14, $0x4;
	p5 =	seq.s32 s18, $0x3;
	vm1 =	vmmov vm7;
	v18 =	vsel vm0, $0xFFFFFFFF, v18  }
0x78: {  	v23 =	vbroadcast v15, $0x1;
	s2 =	spop (v2sf);
	vm1 =	vmneg @p5 vm1;
	[tilespmem:$0x1FEC0] =	vst v18;
	v18 =	vimm.s32 $0x0  }
0x79: {  	(v2sf) =	vpush v15, $0x4;
	p3 =	seq.s32 s2, $0x3;
	vm0 =	vmmov vm7;
	v18 =	vsel vm1, $0xFFFFFFFF, v18  }
0x7a: {  	v25 =	vbroadcast v17, $0x1;
	s22 =	spop (v2sf);
	vm0 =	vmneg @p3 vm0;
	[tilespmem:$0x1FED0] =	vst v18;
	v18 =	vimm.s32 $0x0  }
0x7b: {  	(v2sf) =	vpush v16, $0x4;
	p6 =	seq.s32 s22, $0x3;
	vm1 =	vmmov vm7;
	v18 =	vsel vm0, $0xFFFFFFFF, v18  }
0x7c: {  	v27 =	vbroadcast v15, $0x2;
	s6 =	spop (v2sf);
	vm1 =	vmneg @p6 vm1;
	[tilespmem:$0x1FEE0] =	vst v18;
	v18 =	vimm.s32 $0x0  }
0x7d: {  	(v2sf) =	vpush v17, $0x4;
	p4 =	seq.s32 s6, $0x3;
	vm0 =	vmmov vm7;
	v18 =	vsel vm1, $0xFFFFFFFF, v18  }
0x7e: {  	v29 =	vbroadcast v17, $0x2;
	s8 =	spop (v2sf);
	vm0 =	vmneg @p4 vm0;
	[tilespmem:$0x1FEF0] =	vst v18;
	v18 =	vimm.s32 $0x0  }
0x7f: {  	(v2sf) =	vpush v14, $0x5;
	p3 =	seq.s32 s8, $0x3;
	vm1 =	vmmov vm7;
	v18 =	vsel vm0, $0xFFFFFFFF, v18  }
0x80: {  	v31 =	vbroadcast v15, $0x3;
	s13 =	spop (v2sf);
	vm1 =	vmneg @p3 vm1;
	[tilespmem:$0x1FF00] =	vst v18;
	v18 =	vimm.s32 $0x0  }
0x81: {  	(v2sf) =	vpush v15, $0x5;
	p5 =	seq.s32 s13, $0x3;
	vm0 =	vmmov vm7;
	v18 =	vsel vm1, $0xFFFFFFFF, v18  }
0x82: {  	v33 =	vbroadcast v17, $0x3;
	s14 =	spop (v2sf);
	vm0 =	vmneg @p5 vm0;
	[tilespmem:$0x1FF10] =	vst v18;
	v18 =	vimm.s32 $0x0  }
0x83: {  	(v2sf) =	vpush v16, $0x5;
	s15 =	spop (v2sf);
	p3 =	seq.s32 s14, $0x3;
	vm1 =	vmmov vm7;
	v18 =	vsel vm0, $0xFFFFFFFF, v18  }
0x84: {  	(v2sf) =	vpush v17, $0x5;
	s16 =	spop (v2sf);
	vm1 =	vmneg @p3 vm1;
	[tilespmem:$0x1FF20] =	vst v18;
	v18 =	vimm.s32 $0x0  }
0x85: {  	(v2sf) =	vpush v14, $0x6;
	s18 =	spop (v2sf);
	p4 =	seq.s32 s15, $0x3;
	vm0 =	vmmov vm7;
	v18 =	vsel vm1, $0xFFFFFFFF, v18  }
0x86: {  	s19 =	spop (v2sf);
	p3 =	seq.s32 s16, $0x3;
	vm0 =	vmneg @p4 vm0;
	vm1 =	vmmov vm7;
	[tilespmem:$0x1FF30] =	vst v18;
	v18 =	vimm.s32 $0x0  }
0x87: {  	vm1 =	vmneg @p3 vm1;
	p3 =	seq.s32 s19, $0x3;
	v18 =	vsel vm0, $0xFFFFFFFF, v18;
	vm0 =	vmmov vm7  }
0x88: {  	v35 =	vbroadcast v15, $0x4;
	(v2sf) =	vpush v15, $0x6;
	s22 =	spop (v2sf);
	vm0 =	vmneg @p3 vm0  }
0x89: {  	(v2sf) =	vpush v16, $0x6;
	p3 =	seq.s32 s22, $0x3;
	v20 =	vsel vm0, $0xFFFFFFFF, v20;
	vm0 =	vmmov vm7  }
0x8a: {  	v37 =	vbroadcast v17, $0x4;
	(v2sf) =	vpush v17, $0x6;
	s24 =	spop (v2sf);
	vm0 =	vmneg @p3 vm0  }
0x8b: {  	(v2sf) =	vpush v14, $0x7;
	p3 =	seq.s32 s24, $0x3;
	v22 =	vsel vm0, $0xFFFFFFFF, v22;
	vm0 =	vmmov vm7  }
0x8c: {  	v38 =	vbroadcast v14, $0x5;
	(v2sf) =	vpush v15, $0x7;
	s28 =	spop (v2sf);
	vm0 =	vmneg @p3 vm0  }
0x8d: {  	(v2sf) =	vpush v16, $0x7;
	p3 =	seq.s32 s28, $0x3;
	v24 =	vsel vm0, $0xFFFFFFFF, v24;
	vm0 =	vmmov vm7  }
0x8e: {  	v39 =	vbroadcast v15, $0x5;
	(v2sf) =	vpush v17, $0x7;
	s1 =	spop (v2sf);
	vm0 =	vmneg @p3 vm0  }
0x8f: {  	v40 =	vbroadcast v16, $0x5;
	p3 =	seq.s32 s1, $0x3;
	v26 =	vsel vm0, $0xFFFFFFFF, v26;
	vm0 =	vmmov vm7  }
0x90: {  	v41 =	vbroadcast v17, $0x5;
	v42 =	vbroadcast v14, $0x6;
	s2 =	spop (v2sf);
	vm0 =	vmneg @p3 vm0  }
0x91: {  	v43 =	vbroadcast v15, $0x6;
	p3 =	seq.s32 s2, $0x3;
	v28 =	vsel vm0, $0xFFFFFFFF, v28;
	vm0 =	vmmov vm7  }
0x92: {  	v44 =	vbroadcast v16, $0x6;
	v45 =	vbroadcast v17, $0x6;
	s8 =	spop (v2sf);
	vm0 =	vmneg @p3 vm0  }
0x93: {  	p5 =	seq.s32 s18, $0x3;
	[tilespmem:$0x1FF40] =	vst v18;
	v18 =	vimm.s32 $0x0;
	p3 =	seq.s32 s8, $0x3;
	v30 =	vsel vm0, $0xFFFFFFFF, v30;
	vm0 =	vmmov vm7  }
0x94: {  	vm2 =	vmneg @p5 vm2;
	s13 =	spop (v2sf);
	v18 =	vsel vm1, $0xFFFFFFFF, v18;
	vm0 =	vmneg @p3 vm0  }
0x95: {  	[tilespmem:$0x1FF50] =	vst v18;
	v18 =	vimm.s32 $0x0;
	p3 =	seq.s32 s13, $0x3;
	v32 =	vsel vm0, $0xFFFFFFFF, v32;
	vm0 =	vmmov vm7  }
0x96: {  	v46 =	vbroadcast v14, $0x7;
	s14 =	spop (v2sf);
	[tilespmem:$0x1FF70] =	vst v20;
	v18 =	vsel vm2, $0xFFFFFFFF, v18;
	vm0 =	vmneg @p3 vm0  }
0x97: {  	v47 =	vbroadcast v15, $0x7;
	s15 =	spop (v2sf);
	[tilespmem:$0x1FF60] =	vst v18;
	p3 =	seq.s32 s14, $0x3;
	v34 =	vsel vm0, $0xFFFFFFFF, v34;
	vm0 =	vmmov vm7  }
0x98: {  	v48 =	vbroadcast v16, $0x7;
	v49 =	vbroadcast v17, $0x7;
	s16 =	spop (v2sf);
	[tilespmem:$0x1FF80] =	vst v22;
	vm0 =	vmneg @p3 vm0;
	p3 =	seq.s32 s15, $0x3  }
0x99: {  	s18 =	spop (v2sf);
	[tilespmem:$0x1FF90] =	vst v24;
	v36 =	vsel vm0, $0xFFFFFFFF, v36;
	vm5 =	vmneg @p3 vm5;
	p3 =	seq.s32 s16, $0x3;
	vm0 =	vmmov vm7  }
0x9a: {  	s19 =	spop (v2sf);
	vm1 =	vmmov vm7;
	v20 =	vbroadcast v16, $0x0;
	[tilespmem:$0x1FFA0] =	vst v26;
	vm0 =	vmneg @p3 vm0;
	p3 =	seq.s32 s18, $0x3  }
.Ltmp4:
0x9b: {  	s22 =	spop (v2sf);
	vm2 =	vmmov vm7;
	v18 =	vbroadcast v14, $0x0;
	[tilespmem:$0x1FFB0] =	vst v28;
	vm1 =	vmneg @p3 vm1;
	p3 =	seq.s32 s19, $0x3;
	(pc) =	sbr.rel .LBB2_6-.Ltmp4, $4  }
0x9c: {  	s24 =	spop (v2sf);
	v22 =	vbroadcast v14, $0x1;
	v24 =	vbroadcast v16, $0x1;
	[tilespmem:$0x1FFC0] =	vst v30;
	vm2 =	vmneg @p3 vm2;
	p3 =	seq.s32 s22, $0x3  }
0x9d: {  	s28 =	spop (v2sf);
	v26 =	vbroadcast v14, $0x2;
	v28 =	vbroadcast v16, $0x2;
	[tilespmem:$0x1FFD0] =	vst v32;
	vm3 =	vmneg @p3 vm3;
	p3 =	seq.s32 s24, $0x3  }
0x9e: {  	s30 =	simm.f32 $0.0e+00;
	v30 =	vbroadcast v14, $0x3;
	v32 =	vbroadcast v16, $0x3;
	[tilespmem:$0x1FFE0] =	vst v34;
	vm6 =	vmneg @p3 vm6;
	p3 =	seq.s32 s28, $0x3  }
0x9f: {  	s0 =	simm.f32 $0.0e+00;
	s6 =	simm.f32 $0.0e+00;
	s8 =	simm.f32 $0.0e+00;
	v34 =	vbroadcast v14, $0x4;
	[tilespmem:$0x1FFF0] =	vst v36;
	v36 =	vbroadcast v16, $0x4;
	vm7 =	vmneg @p3 vm7  }
.LBB2_24:
0xa0: {  	s5 =	sadd.s32 $0x1, s5  }
0xa1: {  	p3 =	sne.s32 s5, $0x4  }
.Ltmp5:
0xa2: {  	_ = 	snop;
	(pc) =	sbr.rel @!p3 .LBB2_25-.Ltmp5, $4  }
0xa3: {  	[tilespmem:s15+$0x10000] =	vst v53  }
0xa4: {  	[tilespmem:s15+$0x10040] =	vst v52  }
0xa5: {  	[tilespmem:s15+$0x10080] =	vst v51  }
0xa6: {  	[tilespmem:s15+$0x100C0] =	vst v50  }
.LBB2_6:
0xa7: {  	s15 =	sshll.u32 s5, $0x4  }
0xa8: {  	v50 =	vor.u32 s15, v1  }
0xa9: {  	v50 =	vshrl.u32 v50, $0x3  }
0xaa: {  	v50 =	vmul.u32 $0xC00, v50;
	_ =	sdelay $0x1  }
0xab: {  	v51 =	vor.u32 v2, v50;
	_ =	sdelay $0x1  }
0xac: {  	v52 =	vor.u32 v7, v50  }
0xad: {  	v57 =	vld [tilespmem:$0x1FE70]  }
0xae: {  	v58 =	vld [tilespmem:$0x1FE80]  }
0xaf: {  	v51 =	vld.idx.msk [tilespmem:v51+s23+$0x0], $0xffff  }
0xb0: {  	v59 =	vld [tilespmem:$0x1FEB0]  }
0xb1: {  	v52 =	vld.idx.msk [tilespmem:v52+s23+$0x0], $0xffff  }
0xb2: {  	v60 =	vld [tilespmem:$0x1FE90]  }
0xb3: {  	v61 =	vld [tilespmem:$0x1FEC0]  }
0xb4: {  	v53 =	vor.u32 v8, v50;
	vm12 =	vnez.u8 v57;
	vm8 =	veq.s32 v51, v18  }
0xb5: {  	v56 =	vld [tilespmem:$0x1FED0];
	vm13 =	vnez.u8 v58;
	vm9 =	veq.s32 v51, v19;
	vm8 =	vmor vm12, vm8  }
0xb6: {  	v63 =	vld [tilespmem:$0x1FEA0];
	vm12 =	veq.s32 v52, v22;
	vm9 =	vmor vm13, vm9;
	vm13 =	vnez.u8 v59  }
0xb7: {  	vm14 =	vnez.u8 v60;
	v57 =	vld [tilespmem:$0x1FEE0];
	vm12 =	vmor vm13, vm12  }
0xb8: {  	v58 =	vld [tilespmem:$0x1FEF0];
	vm13 =	veq.s32 v52, v23;
	vm8 =	vmand vm8, vm12;
	vm12 =	vnez.u8 v61  }
0xb9: {  	vm10 =	veq.s32 v51, v20;
	vm11 =	veq.s32 v51, v21;
	v51 =	vld.idx.msk [tilespmem:v53+s23+$0x0], $0xffff;
	vm12 =	vmor vm12, vm13  }
0xba: {  	vm13 =	veq.s32 v52, v24;
	vm9 =	vmand vm9, vm12;
	vm12 =	vnez.u8 v56  }
0xbb: {  	vm15 =	vnez.u8 v63;
	vm10 =	vmor vm14, vm10;
	v59 =	vld [tilespmem:$0x1FF00];
	vm12 =	vmor vm12, vm13  }
0xbc: {  	v60 =	vld [tilespmem:$0x1FF10];
	vm14 =	veq.s32 v52, v25;
	vm10 =	vmand vm10, vm12;
	vm12 =	vnez.u8 v57  }
0xbd: {  	v62 =	vor.u32 v10, v50;
	vm11 =	vmor vm15, vm11;
	vm12 =	vmor vm12, vm14  }
0xbe: {  	vm13 =	veq.s32 v51, v26;
	vm11 =	vmand vm11, vm12;
	vm12 =	vnez.u8 v58  }
0xbf: {  	v54 =	vor.u32 v9, v50;
	vm12 =	vmor vm12, vm13  }
0xc0: {  	vm13 =	veq.s32 v51, v27;
	vm8 =	vmand vm8, vm12;
	vm12 =	vnez.u8 v59  }
0xc1: {  	v63 =	vld [tilespmem:$0x1FF30];
	vm14 =	vnez.u8 v60;
	vm12 =	vmor vm12, vm13;
	vm13 =	veq.s32 v51, v28  }
0xc2: {  	vm13 =	vmor vm14, vm13;
	vm14 =	veq.s32 v51, v29;
	v51 =	vld.idx.msk [tilespmem:v62+s23+$0x0], $0xffff  }
0xc3: {  	v62 =	vld [tilespmem:$0x1FF20]  }
0xc4: {  	v53 =	vld.idx.msk [tilespmem:v54+s23+$0x0], $0xffff;
	v61 =	vor.u32 v11, v50;
	_ =	sdelay $0x1  }
0xc5: {  	v57 =	vld [tilespmem:$0x1FF40];
	_ =	sdelay $0x1  }
0xc6: {  	v59 =	vld [tilespmem:$0x1FF50];
	vm9 =	vmand vm9, vm12;
	vm10 =	vmand vm10, vm13;
	vm13 =	vnez.u8 v62  }
0xc7: {  	v52 =	vld.idx.msk [tilespmem:v61+s23+$0x0], $0xffff;
	vm12 =	veq.s32 v53, v30;
	vm13 =	vmor vm13, vm14;
	vm14 =	vnez.u8 v63  }
0xc8: {  	v60 =	vld [tilespmem:$0x1FF60];
	vm12 =	vmor vm14, vm12  }
0xc9: {  	v61 =	vld [tilespmem:$0x1FF70];
	vm14 =	veq.s32 v53, v31;
	vm8 =	vmand vm8, vm12;
	vm12 =	vnez.u8 v57  }
0xca: {  	v58 =	vor.u32 v12, v50;
	vm11 =	vmand vm11, vm13;
	vm12 =	vmor vm12, vm14  }
0xcb: {  	v62 =	vld [tilespmem:$0x1FF80];
	vm13 =	veq.s32 v53, v32;
	vm9 =	vmand vm9, vm12;
	vm12 =	vnez.u8 v59  }
0xcc: {  	vm12 =	vmor vm12, vm13  }
0xcd: {  	v63 =	vld [tilespmem:$0x1FF90];
	vm14 =	veq.s32 v53, v33;
	vm10 =	vmand vm10, vm12;
	vm12 =	vnez.u8 v60  }
0xce: {  	vm13 =	veq.s32 v51, v34;
	vm12 =	vmor vm12, vm14;
	vm14 =	vnez.u8 v61  }
0xcf: {  	v57 =	vld [tilespmem:$0x1FFA0];
	vm13 =	vmor vm14, vm13;
	vm11 =	vmand vm11, vm12  }
0xd0: {  	v56 =	vld.idx.msk [tilespmem:v58+s23+$0x0], $0xffff;
	vm12 =	veq.s32 v51, v35;
	vm8 =	vmand vm8, vm13;
	vm13 =	vnez.u8 v62  }
0xd1: {  	v58 =	vld [tilespmem:$0x1FFB0];
	vm12 =	vmor vm13, vm12  }
0xd2: {  	vm13 =	veq.s32 v51, v36;
	vm9 =	vmand vm9, vm12;
	vm12 =	vnez.u8 v63  }
0xd3: {  	v59 =	vld [tilespmem:$0x1FFC0];
	vm12 =	vmor vm12, vm13  }
0xd4: {  	vm13 =	veq.s32 v51, v37;
	vm10 =	vmand vm10, vm12;
	vm12 =	vnez.u8 v57  }
0xd5: {  	v60 =	vld [tilespmem:$0x1FFD0];
	vm12 =	vmor vm12, vm13  }
0xd6: {  	vm13 =	veq.s32 v52, v38;
	vm11 =	vmand vm11, vm12;
	vm12 =	vnez.u8 v58  }
0xd7: {  	v50 =	vor.u32 v13, v50;
	v61 =	vld [tilespmem:$0x1FFE0];
	vm12 =	vmor vm12, vm13  }
0xd8: {  	vm13 =	veq.s32 v52, v39;
	vm8 =	vmand vm8, vm12;
	vm12 =	vnez.u8 v59  }
0xd9: {  	v62 =	vld [tilespmem:$0x1FFF0];
	vm12 =	vmor vm12, vm13  }
0xda: {  	vm13 =	veq.s32 v52, v40;
	vm9 =	vmand vm9, vm12;
	vm12 =	vnez.u8 v60  }
0xdb: {  	vm12 =	vmor vm12, vm13  }
0xdc: {  	vm13 =	veq.s32 v52, v41;
	vm10 =	vmand vm10, vm12;
	vm12 =	vnez.u8 v61  }
0xdd: {  	v50 =	vld.idx.msk [tilespmem:v50+s23+$0x0], $0xffff;
	vm12 =	vmor vm12, vm13  }
0xde: {  	vm13 =	veq.s32 v56, v42;
	vm11 =	vmand vm11, vm12;
	vm12 =	vnez.u8 v62  }
0xdf: {  	vm12 =	vmor vm12, vm13;
	vm13 =	veq.s32 v56, v43  }
0xe0: {  	vm8 =	vmand vm8, vm12;
	vm12 =	vmor vm5, vm13;
	vm13 =	veq.s32 v56, v44  }
0xe1: {  	vm9 =	vmand vm9, vm12;
	vm12 =	vmor vm0, vm13;
	vm13 =	veq.s32 v56, v45  }
0xe2: {  	vm10 =	vmand vm10, vm12;
	vm12 =	vmor vm1, vm13;
	vm13 =	veq.s32 v50, v46  }
0xe3: {  	vm11 =	vmand vm11, vm12;
	vm12 =	vmor vm2, vm13;
	vm13 =	veq.s32 v50, v47  }
0xe4: {  	vm8 =	vmand vm8, vm12;
	vm12 =	vmor vm3, vm13;
	vm13 =	veq.s32 v50, v48  }
0xe5: {  	vm9 =	vmand vm9, vm12;
	vm12 =	vmor vm6, vm13;
	vm13 =	veq.s32 v50, v49  }
0xe6: {  	vm10 =	vmand vm10, vm12;
	vm8 =	vmor vm8, vm9;
	vm15 =	vmor vm7, vm13  }
0xe7: {  	vm9 =	vmand vm11, vm15;
	vm8 =	vmor vm10, vm8  }
0xe8: {  	vm8 =	vmor vm9, vm8  }
0xe9: {  	v63 =	vmpcnt.ones.xlane vm8;
	_ =	sdelay $0x1  }
0xea: {  	(v2sf) =	vpush v63, $0x0;
	_ =	sdelay $0xe  }
0xeb: {  	s13 =	spop (v2sf)  }
0xec: {  	p3 =	seq.s32 s13, $0x0  }
.Ltmp6:
0xed: {  	_ = 	snop;
	(pc) =	sbr.rel @!p3 .LBB2_7-.Ltmp6, $4  }
.Ltmp7:
0xee: {  	_ = 	snop;
	(pc) =	sbr.rel @p3 .LBB2_24-.Ltmp7, $4  }
0xef: {  	_ = 	snop  }
0xf0: {  	v53 =	vimm.f32 $0.0e+00  }
0xf1: {  	s18 =	simm.s32 $0x0;
	v51 =	vimm.f32 $0.0e+00;
	v52 =	vimm.f32 $0.0e+00;
	v50 =	vimm.f32 $0.0e+00  }
0xf2: {  	_ = 	snop  }
.LBB2_22:
0xf3: {  	vm10 =	veq.s32 v55, v54;
	vm11 =	veq.s32 v54, $0x3  }
0xf4: {  	vm8 =	vmand vm8, vm9;
	vm15 =	vmor vm10, vm11  }
0xf5: {  	vm8 =	vmand vm8, vm15  }
0xf6: {  	v63 =	vmpcnt.ones.xlane vm8;
	_ =	sdelay $0x1  }
0xf7: {  	(v2sf) =	vpush v63, $0x0;
	_ =	sdelay $0xe  }
0xf8: {  	s1 =	spop (v2sf)  }
0xf9: {  	s24 =	simm.f32 $1.000000000e+00;
	p3 =	seq.s32 s1, $0x10  }
0xfa: {  	s24 =	simm.s32 @!p3 $0x0  }
.LBB2_23:
0xfb: {  	v54 =	vmov s18;
	s18 =	sadd.s32 $0x1, s18  }
0xfc: {  	p3 =	sne.s32 s18, $0x10  }
.Ltmp8:
0xfd: {  	_ = 	snop;
	(pc) =	sbr.rel @!p3 .LBB2_24-.Ltmp8, $4  }
0xfe: {  	s8 =	sadd.f32 s14, s8  }
0xff: {  	vm8 =	veq.s32 v54, v1;
	s6 =	sadd.f32 s22, s6  }
0x100: {  	s0 =	sadd.f32 s28, s0;
	v53 =	vsel vm8, s14, v53  }
0x101: {  	s30 =	sadd.f32 s24, s30;
	v52 =	vsel vm8, s22, v52;
	v51 =	vsel vm8, s28, v51;
	v50 =	vsel vm8, s24, v50  }
.LBB2_7:
0x102: {  	s13 =	sor.u32 s15, s18  }
0x103: {  	s13 =	sshrl.u32 s13, $0x3  }
0x104: {  	s13 =	smul.u32 $0x3000, s13  }
0x105: {  	s14 =	sshll.u32 s18, $0x7  }
0x106: {  	s14 =	sand.u32 $0x380, s14;
	s13 =	sshra.s32 s13, $0x2  }
0x107: {  	s13 =	sor.u32 s14, s13  }
0x108: {  	v54 =	vld [tilespmem:s13+$0x800];
	_ =	sdelay $0x4  }
0x109: {  	vm8 =	veq.s32 v14, $0x3;
	vm9 =	veq.s32 v54, v14  }
0x10a: {  	vm8 =	vmor vm8, vm9  }
0x10b: {  	v55 =	vmpcnt.ones.xlane vm8;
	_ =	sdelay $0x1  }
0x10c: {  	(v2sf) =	vpush v55, $0x0;
	_ =	sdelay $0xe  }
0x10d: {  	s28 =	spop (v2sf)  }
0x10e: {  	p3 =	sne.s32 s28, $0x10  }
.Ltmp9:
0x10f: {  	_ = 	snop;
	(pc) =	sbr.rel @p3 .LBB2_11-.Ltmp9, $2  }
0x110: {  	_ =	sdelay $0x2  }
0x111: {  	s22 =	simm.f32 $0.0e+00;
	s14 =	simm.f32 $0.0e+00;
	s19 =	sadd.s32 $0x800, s13  }
0x112: {  	s13 =	simm.s32 $0x10  }
0x113: {  	s14 =	simm.s32 $0x80;
	s24 =	simm.s32 $0x40;
	s13 =	sand.u32 $0x70, s13  }
0x114: {  	s14 =	sand.u32 $0x3FFFFC00, s14;
	s24 =	sand.u32 $0x3FFFFE00, s24  }
0x115: {  	s14 =	sadd.s32 s14, s19;
	s24 =	sor.u32 s13, s24  }
0x116: {  	s13 =	sadd.s32 s13, s14;
	v56 =	vld [tilespmem:s24+$0x0]  }
0x117: {  	v57 =	vld [tilespmem:s13+$0x0]  }
0x118: {  	s16 =	simm.s32 $0x80  }
0x119: {  	s2 =	simm.s32 $0x100;
	s14 =	simm.s32 $0x20;
	s24 =	sand.u32 $0x3FFFFE00, s16  }
0x11a: {  	s28 =	sand.u32 $0x70, s14;
	s13 =	sand.u32 $0x3FFFFC00, s2  }
0x11b: {  	s13 =	sadd.s32 s13, s19;
	s24 =	sor.u32 s28, s24  }
0x11c: {  	s13 =	sadd.s32 s28, s13;
	v55 =	vld [tilespmem:s24+$0x0];
	vm10 =	veq.s32 v56, $0x3;
	vm9 =	veq.s32 v57, v56  }
0x11d: {  	s24 =	simm.s32 $0x3;
	v56 =	vld [tilespmem:s13+$0x0];
	vm9 =	vmor vm9, vm10  }
.LBB2_9:
0x11e: {  	s13 =	sshll.u32 s24, $0x7  }
0x11f: {  	s28 =	sshll.u32 s24, $0x6;
	s14 =	sadd.s32 $0x10, s14;
	vm8 =	vmand vm8, vm9;
	p3 =	sne.s32 s24, $0x17  }
.Ltmp10:
0x120: {  	s24 =	sadd.s32 $0x1, s24;
	s16 =	sand.u32 $0x70, s14;
	(pc) =	sbr.rel @p3 .LBB2_9-.Ltmp10, $4  }
0x121: {  	s13 =	sand.u32 $0x3FFFFC00, s13;
	s28 =	sand.u32 $0x3FFFFE00, s28  }
0x122: {  	s13 =	sadd.s32 s13, s19;
	s28 =	sor.u32 s16, s28  }
0x123: {  	s13 =	sadd.s32 s16, s13;
	vm10 =	veq.s32 v55, $0x3;
	vm9 =	veq.s32 v56, v55;
	v55 =	vld [tilespmem:s28+$0x0]  }
0x124: {  	v56 =	vld [tilespmem:s13+$0x0];
	vm9 =	vmor vm9, vm10  }
0x125: {  	_ =	sdelay $0x3  }
0x126: {  	vm11 =	veq.s32 v55, $0x3;
	vm10 =	veq.s32 v56, v55  }
0x127: {  	vm8 =	vmand vm8, vm9;
	vm15 =	vmor vm10, vm11  }
0x128: {  	vm8 =	vmand vm8, vm15  }
0x129: {  	v63 =	vmpcnt.ones.xlane vm8;
	_ =	sdelay $0x1  }
0x12a: {  	(v2sf) =	vpush v63, $0x0;
	_ =	sdelay $0xe  }
0x12b: {  	s13 =	spop (v2sf)  }
0x12c: {  	s14 =	simm.f32 $1.000000000e+00;
	p3 =	seq.s32 s13, $0x10  }
0x12d: {  	s14 =	simm.s32 @!p3 $0x0  }
.LBB2_11:
0x12e: {  	vm8 =	veq.s32 v15, $0x3;
	vm9 =	veq.s32 v54, v15  }
0x12f: {  	vm8 =	vmor vm8, vm9  }
0x130: {  	v55 =	vmpcnt.ones.xlane vm8;
	_ =	sdelay $0x1  }
0x131: {  	(v2sf) =	vpush v55, $0x0;
	_ =	sdelay $0xe  }
0x132: {  	s13 =	spop (v2sf)  }
0x133: {  	p3 =	sne.s32 s13, $0x10  }
.Ltmp11:
0x134: {  	_ = 	snop;
	(pc) =	sbr.rel @p3 .LBB2_15-.Ltmp11, $1  }
0x135: {  	_ =	sdelay $0x3  }
0x136: {  	s13 =	simm.s32 $0x10  }
0x137: {  	s16 =	simm.s32 $0x80;
	s22 =	simm.s32 $0x40;
	s13 =	sand.u32 $0x70, s13  }
0x138: {  	s16 =	sand.u32 $0x3FFFFC00, s16;
	s22 =	sand.u32 $0x3FFFFE00, s22  }
0x139: {  	s16 =	sadd.s32 s16, s19;
	s22 =	sor.u32 s13, s22  }
0x13a: {  	s13 =	sadd.s32 s13, s16;
	v56 =	vld [tilespmem:s22+$0x80]  }
0x13b: {  	v57 =	vld [tilespmem:s13+$0x0]  }
0x13c: {  	s22 =	simm.s32 $0x20  }
0x13d: {  	s28 =	simm.s32 $0x80;
	s16 =	simm.s32 $0x100;
	s24 =	sand.u32 $0x70, s22  }
0x13e: {  	s13 =	sand.u32 $0x3FFFFC00, s16;
	s16 =	sand.u32 $0x3FFFFE00, s28  }
0x13f: {  	s13 =	sadd.s32 s13, s19;
	s16 =	sor.u32 s24, s16  }
0x140: {  	s13 =	sadd.s32 s24, s13;
	v55 =	vld [tilespmem:s16+$0x80];
	vm10 =	veq.s32 v56, $0x3;
	vm9 =	veq.s32 v57, v56  }
0x141: {  	s24 =	simm.s32 $0x3;
	v56 =	vld [tilespmem:s13+$0x0];
	vm9 =	vmor vm9, vm10  }
.LBB2_13:
0x142: {  	s13 =	sshll.u32 s24, $0x7  }
0x143: {  	s16 =	sshll.u32 s24, $0x6;
	s22 =	sadd.s32 $0x10, s22;
	vm8 =	vmand vm8, vm9;
	p3 =	sne.s32 s24, $0x17  }
.Ltmp12:
0x144: {  	s24 =	sadd.s32 $0x1, s24;
	s28 =	sand.u32 $0x70, s22;
	(pc) =	sbr.rel @p3 .LBB2_13-.Ltmp12, $4  }
0x145: {  	s13 =	sand.u32 $0x3FFFFC00, s13;
	s16 =	sand.u32 $0x3FFFFE00, s16  }
0x146: {  	s13 =	sadd.s32 s13, s19;
	s16 =	sor.u32 s28, s16  }
0x147: {  	s13 =	sadd.s32 s28, s13;
	vm10 =	veq.s32 v55, $0x3;
	vm9 =	veq.s32 v56, v55;
	v55 =	vld [tilespmem:s16+$0x80]  }
0x148: {  	v56 =	vld [tilespmem:s13+$0x0];
	vm9 =	vmor vm9, vm10  }
0x149: {  	_ =	sdelay $0x3  }
0x14a: {  	vm11 =	veq.s32 v55, $0x3;
	vm10 =	veq.s32 v56, v55  }
0x14b: {  	vm8 =	vmand vm8, vm9;
	vm15 =	vmor vm10, vm11  }
0x14c: {  	vm8 =	vmand vm8, vm15  }
0x14d: {  	v63 =	vmpcnt.ones.xlane vm8;
	_ =	sdelay $0x1  }
0x14e: {  	(v2sf) =	vpush v63, $0x0;
	_ =	sdelay $0xe  }
0x14f: {  	s13 =	spop (v2sf)  }
0x150: {  	s22 =	simm.f32 $1.000000000e+00;
	p3 =	seq.s32 s13, $0x10  }
0x151: {  	s22 =	simm.s32 @!p3 $0x0  }
.LBB2_15:
0x152: {  	vm8 =	veq.s32 v16, $0x3;
	vm9 =	veq.s32 v54, v16  }
0x153: {  	vm8 =	vmor vm8, vm9  }
0x154: {  	v55 =	vmpcnt.ones.xlane vm8;
	_ =	sdelay $0x1  }
0x155: {  	(v2sf) =	vpush v55, $0x0;
	_ =	sdelay $0xe  }
0x156: {  	s13 =	spop (v2sf)  }
0x157: {  	p3 =	sne.s32 s13, $0x10  }
.Ltmp13:
0x158: {  	_ = 	snop;
	(pc) =	sbr.rel @p3 .LBB2_19-.Ltmp13, $2  }
0x159: {  	_ =	sdelay $0x2  }
0x15a: {  	s24 =	simm.f32 $0.0e+00;
	s28 =	simm.f32 $0.0e+00  }
0x15b: {  	s13 =	simm.s32 $0x10  }
0x15c: {  	s16 =	simm.s32 $0x80;
	s28 =	simm.s32 $0x40;
	s13 =	sand.u32 $0x70, s13  }
0x15d: {  	s16 =	sand.u32 $0x3FFFFC00, s16;
	s28 =	sand.u32 $0x3FFFFE00, s28  }
0x15e: {  	s16 =	sadd.s32 s16, s19;
	s28 =	sor.u32 s13, s28  }
0x15f: {  	s13 =	sadd.s32 s13, s16;
	v56 =	vld [tilespmem:s28+$0x100]  }
0x160: {  	v57 =	vld [tilespmem:s13+$0x0]  }
0x161: {  	s28 =	simm.s32 $0x20  }
0x162: {  	s2 =	simm.s32 $0x80;
	s16 =	simm.s32 $0x100;
	s1 =	sand.u32 $0x70, s28  }
0x163: {  	s13 =	sand.u32 $0x3FFFFC00, s16;
	s16 =	sand.u32 $0x3FFFFE00, s2  }
0x164: {  	s13 =	sadd.s32 s13, s19;
	s16 =	sor.u32 s1, s16  }
0x165: {  	s1 =	sadd.s32 s1, s13;
	v55 =	vld [tilespmem:s16+$0x100];
	vm10 =	veq.s32 v56, $0x3;
	vm9 =	veq.s32 v57, v56  }
0x166: {  	s13 =	simm.s32 $0x3;
	v56 =	vld [tilespmem:s1+$0x0];
	vm9 =	vmor vm9, vm10  }
.LBB2_17:
0x167: {  	s1 =	sshll.u32 s13, $0x7  }
0x168: {  	s16 =	sshll.u32 s13, $0x6;
	s28 =	sadd.s32 $0x10, s28;
	vm8 =	vmand vm8, vm9;
	p3 =	sne.s32 s13, $0x17  }
.Ltmp14:
0x169: {  	s13 =	sadd.s32 $0x1, s13;
	s2 =	sand.u32 $0x70, s28;
	(pc) =	sbr.rel @p3 .LBB2_17-.Ltmp14, $4  }
0x16a: {  	s1 =	sand.u32 $0x3FFFFC00, s1;
	s16 =	sand.u32 $0x3FFFFE00, s16  }
0x16b: {  	s1 =	sadd.s32 s1, s19;
	s16 =	sor.u32 s2, s16  }
0x16c: {  	s1 =	sadd.s32 s2, s1;
	vm10 =	veq.s32 v55, $0x3;
	vm9 =	veq.s32 v56, v55;
	v55 =	vld [tilespmem:s16+$0x100]  }
0x16d: {  	v56 =	vld [tilespmem:s1+$0x0];
	vm9 =	vmor vm9, vm10  }
0x16e: {  	_ =	sdelay $0x3  }
0x16f: {  	vm11 =	veq.s32 v55, $0x3;
	vm10 =	veq.s32 v56, v55  }
0x170: {  	vm8 =	vmand vm8, vm9;
	vm15 =	vmor vm10, vm11  }
0x171: {  	vm8 =	vmand vm8, vm15  }
0x172: {  	v63 =	vmpcnt.ones.xlane vm8;
	_ =	sdelay $0x1  }
0x173: {  	(v2sf) =	vpush v63, $0x0;
	_ =	sdelay $0xe  }
0x174: {  	s1 =	spop (v2sf)  }
0x175: {  	s28 =	simm.f32 $1.000000000e+00;
	p3 =	seq.s32 s1, $0x10  }
0x176: {  	s28 =	simm.s32 @!p3 $0x0  }
.LBB2_19:
0x177: {  	vm8 =	veq.s32 v17, $0x3;
	vm9 =	veq.s32 v54, v17  }
0x178: {  	vm8 =	vmor vm8, vm9  }
0x179: {  	v63 =	vmpcnt.ones.xlane vm8;
	_ =	sdelay $0x1  }
0x17a: {  	(v2sf) =	vpush v63, $0x0;
	_ =	sdelay $0xe  }
0x17b: {  	s1 =	spop (v2sf)  }
0x17c: {  	p3 =	sne.s32 s1, $0x10  }
.Ltmp15:
0x17d: {  	_ = 	snop;
	(pc) =	sbr.rel @p3 .LBB2_23-.Ltmp15, $1  }
0x17e: {  	_ =	sdelay $0x3  }
0x17f: {  	s1 =	simm.s32 $0x10  }
0x180: {  	s2 =	simm.s32 $0x80;
	s13 =	simm.s32 $0x40;
	s1 =	sand.u32 $0x70, s1  }
0x181: {  	s2 =	sand.u32 $0x3FFFFC00, s2;
	s13 =	sand.u32 $0x3FFFFE00, s13  }
0x182: {  	s2 =	sadd.s32 s2, s19;
	s13 =	sor.u32 s1, s13  }
0x183: {  	s1 =	sadd.s32 s1, s2;
	v55 =	vld [tilespmem:s13+$0x180]  }
0x184: {  	v56 =	vld [tilespmem:s1+$0x0]  }
0x185: {  	s24 =	simm.s32 $0x20  }
0x186: {  	s16 =	sand.u32 $0x70, s24;
	s2 =	simm.s32 $0x100;
	s13 =	simm.s32 $0x80  }
0x187: {  	s1 =	sand.u32 $0x3FFFFC00, s2;
	s2 =	sand.u32 $0x3FFFFE00, s13  }
0x188: {  	s1 =	sadd.s32 s1, s19;
	s2 =	sor.u32 s16, s2  }
0x189: {  	s1 =	sadd.s32 s16, s1;
	v54 =	vld [tilespmem:s2+$0x180];
	vm10 =	veq.s32 v55, $0x3;
	vm9 =	veq.s32 v56, v55  }
0x18a: {  	s13 =	simm.s32 $0x3;
	v55 =	vld [tilespmem:s1+$0x0];
	vm9 =	vmor vm9, vm10  }
.LBB2_21:
0x18b: {  	s1 =	sshll.u32 s13, $0x7  }
0x18c: {  	s2 =	sshll.u32 s13, $0x6;
	s24 =	sadd.s32 $0x10, s24;
	vm8 =	vmand vm8, vm9;
	p3 =	sne.s32 s13, $0x17  }
.Ltmp16:
0x18d: {  	s13 =	sadd.s32 $0x1, s13;
	s16 =	sand.u32 $0x70, s24;
	(pc) =	sbr.rel @p3 .LBB2_21-.Ltmp16, $4  }
0x18e: {  	s1 =	sand.u32 $0x3FFFFC00, s1;
	s2 =	sand.u32 $0x3FFFFE00, s2  }
0x18f: {  	s1 =	sadd.s32 s1, s19;
	s2 =	sor.u32 s16, s2  }
0x190: {  	vm9 =	veq.s32 v55, v54;
	vm10 =	veq.s32 v54, $0x3;
	s1 =	sadd.s32 s16, s1;
	v54 =	vld [tilespmem:s2+$0x180]  }
0x191: {  	vm9 =	vmor vm9, vm10;
	v55 =	vld [tilespmem:s1+$0x0]  }
.Ltmp17:
0x192: {  	_ = 	snop;
	(pc) =	sbr.rel .LBB2_22-.Ltmp17, $1  }
0x193: {  	_ =	sdelay $0x3  }
.LBB2_25:
0x194: {  	s1 =	simm.s32 $0x0  }
0x195: {  	s1 =	sand.u32 $0x3, s1  }
0x196: {  	s2 =	simm.s32 $0x0;
	s1 =	sadd.s32 $0x0, s1  }
0x197: {  	s5 =	sand.u32 $0xFF, s2;
	s13 =	sand.u32 $0xFC, s1  }
0x198: {  	p3 =	por $0x1, $0x1;
	p4 =	sne.s32 s5, s13  }
0x199: {  	p3 =	por !p3, !p4  }
0x19a: {  	v14 =	vmov s8;
	vm0 =	vcmask $0x300;
	s1 =	sshll.u32 s1, $0x18;
	s5 =	simm.s32 $0x1;
	p3 =	por !p3, !p3  }
0x19b: {  	v14 =	vnsel vm0, $0x0, v14;
	vm0 =	vcmask $0x704;
	s1 =	sshra.s32 s1, $0x1A;
	s5 =	simm.s32 @!p3 $0x0  }
0x19c: {  	v14 =	vsel vm0, s6, v14;
	vm0 =	vcmask $0xB08;
	s1 =	ssub.s32 s1, s5  }
0x19d: {  	v14 =	vsel vm0, s0, v14;
	vm0 =	vcmask $0xF0C;
	s15 =	sshll.u32 s1, $0x3  }
0x19e: {  	v14 =	vsel vm0, s30, v14;
	s0 =	sadd.s32 s9, s15  }
0x19f: {  	[tilespmem:$0x10100] =	vst v14;
	s16 =	sshll.u32 s0, $0x2  }
0x1a0: {  	_ =	swait.ge [sflag:s11], $0x4000;
	s1 =	sand.u32 $0xFFFFFE00, s16  }
0x1a1: {  	[sflag:s11] =	ssyncset.done $0x0;
	s0 =	sand.u32 $0x78, s0;
	s1 =	sadd.s32 s1, s12  }
0x1a2: {  	[sflag:s11] =	ssyncadd.s32 $0xFFFFC000;
	s0 =	sadd.s32 s0, s1  }
0x1a3: {  	v14 =	vld.idx.msk [tilespmem:v5+s0+$0x0 ss:$0x1], $0xffff;
	_ =	sdelay $0x4  }
0x1a4: {  	s18 =	sand.u32 $0x2, s2;
	v15 =	vshra.s32 v14, $0xB;
	v16 =	vshll.u32 v14, $0x3  }
0x1a5: {  	v14 =	vand.u32 $0x7F, v14;
	vm0 =	veq.s32 v15, s18;
	v15 =	vand.u32 $0x3C00, v16  }
0x1a6: {  	s0 =	simm.s32 $0x4;
	vm0 =	vmand vm0, vm4;
	v14 =	vor.u32 v15, v14  }
0x1a7: {  	s19 =	sand.u32 $0x38, s0;
	v14 =	vor.u32 v3, v14  }
0x1a8: {  	s22 =	sadd.s32 s9, s19  }
0x1a9: {  	s24 =	sshll.u32 s22, $0x2  }
0x1aa: {  	s5 =	sand.u32 $0xE00, s24  }
0x1ab: {  	s2 =	sand.u32 $0x78, s22;
	s5 =	sadd.s32 s5, s12  }
0x1ac: {  	s2 =	sadd.s32 s2, s5;
	[tilespmem:v14+s25+$0x0] =	vst.idx.msk vm0, v0  }
0x1ad: {  	v14 =	vld.idx.msk [tilespmem:v5+s2+$0x0 ss:$0x1], $0xffff;
	_ =	sdelay $0x3  }
0x1ae: {  	s28 =	simm.s32 $0x2  }
0x1af: {  	s30 =	sand.u32 $0x2, s28;
	s13 =	simm.s32 $0x0;
	v15 =	vshra.s32 v14, $0xB;
	v61 =	vshll.u32 v14, $0x3  }
0x1b0: {  	s5 =	sand.u32 $0x3, s13;
	v14 =	vand.u32 $0x7F, v14;
	vm0 =	veq.s32 v15, s30;
	v15 =	vand.u32 $0x3C00, v61  }
0x1b1: {  	s5 =	sadd.s32 $0x1, s5;
	vm0 =	vmand vm0, vm4;
	v14 =	vor.u32 v15, v14  }
0x1b2: {  	s5 =	sshll.u32 s5, $0x18;
	v14 =	vor.u32 v3, v14  }
0x1b3: {  	s5 =	sshra.s32 s5, $0x1A  }
0x1b4: {  	s5 =	sadd.s32 $0x0, s5  }
0x1b5: {  	s14 =	sshll.u32 s30, $0xB;
	s1 =	sadd.s32 s10, s19;
	s5 =	sshll.u32 s5, $0x3  }
0x1b6: {  	s15 =	sadd.s32 s3, s14;
	s6 =	sshll.u32 s1, $0xA;
	s5 =	sadd.s32 s9, s5  }
0x1b7: {  	s1 =	sadd.s32 s6, s15;
	s16 =	sshll.u32 s5, $0x2;
	[tilespmem:v14+s25+$0x0] =	vst.idx.msk vm0, v4  }
0x1b8: {  	[hbm4b:s1+s7] =	stream.linear.scatter [tilespmem:s25], [sflag:$0x1], $0x4000, $0x38;
	[tilespmem:$0x11410] =	vst v63  }
0x1b9: {  	s18 =	sand.u32 $0xFFFFFE00, s16;
	_ =	swait.ge [sflag:s29], $0x4000  }
0x1ba: {  	s5 =	sand.u32 $0x78, s5;
	s1 =	sadd.s32 s18, s12;
	[sflag:s29] =	ssyncset.done $0x0  }
0x1bb: {  	s1 =	sadd.s32 s5, s1;
	[sflag:s29] =	ssyncadd.s32 $0xFFFFC000  }
0x1bc: {  	v14 =	vld.idx.msk [tilespmem:v5+s1+$0x0 ss:$0x1], $0xffff;
	_ =	sdelay $0x3  }
0x1bd: {  	s19 =	simm.s32 $0x1  }
0x1be: {  	s1 =	sand.u32 $0x3, s19;
	v15 =	vshra.s32 v14, $0xB;
	v62 =	vshll.u32 v14, $0x3  }
0x1bf: {  	v14 =	vand.u32 $0x7F, v14;
	vm0 =	veq.s32 v15, s1;
	v15 =	vand.u32 $0x3C00, v62  }
0x1c0: {  	vm0 =	vmand vm0, vm4;
	v14 =	vor.u32 v15, v14  }
0x1c1: {  	v14 =	vor.u32 v3, v14;
	_ =	sdelay $0x3  }
0x1c2: {  	s22 =	simm.s32 $0x0  }
0x1c3: {  	s1 =	sand.u32 $0x3, s22;
	[tilespmem:v14+s26+$0x0] =	vst.idx.msk vm0, v0  }
0x1c4: {  	s15 =	simm.s32 $0x2;
	s1 =	sadd.s32 $0x2, s1;
	v14 =	vld.idx.msk [tilespmem:v5+s2+$0x0 ss:$0x1], $0xffff  }
0x1c5: {  	s24 =	sand.u32 $0xFF, s15;
	s28 =	sand.u32 $0xFC, s1  }
0x1c6: {  	p5 =	por $0x0, $0x0;
	p6 =	sne.s32 s24, s28  }
0x1c7: {  	p3 =	por !p5, !p6  }
0x1c8: {  	s1 =	sshll.u32 s1, $0x18;
	p3 =	por !p3, !p3;
	s2 =	simm.s32 $0x1  }
0x1c9: {  	s8 =	sor.u32 $0x1, s30;
	s1 =	sshra.s32 s1, $0x1A;
	s2 =	simm.s32 @!p3 $0x0;
	v15 =	vshll.u32 v14, $0x3;
	v63 =	vshra.s32 v14, $0xB  }
0x1ca: {  	s30 =	sshll.u32 s8, $0xB;
	s1 =	ssub.s32 s1, s2;
	v14 =	vand.u32 $0x7F, v14;
	v15 =	vand.u32 $0x3C00, v15;
	vm0 =	veq.s32 v63, s8  }
0x1cb: {  	s13 =	sadd.s32 s3, s30;
	s5 =	simm.s32 $0x4;
	s1 =	sshll.u32 s1, $0x3;
	v14 =	vor.u32 v15, v14;
	vm0 =	vmand vm0, vm4  }
0x1cc: {  	s19 =	simm.s32 $0x6;
	s18 =	sadd.s32 s9, s1;
	s8 =	simm.s32 $0x2;
	v14 =	vor.u32 v3, v14  }
.LBB2_26:
0x1cd: {  	s1 =	sshll.u32 s18, $0x2  }
0x1ce: {  	s0 =	sadd.s32 $0x4, s0;
	s22 =	smov.u32 s19;
	s14 =	sadd.s32 $0x2, s19  }
0x1cf: {  	p3 =	sne.s32 s19, $0x16;
	s2 =	sadd.s32 s6, s13;
	s1 =	sand.u32 $0xFFFFFE00, s1  }
0x1d0: {  	s1 =	sadd.s32 s1, s12  }
0x1d1: {  	[tilespmem:v14+s26+$0x0] =	vst.idx.msk vm0, v4  }
0x1d2: {  	[hbm4b:s2+s7] =	stream.linear.scatter [tilespmem:s26], [sflag:$0x2], $0x4000, $0x38;
	[tilespmem:$0x11410] =	vst v63  }
0x1d3: {  	s2 =	sand.u32 $0x78, s18;
	_ =	swait.ge [sflag:s11], $0x4000  }
0x1d4: {  	s1 =	sadd.s32 s2, s1;
	[sflag:s11] =	ssyncset.done $0x0  }
0x1d5: {  	[sflag:s11] =	ssyncadd.s32 $0xFFFFC000  }
0x1d6: {  	v14 =	vld.idx.msk [tilespmem:v5+s1+$0x0 ss:$0x1], $0xffff;
	_ =	sdelay $0x4  }
0x1d7: {  	s1 =	sand.u32 $0x2, s15  }
0x1d8: {  	v15 =	vshra.s32 v14, $0xB;
	v16 =	vand.u32 $0x7F, v14;
	v14 =	vshll.u32 v14, $0x3  }
0x1d9: {  	vm0 =	veq.s32 v15, s1;
	v14 =	vand.u32 $0x3C00, v14  }
0x1da: {  	s1 =	sand.u32 $0x38, s0;
	vm0 =	vmand vm0, vm4;
	v14 =	vor.u32 v14, v16  }
0x1db: {  	s2 =	sadd.s32 s9, s1;
	s1 =	sadd.s32 s10, s1;
	v14 =	vor.u32 v3, v14  }
0x1dc: {  	s13 =	sshll.u32 s2, $0x2;
	s6 =	sshll.u32 s1, $0xA  }
0x1dd: {  	s1 =	sand.u32 $0xE00, s13  }
0x1de: {  	s2 =	sand.u32 $0x78, s2;
	s1 =	sadd.s32 s1, s12  }
0x1df: {  	s19 =	sadd.s32 s2, s1  }
0x1e0: {  	[tilespmem:v14+s25+$0x0] =	vst.idx.msk vm0, v0  }
0x1e1: {  	v14 =	vld.idx.msk [tilespmem:v5+s19+$0x0 ss:$0x1], $0xffff;
	_ =	sdelay $0x3  }
0x1e2: {  	s1 =	sadd.s32 $0xFFFFFFFF, s5  }
0x1e3: {  	s2 =	sshll.u32 s1, $0x18  }
0x1e4: {  	s18 =	sand.u32 $0x2, s5;
	s5 =	smov.u32 s22;
	s2 =	sshra.s32 s2, $0x1F;
	v15 =	vshra.s32 v14, $0xB;
	v16 =	vand.u32 $0x7F, v14;
	v14 =	vshll.u32 v14, $0x3  }
0x1e5: {  	s13 =	sshll.u32 s18, $0xB;
	s2 =	sand.u32 $0x3, s2;
	vm0 =	veq.s32 v15, s18;
	v14 =	vand.u32 $0x3C00, v14  }
0x1e6: {  	s2 =	sadd.s32 s2, s1;
	vm0 =	vmand vm0, vm4;
	v14 =	vor.u32 v14, v16  }
0x1e7: {  	s2 =	sshll.u32 s2, $0x18;
	v14 =	vor.u32 v3, v14  }
0x1e8: {  	s15 =	sshra.s32 s1, $0x1F;
	s2 =	sshra.s32 s2, $0x1A  }
0x1e9: {  	s2 =	sadd.s32 s2, s15  }
0x1ea: {  	s13 =	sadd.s32 s3, s13;
	s2 =	sshll.u32 s2, $0x3  }
0x1eb: {  	s13 =	sadd.s32 s6, s13;
	s2 =	sadd.s32 s9, s2  }
0x1ec: {  	s15 =	sshll.u32 s2, $0x2;
	[tilespmem:v14+s25+$0x0] =	vst.idx.msk vm0, v4  }
0x1ed: {  	[hbm4b:s13+s7] =	stream.linear.scatter [tilespmem:s25], [sflag:$0x1], $0x4000, $0x38;
	[tilespmem:$0x11410] =	vst v63  }
0x1ee: {  	s2 =	sand.u32 $0x78, s2;
	s13 =	sand.u32 $0xFFFFFE00, s15;
	_ =	swait.ge [sflag:s29], $0x4000  }
0x1ef: {  	s13 =	sadd.s32 s13, s12;
	[sflag:s29] =	ssyncset.done $0x0  }
0x1f0: {  	s2 =	sadd.s32 s2, s13;
	[sflag:s29] =	ssyncadd.s32 $0xFFFFC000  }
0x1f1: {  	v14 =	vld.idx.msk [tilespmem:v5+s2+$0x0 ss:$0x1], $0xffff;
	_ =	sdelay $0x4  }
0x1f2: {  	s1 =	sand.u32 $0x3, s1  }
0x1f3: {  	v15 =	vshra.s32 v14, $0xB;
	v16 =	vand.u32 $0x7F, v14;
	v14 =	vshll.u32 v14, $0x3  }
0x1f4: {  	vm0 =	veq.s32 v15, s1;
	v14 =	vand.u32 $0x3C00, v14  }
0x1f5: {  	vm0 =	vmand vm0, vm4;
	v14 =	vor.u32 v14, v16  }
0x1f6: {  	v14 =	vor.u32 v3, v14;
	_ =	sdelay $0x3  }
0x1f7: {  	s15 =	sadd.s32 $0xFFFFFFFE, s5  }
0x1f8: {  	s1 =	sshll.u32 s15, $0x18;
	[tilespmem:v14+s26+$0x0] =	vst.idx.msk vm0, v0  }
0x1f9: {  	s1 =	sshra.s32 s1, $0x1F;
	v14 =	vld.idx.msk [tilespmem:v5+s19+$0x0 ss:$0x1], $0xffff  }
0x1fa: {  	s1 =	sand.u32 $0x3, s1  }
0x1fb: {  	s8 =	sadd.s32 $0x1, s8;
	s1 =	sadd.s32 s1, s15  }
0x1fc: {  	s2 =	sand.u32 $0xFF, s15;
	s13 =	sshll.u32 s1, $0x18;
	s1 =	sand.u32 $0xFC, s1  }
0x1fd: {  	p4 =	slt.u32 s8, $0x2;
	p5 =	sne.s32 s2, s1  }
0x1fe: {  	s1 =	sor.u32 $0x1, s18;
	s18 =	simm.s32 $0x1;
	p4 =	por !p4, !p5  }
.Ltmp18:
0x1ff: {  	s2 =	sshll.u32 s1, $0xB;
	p4 =	por !p4, !p4;
	v15 =	vshra.s32 v14, $0xB;
	v16 =	vand.u32 $0x7F, v14;
	v14 =	vshll.u32 v14, $0x3;
	(pc) =	sbr.rel @p3 .LBB2_26-.Ltmp18, $4  }
0x200: {  	s16 =	sshra.s32 s13, $0x1A;
	s13 =	sadd.s32 s3, s2;
	s18 =	simm.s32 @!p4 $0x0;
	vm0 =	veq.s32 v15, s1;
	v14 =	vand.u32 $0x3C00, v14  }
0x201: {  	s1 =	ssub.s32 s16, s18;
	vm0 =	vmand vm0, vm4;
	v14 =	vor.u32 v14, v16  }
0x202: {  	s1 =	sshll.u32 s1, $0x3;
	v14 =	vor.u32 v3, v14  }
0x203: {  	s19 =	smov.u32 s14;
	s18 =	sadd.s32 s9, s1  }
0x204: {  	_ =	sdelay $0x4  }
0x205: {  	s1 =	sshll.u32 s18, $0x2;
	s2 =	sadd.s32 s6, s13;
	[tilespmem:v14+s26+$0x0] =	vst.idx.msk vm0, v4  }
0x206: {  	[hbm4b:s2+s7] =	stream.linear.scatter [tilespmem:s26], [sflag:$0x2], $0x4000, $0x38;
	[tilespmem:$0x11410] =	vst v63  }
0x207: {  	s1 =	sand.u32 $0xFFFFFE00, s1;
	_ =	swait.ge [sflag:s11], $0x4000  }
0x208: {  	s14 =	sand.u32 $0x78, s18;
	s1 =	sadd.s32 s1, s12;
	[sflag:s11] =	ssyncset.done $0x0  }
0x209: {  	s1 =	sadd.s32 s14, s1;
	[sflag:s11] =	ssyncadd.s32 $0xFFFFC000  }
0x20a: {  	v14 =	vld.idx.msk [tilespmem:v5+s1+$0x0 ss:$0x1], $0xffff;
	_ =	sdelay $0x4  }
0x20b: {  	s15 =	sand.u32 $0x2, s15;
	v15 =	vshra.s32 v14, $0xB;
	v16 =	vshll.u32 v14, $0x3  }
0x20c: {  	v14 =	vand.u32 $0x7F, v14;
	vm10 =	veq.s32 v15, s15;
	v15 =	vand.u32 $0x3C00, v16  }
0x20d: {  	s0 =	sadd.s32 $0x4, s0;
	vm0 =	vmand vm10, vm4;
	v14 =	vor.u32 v15, v14  }
0x20e: {  	s0 =	sand.u32 $0x38, s0;
	v14 =	vor.u32 v3, v14  }
0x20f: {  	s16 =	sadd.s32 s9, s0  }
0x210: {  	s18 =	sshll.u32 s16, $0x2  }
0x211: {  	s2 =	sand.u32 $0xE00, s18  }
0x212: {  	s1 =	sand.u32 $0x78, s16;
	s2 =	sadd.s32 s2, s12  }
0x213: {  	s1 =	sadd.s32 s1, s2;
	[tilespmem:v14+s25+$0x0] =	vst.idx.msk vm0, v0  }
0x214: {  	v14 =	vld.idx.msk [tilespmem:v5+s1+$0x0 ss:$0x1], $0xffff;
	_ =	sdelay $0x2  }
0x215: {  	s19 =	sadd.s32 $0xFFFFFFFF, s5  }
0x216: {  	s22 =	sshll.u32 s19, $0x18  }
0x217: {  	s24 =	sand.u32 $0x2, s5;
	s6 =	sshra.s32 s22, $0x1F;
	v15 =	vshra.s32 v14, $0xB;
	v50 =	vshll.u32 v14, $0x3  }
0x218: {  	s6 =	sand.u32 $0x3, s6;
	v14 =	vand.u32 $0x7F, v14;
	vm11 =	veq.s32 v15, s24;
	v15 =	vand.u32 $0x3C00, v50  }
0x219: {  	s6 =	sadd.s32 s6, s19;
	vm0 =	vmand vm11, vm4;
	v14 =	vor.u32 v15, v14  }
0x21a: {  	s6 =	sshll.u32 s6, $0x18;
	v14 =	vor.u32 v3, v14  }
0x21b: {  	s8 =	sshra.s32 s19, $0x1F;
	s6 =	sshra.s32 s6, $0x1A  }
0x21c: {  	s6 =	sadd.s32 s6, s8  }
0x21d: {  	s28 =	sshll.u32 s24, $0xB;
	s0 =	sadd.s32 s10, s0;
	s6 =	sshll.u32 s6, $0x3  }
0x21e: {  	s0 =	sshll.u32 s0, $0xA;
	s8 =	sadd.s32 s3, s28;
	s6 =	sadd.s32 s9, s6  }
0x21f: {  	s8 =	sadd.s32 s0, s8;
	s30 =	sshll.u32 s6, $0x2;
	[tilespmem:v14+s25+$0x0] =	vst.idx.msk vm0, v4  }
0x220: {  	[hbm4b:s8+s7] =	stream.linear.scatter [tilespmem:s25], [sflag:$0x1], $0x4000, $0x38;
	[tilespmem:$0x11410] =	vst v63  }
0x221: {  	s14 =	sand.u32 $0xFFFFFE00, s30;
	_ =	swait.ge [sflag:s29], $0x4000  }
0x222: {  	s6 =	sand.u32 $0x78, s6;
	s8 =	sadd.s32 s14, s12;
	[sflag:s29] =	ssyncset.done $0x0  }
0x223: {  	s6 =	sadd.s32 s6, s8;
	[sflag:s29] =	ssyncadd.s32 $0xFFFFC000  }
0x224: {  	v14 =	vld.idx.msk [tilespmem:v5+s6+$0x0 ss:$0x1], $0xffff;
	_ =	sdelay $0x4  }
0x225: {  	s2 =	sand.u32 $0x3, s19;
	v15 =	vshra.s32 v14, $0xB;
	v51 =	vshll.u32 v14, $0x3  }
0x226: {  	v14 =	vand.u32 $0x7F, v14;
	vm12 =	veq.s32 v15, s2;
	v15 =	vand.u32 $0x3C00, v51  }
0x227: {  	vm0 =	vmand vm12, vm4;
	v14 =	vor.u32 v15, v14  }
0x228: {  	v14 =	vor.u32 v3, v14;
	_ =	sdelay $0x4  }
0x229: {  	[tilespmem:v14+s26+$0x0] =	vst.idx.msk vm0, v0  }
0x22a: {  	v14 =	vld.idx.msk [tilespmem:v5+s1+$0x0 ss:$0x1], $0xffff;
	_ =	sdelay $0x4  }
0x22b: {  	s15 =	sor.u32 $0x1, s24;
	v15 =	vshra.s32 v14, $0xB;
	v52 =	vshll.u32 v14, $0x3  }
0x22c: {  	v14 =	vand.u32 $0x7F, v14;
	vm13 =	veq.s32 v15, s15;
	v15 =	vand.u32 $0x3C00, v52  }
0x22d: {  	vm0 =	vmand vm13, vm4;
	v14 =	vor.u32 v15, v14  }
0x22e: {  	v14 =	vor.u32 v3, v14;
	_ =	sdelay $0x2  }
0x22f: {  	s1 =	sshll.u32 s15, $0xB  }
0x230: {  	s1 =	sadd.s32 s3, s1  }
0x231: {  	s0 =	sadd.s32 s0, s1;
	[tilespmem:v14+s26+$0x0] =	vst.idx.msk vm0, v4  }
0x232: {  	[hbm4b:s0+s7] =	stream.linear.scatter [tilespmem:s26], [sflag:$0x2], $0x4000, $0x38;
	[tilespmem:$0x11410] =	vst v63  }
0x233: {  	_ =	swait.ge [sflag:s11], $0x4000  }
0x234: {  	[sflag:s11] =	ssyncset.done $0x0  }
0x235: {  	s16 =	rddreg [dreg:$0xa];
	[sflag:s11] =	ssyncadd.s32 $0xFFFFC000  }
0x236: {  	v14 =	vld [tilespmem:s16+$0x0];
	_ =	sdelay $0x4  }
0x237: {  	v15 =	vand.u32 $0xFFFFF800, v14;
	v53 =	vshll.u32 v14, $0x3  }
0x238: {  	v14 =	vand.u32 $0x7F, v14;
	vm14 =	veq.s32 v15, $0x1000;
	v15 =	vand.u32 $0x3C00, v53  }
0x239: {  	vm0 =	vmand vm14, vm4;
	v14 =	vor.u32 v15, v14  }
0x23a: {  	v14 =	vor.u32 v3, v14;
	_ =	sdelay $0x4  }
0x23b: {  	[tilespmem:v14+s25+$0x0] =	vst.idx.msk vm0, v0  }
0x23c: {  	_ =	swait.ge [sflag:s29], $0x4000  }
0x23d: {  	[sflag:s29] =	ssyncset.done $0x0  }
0x23e: {  	[sflag:s29] =	ssyncadd.s32 $0xFFFFC000  }
0x23f: {  	v14 =	vld [tilespmem:s16+$0x0];
	_ =	sdelay $0x4  }
0x240: {  	v15 =	vand.u32 $0xFFFFF800, v14;
	v54 =	vshll.u32 v14, $0x3  }
0x241: {  	v14 =	vand.u32 $0x7F, v14;
	vm15 =	veq.s32 v15, $0x1800;
	v15 =	vand.u32 $0x3C00, v54  }
0x242: {  	vm0 =	vmand vm15, vm4;
	v14 =	vor.u32 v15, v14  }
0x243: {  	v14 =	vor.u32 v3, v14;
	_ =	sdelay $0x4  }
0x244: {  	s19 =	simm.s32 $0x10000;
	s18 =	rddreg [dreg:$0xb];
	[tilespmem:v14+s26+$0x0] =	vst.idx.msk vm0, v0  }
0x245: {  	[spmem:s18] =	stream.linear.scatter [tilespmem:s19], [sflag:$0x5], $0x100, $0x38;
	[tilespmem:$0x11410] =	vst v63  }
0x246: {  	_ =	swait.ge [sflag:s31], $0x100  }
0x247: {  	[sflag:s31] =	ssyncset.done $0x0  }
0x248: {  	s24 =	simm.s32 $0x10100;
	s22 =	rddreg [dreg:$0xc];
	[sflag:s31] =	ssyncadd.s32 $0xFFFFFF00  }
0x249: {  	[spmem:s22] =	stream.linear.scatter [tilespmem:s24], [sflag:$0x5], $0x10, $0x38;
	[tilespmem:$0x11410] =	vst v63  }
0x24a: {  	_ =	swait.ge [sflag:s31], $0x10  }
0x24b: {  	[sflag:s31] =	ssyncset.done $0x0  }
0x24c: {  	[sflag:s31] =	ssyncadd.s32 $0xFFFFFFF0  }
0x24d: {  	[bflag:$0x0] =	sbarrier.arrive $0xFFFF  }
0x24e: {  	s30 =	simm.s32 $0x11180;
	s28 =	rddreg [dreg:$0x4]  }
0x24f: {  	[tilespmem:s30], [sflag:$0x5] =	stream.linear.gather [spmem:s28], $0x100, $0x38;
	[tilespmem:$0x11410] =	vst v63  }
0x250: {  	_ =	swait.ge [sflag:s31], $0x100  }
0x251: {  	[sflag:s31] =	ssyncset.done $0x0  }
0x252: {  	[sflag:s31] =	ssyncadd.s32 $0xFFFFFF00  }
0x253: {  	v14 =	vld [tilespmem:$0x11180]  }
0x254: {  	v15 =	vld [tilespmem:$0x11190];
	_ =	sdelay $0x1  }
0x255: {  	v55 =	vld [tilespmem:$0x111A0];
	_ =	sdelay $0x1  }
0x256: {  	v17 =	vld [tilespmem:$0x111B0]  }
0x257: {  	v14 =	vadd.f32 v15, v14  }
0x258: {  	v15 =	vld [tilespmem:$0x111C0]  }
0x259: {  	v14 =	vadd.f32 v55, v14  }
0x25a: {  	v56 =	vld [tilespmem:$0x111D0]  }
0x25b: {  	v14 =	vadd.f32 v17, v14  }
0x25c: {  	v57 =	vld [tilespmem:$0x111E0]  }
0x25d: {  	v14 =	vadd.f32 v15, v14  }
0x25e: {  	v15 =	vld [tilespmem:$0x111F0]  }
0x25f: {  	v14 =	vadd.f32 v56, v14  }
0x260: {  	v58 =	vld [tilespmem:$0x11200]  }
0x261: {  	v14 =	vadd.f32 v57, v14  }
0x262: {  	v59 =	vld [tilespmem:$0x11210]  }
0x263: {  	v14 =	vadd.f32 v15, v14  }
0x264: {  	v15 =	vld [tilespmem:$0x11220]  }
0x265: {  	v14 =	vadd.f32 v58, v14  }
0x266: {  	v60 =	vld [tilespmem:$0x11230]  }
0x267: {  	v14 =	vadd.f32 v59, v14  }
0x268: {  	v61 =	vld [tilespmem:$0x11240]  }
0x269: {  	v14 =	vadd.f32 v15, v14  }
0x26a: {  	v15 =	vld [tilespmem:$0x11250]  }
0x26b: {  	v14 =	vadd.f32 v60, v14  }
0x26c: {  	v62 =	vld [tilespmem:$0x11260]  }
0x26d: {  	v14 =	vadd.f32 v61, v14  }
0x26e: {  	v63 =	vld [tilespmem:$0x11270]  }
0x26f: {  	v14 =	vadd.f32 v15, v14;
	_ =	sdelay $0x1  }
0x270: {  	v14 =	vadd.f32 v62, v14;
	_ =	sdelay $0x1  }
0x271: {  	v14 =	vadd.f32 v63, v14;
	_ =	sdelay $0x1  }
0x272: {  	(v2sf) =	vpush v14, $0x3  }
0x273: {  	(v2sf) =	vpush v14, $0x0  }
0x274: {  	(v2sf) =	vpush v14, $0x1  }
0x275: {  	(v2sf) =	vpush v14, $0x2;
	_ =	sdelay $0xb  }
0x276: {  	s0 =	spop (v2sf)  }
0x277: {  	s1 =	spop (v2sf)  }
0x278: {  	s2 =	spop (v2sf);
	s0 =	smov.u32 @p2 s1  }
0x279: {  	s0 =	smov.u32 @p1 s2;
	s1 =	spop (v2sf)  }
0x27a: {  	s0 =	smov.u32 @p0 s1  }
0x27b: {  	p3 =	sgt.f32 s0, $0.0e+00  }
.Ltmp19:
0x27c: {  	_ = 	snop;
	(pc) =	sbr.rel @!p3 .LBB2_34-.Ltmp19, $3  }
0x27d: {  	_ =	sdelay $0x1  }
0x27e: {  	s19 =	rddreg [dreg:$0x7]  }
0x27f: {  	s16 =	rddreg [dreg:$0x1];
	[tilespmem:$0x11280] =	vst v14  }
0x280: {  	v14 =	vmov s0  }
0x281: {  	(erf) = vrcp.f32 v14;
	_ =	sdelay $0x7  }
0x282: {  	s30 =	rddreg [dreg:$0x3];
	s1 =	simm.s32 $0x10180  }
0x283: {  	[tilespmem:s1], [sflag:$0x5] =	stream.linear.gather [spmem:s30], $0x1000, $0x38;
	v14 =	vpop (erf);
	[tilespmem:$0x11410] =	vst v63  }
0x284: {  	_ =	swait.ge [sflag:s31], $0x1000  }
0x285: {  	[sflag:s31] =	ssyncset.done $0x0  }
0x286: {  	s0 =	simm.s32 $0x0;
	s5 =	simm.s32 $0x0;
	[sflag:s31] =	ssyncadd.s32 $0xFFFFF000  }
.LBB2_29:
0x287: {  	s1 =	sand.u32 $0x70, s0;
	s2 =	sand.u32 $0x3C00, s0  }
0x288: {  	s6 =	sor.u32 s1, s2  }
0x289: {  	[tilespmem:s6+$0x8080] =	vst v0  }
0x28a: {  	[tilespmem:s6+$0x8100] =	vst v0  }
0x28b: {  	s13 =	sand.u32 $0x7, s0;
	[tilespmem:s6+$0x8180] =	vst v0  }
0x28c: {  	s14 =	simm.s32 $0x10;
	s8 =	simm.s32 $0x0;
	s15 =	simm.s32 $0x0;
	[tilespmem:s6+$0x8200] =	vst v0  }
.LBB2_30:
0x28d: {  	p3 =	seq.s32 s14, $0x7F0;
	s1 =	sshll.u32 s13, $0x4;
	[tilespmem:s6+$0x8280] =	vst v0  }
0x28e: {  	s1 =	sadd.s32 s1, s8;
	[tilespmem:s6+$0x8300] =	vst v0;
	s8 =	sadd.s32 $0x80, s8  }
0x28f: {  	s2 =	sand.u32 $0x70, s14;
	s13 =	sand.u32 $0x3C00, s8;
	[tilespmem:s6+$0x8000] =	vst v0;
	s1 =	sor.u32 $0x380, s1  }
.Ltmp20:
0x290: {  	s6 =	sor.u32 s2, s13;
	[tilespmem:s1+$0x8000] =	vst v0;
	(pc) =	sbr.rel @!p3 .LBB2_30-.Ltmp20, $4  }
0x291: {  	[tilespmem:s6+$0x8080] =	vst v0  }
0x292: {  	[tilespmem:s6+$0x8100] =	vst v0  }
0x293: {  	s15 =	sadd.s32 $0x1, s15;
	[tilespmem:s6+$0x8180] =	vst v0  }
0x294: {  	s14 =	sadd.s32 $0x10, s14;
	s13 =	sand.u32 $0x7, s15;
	[tilespmem:s6+$0x8200] =	vst v0  }
0x295: {  	[tilespmem:s6+$0x8280] =	vst v0  }
0x296: {  	s1 =	sshll.u32 s13, $0x4;
	[tilespmem:s6+$0x8300] =	vst v0  }
0x297: {  	[tilespmem:s6+$0x8000] =	vst v0;
	s6 =	sshrl.u32 s5, $0x2;
	s1 =	sadd.s32 s1, s8  }
0x298: {  	s15 =	sshll.u32 s6, $0x3;
	s1 =	sor.u32 $0x380, s1  }
0x299: {  	[tilespmem:s1+$0x8000] =	vst v0;
	s1 =	sadd.s32 s9, s15  }
0x29a: {  	v15 =	vmov s1;
	s2 =	sor.u32 $0x1, s1  }
0x29b: {  	s18 =	sor.u32 $0x2, s1;
	s22 =	sor.u32 $0x3, s1;
	s28 =	sor.u32 $0x5, s1;
	v16 =	vshll.u32 v15, $0x3;
	v15 =	vand.u32 $0x78, v15;
	v17 =	vmov s2  }
0x29c: {  	s24 =	sor.u32 $0x4, s1;
	s30 =	sor.u32 $0x6, s1;
	s1 =	sor.u32 $0x7, s1;
	v19 =	vmov s18;
	v21 =	vmov s22;
	v22 =	vmov s28  }
0x29d: {  	v24 =	vmov s30;
	v63 =	vmov s1;
	v16 =	vand.u32 $0x7FFFFC00, v16  }
0x29e: {  	v18 =	vshll.u32 v17, $0x3;
	v17 =	vand.u32 $0x79, v17;
	v20 =	vshll.u32 v19, $0x3  }
0x29f: {  	v19 =	vand.u32 $0x7A, v19;
	v23 =	vshll.u32 v22, $0x3;
	v22 =	vand.u32 $0x7D, v22  }
0x2a0: {  	v15 =	vor.u32 v15, v16;
	v18 =	vand.u32 $0x7FFFFC00, v18;
	v20 =	vand.u32 $0x7FFFFC00, v20  }
0x2a1: {  	v17 =	vor.u32 v17, v18;
	v18 =	vor.u32 v19, v20;
	v19 =	vshll.u32 v21, $0x3  }
0x2a2: {  	s8 =	sand.u32 $0x3, s5;
	v20 =	vand.u32 $0x7B, v21;
	v21 =	vmov s24;
	v19 =	vand.u32 $0x7FFFFC00, v19  }
0x2a3: {  	v16 =	vmov s8;
	v19 =	vor.u32 v20, v19;
	v20 =	vshll.u32 v21, $0x3  }
0x2a4: {  	v23 =	vand.u32 $0x7FFFFC00, v23;
	v21 =	vand.u32 $0x7C, v21;
	v20 =	vand.u32 $0x7FFFFC00, v20  }
0x2a5: {  	v20 =	vor.u32 v21, v20;
	v21 =	vor.u32 v22, v23;
	v22 =	vshll.u32 v24, $0x3  }
0x2a6: {  	v15 =	vadd.s32 v6, v15;
	v23 =	vand.u32 $0x7E, v24;
	v22 =	vand.u32 $0x7FFFFC00, v22  }
0x2a7: {  	v17 =	vadd.s32 v6, v17;
	v22 =	vor.u32 v23, v22;
	v23 =	vshll.u32 v63, $0x3  }
0x2a8: {  	v18 =	vadd.s32 v6, v18;
	v24 =	vand.u32 $0x7F, v63;
	v23 =	vand.u32 $0x7FFFFC00, v23  }
0x2a9: {  	v19 =	vadd.s32 v6, v19;
	v20 =	vadd.s32 v6, v20;
	v23 =	vor.u32 v24, v23  }
0x2aa: {  	s14 =	simm.s32 $0x0;
	s15 =	smov.u32 s16;
	s18 =	simm.s32 $0x0;
	v21 =	vadd.s32 v6, v21;
	v22 =	vadd.s32 v6, v22;
	v23 =	vadd.s32 v6, v23  }
.LBB2_32:
0x2ab: {  	[tilespmem:s4], [sflag:$0x5] =	stream.linear.gather [hbm4b:s15+s7], $0x1800, $0x38;
	[tilespmem:$0x11410] =	vst v63  }
0x2ac: {  	s1 =	sand.u32 $0xF00, s14  }
0x2ad: {  	_ =	swait.ge [sflag:s31], $0x1800;
	s1 =	sadd.s32 s17, s1  }
0x2ae: {  	[sflag:s31] =	ssyncset.done $0x0;
	s1 =	sand.u32 $0xFFFFFF80, s1  }
0x2af: {  	s2 =	sand.u32 $0x30, s18;
	[sflag:s31] =	ssyncadd.s32 $0xFFFFE800;
	s1 =	sadd.s32 s1, s20  }
0x2b0: {  	s1 =	sadd.s32 s2, s1;
	v24 =	vld.idx.msk [tilespmem:v15+s4+$0x0], $0xffff  }
0x2b1: {  	v25 =	vld [tilespmem:s1+$0x0];
	_ =	sdelay $0x3  }
0x2b2: {  	v26 =	vshra.s32 v24, $0xB  }
0x2b3: {  	v42 =	vshll.u32 v24, $0x3;
	vm0 =	vgt.f32 v25, $5.000000000e-01;
	vm1 =	veq.s32 v26, v16  }
0x2b4: {  	v24 =	vand.u32 $0x7F, v24;
	v25 =	vand.u32 $0x3C00, v42;
	vm1 =	vmand vm0, vm1  }
0x2b5: {  	v24 =	vor.u32 v24, v25;
	_ =	sdelay $0x4  }
0x2b6: {  	[tilespmem:v24+s25+$0x0] =	vst.idx.add.f32.msk vm1, v14  }
0x2b7: {  	v24 =	vld.idx.msk [tilespmem:v17+s4+$0x0], $0xffff;
	_ =	sdelay $0x4  }
0x2b8: {  	v43 =	vshra.s32 v24, $0xB;
	v44 =	vshll.u32 v24, $0x3  }
0x2b9: {  	v24 =	vand.u32 $0x7F, v24;
	vm9 =	veq.s32 v43, v16;
	v45 =	vand.u32 $0x3C00, v44  }
0x2ba: {  	vm1 =	vmand vm0, vm9;
	v24 =	vor.u32 v45, v24  }
0x2bb: {  	v24 =	vor.u32 $0x80, v24;
	_ =	sdelay $0x4  }
0x2bc: {  	[tilespmem:v24+s25+$0x0] =	vst.idx.add.f32.msk vm1, v14  }
0x2bd: {  	v24 =	vld.idx.msk [tilespmem:v18+s4+$0x0], $0xffff;
	_ =	sdelay $0x4  }
0x2be: {  	v46 =	vshra.s32 v24, $0xB;
	v47 =	vshll.u32 v24, $0x3  }
0x2bf: {  	v24 =	vand.u32 $0x7F, v24;
	vm10 =	veq.s32 v46, v16;
	v48 =	vand.u32 $0x3C00, v47  }
0x2c0: {  	vm1 =	vmand vm0, vm10;
	v24 =	vor.u32 v48, v24  }
0x2c1: {  	v24 =	vor.u32 $0x100, v24;
	_ =	sdelay $0x4  }
0x2c2: {  	[tilespmem:v24+s25+$0x0] =	vst.idx.add.f32.msk vm1, v14  }
0x2c3: {  	v24 =	vld.idx.msk [tilespmem:v19+s4+$0x0], $0xffff;
	_ =	sdelay $0x4  }
0x2c4: {  	v49 =	vshra.s32 v24, $0xB;
	v50 =	vshll.u32 v24, $0x3  }
0x2c5: {  	v24 =	vand.u32 $0x7F, v24;
	vm11 =	veq.s32 v49, v16;
	v51 =	vand.u32 $0x3C00, v50  }
0x2c6: {  	vm1 =	vmand vm0, vm11;
	v24 =	vor.u32 v51, v24  }
0x2c7: {  	v24 =	vor.u32 $0x180, v24;
	_ =	sdelay $0x4  }
0x2c8: {  	[tilespmem:v24+s25+$0x0] =	vst.idx.add.f32.msk vm1, v14  }
0x2c9: {  	v24 =	vld.idx.msk [tilespmem:v20+s4+$0x0], $0xffff;
	_ =	sdelay $0x4  }
0x2ca: {  	v52 =	vshra.s32 v24, $0xB;
	v53 =	vshll.u32 v24, $0x3  }
0x2cb: {  	v24 =	vand.u32 $0x7F, v24;
	vm12 =	veq.s32 v52, v16;
	v54 =	vand.u32 $0x3C00, v53  }
0x2cc: {  	vm1 =	vmand vm0, vm12;
	v24 =	vor.u32 v54, v24  }
0x2cd: {  	v24 =	vor.u32 $0x200, v24;
	_ =	sdelay $0x4  }
0x2ce: {  	[tilespmem:v24+s25+$0x0] =	vst.idx.add.f32.msk vm1, v14  }
0x2cf: {  	v24 =	vld.idx.msk [tilespmem:v21+s4+$0x0], $0xffff;
	_ =	sdelay $0x4  }
0x2d0: {  	v55 =	vshra.s32 v24, $0xB;
	v56 =	vshll.u32 v24, $0x3  }
0x2d1: {  	v24 =	vand.u32 $0x7F, v24;
	vm13 =	veq.s32 v55, v16;
	v57 =	vand.u32 $0x3C00, v56  }
0x2d2: {  	vm1 =	vmand vm0, vm13;
	v24 =	vor.u32 v57, v24  }
0x2d3: {  	v24 =	vor.u32 $0x280, v24;
	_ =	sdelay $0x4  }
0x2d4: {  	[tilespmem:v24+s25+$0x0] =	vst.idx.add.f32.msk vm1, v14  }
0x2d5: {  	v24 =	vld.idx.msk [tilespmem:v22+s4+$0x0], $0xffff;
	_ =	sdelay $0x4  }
0x2d6: {  	v58 =	vshra.s32 v24, $0xB;
	v59 =	vshll.u32 v24, $0x3  }
0x2d7: {  	v24 =	vand.u32 $0x7F, v24;
	vm14 =	veq.s32 v58, v16;
	v60 =	vand.u32 $0x3C00, v59  }
0x2d8: {  	vm1 =	vmand vm0, vm14;
	v24 =	vor.u32 v60, v24  }
0x2d9: {  	v24 =	vor.u32 $0x300, v24;
	_ =	sdelay $0x4  }
0x2da: {  	[tilespmem:v24+s25+$0x0] =	vst.idx.add.f32.msk vm1, v14  }
0x2db: {  	v24 =	vld.idx.msk [tilespmem:v23+s4+$0x0], $0xffff;
	_ =	sdelay $0x4  }
0x2dc: {  	v61 =	vshra.s32 v24, $0xB;
	v62 =	vshll.u32 v24, $0x3  }
0x2dd: {  	v24 =	vand.u32 $0x7F, v24;
	vm15 =	veq.s32 v61, v16;
	v63 =	vand.u32 $0x3C00, v62  }
0x2de: {  	vm0 =	vmand vm0, vm15;
	v24 =	vor.u32 v63, v24  }
0x2df: {  	p3 =	sne.s32 s18, $0x3F0;
	v24 =	vor.u32 $0x380, v24  }
.Ltmp21:
0x2e0: {  	_ = 	snop;
	(pc) =	sbr.rel @p3 .LBB2_32-.Ltmp21, $2  }
0x2e1: {  	_ =	sdelay $0x2  }
0x2e2: {  	s15 =	sadd.s32 $0x300, s15;
	s14 =	sadd.s32 $0x40, s14;
	s18 =	sadd.s32 $0x10, s18;
	[tilespmem:v24+s25+$0x0] =	vst.idx.add.f32.msk vm0, v14  }
0x2e3: {  	s1 =	sadd.s32 s21, s6;
	s2 =	sshll.u32 s8, $0xB  }
0x2e4: {  	s5 =	sadd.s32 $0x1, s5;
	s1 =	sshll.u32 s1, $0xD;
	s2 =	sadd.s32 s3, s2  }
0x2e5: {  	p3 =	sne.s32 s5, $0x18;
	s1 =	sadd.s32 s1, s2  }
0x2e6: {  	[hbm4b:s1+s7] =	stream.linear.scatter [tilespmem:s25], [sflag:$0x5], $0x4000, $0x38;
	[tilespmem:$0x11410] =	vst v63  }
.Ltmp22:
0x2e7: {  	_ = 	snop;
	(pc) =	sbr.rel @p3 .LBB2_29-.Ltmp22, $4  }
.Ltmp23:
0x2e8: {  	_ = 	snop;
	(pc) =	sbr.rel @!p3 .LBB2_34-.Ltmp23, $4  }
0x2e9: {  	_ =	swait.ge [sflag:s31], $0x4000  }
0x2ea: {  	[sflag:s31] =	ssyncset.done $0x0  }
0x2eb: {  	[sflag:s31] =	ssyncadd.s32 $0xFFFFC000  }
0x2ec: {  	_ = 	snop  }
.LBB2_35:
0x2ed: {  	_ =	sfence.sel $0x180000  }
0x2ee: {  	[bflag:$0x0] =	sbarrier.arrive $0xFFFF  }
0x2ef: {  	_ =	strace $0x90000047  }
0x2f0: {  	s0 =	stileid.u32;
	[bflag:$0x2] =	sbarrier.arrive $0xFFFF  }
0x2f1: {  	p0 =	sne.s32 s0, $0x0;
	s0 =	rddreg [dreg:$0x5]  }
0x2f2: {  	s0 =	sadd.s32 @!p0 $0x100000, s0  }
0x2f3: {  	[sflag:s0] =	ssyncadd.tile.s32 @!p0 $0x1;
	_ =	shalt  }
.Lfunc_end2:
_tile_overlayer_lowered:
.L_overlay_start_2:
0x2f4: {  	(tag) =	ssettag $0x2  }
0x2f5: {  	s0 =	rddreg [dreg:$0x0];
	s2 =	stileid.u32  }
0x2f6: {  	s1 =	rddreg [dreg:$0x1];
	p0 =	sne.s32 s2, $0x0  }
0x2f7: {  	s3 =	rddreg [dreg:$0x2];
	[bflag:$0x3] =	sbarrier.arrive $0xFFFF;
	s2 =	simm.s32 @!p0 $0x1C05  }
0x2f8: {  	[timem:s3], [sflag:s2] =	dma.local @!p0 [hbm:s0], s1  }
0x2f9: {  	s0 =	simm.s32 @!p0 $0x5  }
0x2fa: {  	_ =	swait.ge @!p0 [sflag:s0], s1  }
0x2fb: {  	s1 =	ssub.s32 @!p0 $0x0, s1;
	[sflag:s0] =	ssyncset.done @!p0 $0x0  }
0x2fc: {  	[sflag:s0] =	ssyncadd.s32 @!p0 s1  }
0x2fd: {  	[bflag:$0x3] =	sbarrier.arrive $0xFFFF  }
0x2fe: {  	_ =	shalt  }

</sc_bundles>
